<compile_context>
chip_gen: v7x
topology: tpu7x:2x2x1
jax: 0.10.2.dev20260603
libtpu: 0.0.44.dev20260713+nightly
codegen_flags: <defaults>
</compile_context>

<pallas_src>
import functools

import jax
import jax.numpy as jnp
from jax import lax
from jax.experimental import pallas as pl
from jax.experimental.pallas import tpu as pltpu
from jax.experimental.pallas import tpu_sc as plsc

N_TOKENS = 32768
NUM_CODES = 512
LATENT_DIM = 384
BETA = 0.25

TILE = 1024
GRID = N_TOKENS // TILE

NC, NS = 2, 16
NW = NC * NS
ROWS_PER_W = N_TOKENS // NW
CHUNK = 64
N_CHUNKS = ROWS_PER_W // CHUNK
NBUF = 4


def _tc_body(z_ref, wn_ref, wsq_ref, nrm_ref, idx_ref, loss_ref, acc_ref):
    i = pl.program_id(0)

    @pl.when(i == 0)
    def _():
        acc_ref[0] = 0.0

    wn = wn_ref[...]
    zn = z_ref[...] / jnp.maximum(nrm_ref[0, 0, :][:, None], 1e-12)
    znsq = jnp.sum(zn * zn, axis=1, keepdims=True)

    s = lax.dot_general(zn, wn, (((1,), (1,)), ((), ())),
                        preferred_element_type=jnp.float32)
    d = (znsq + wsq_ref[...]) - 2.0 * s

    m = jnp.min(d, axis=1)
    jidx = lax.broadcasted_iota(
        jnp.int32, (TILE, NUM_CODES), 1).astype(jnp.float32)
    cand = jnp.where(d == m[:, None], jidx, float(NUM_CODES))
    idx_ref[0, 0, :] = jnp.min(cand, axis=1).astype(jnp.int32)

    acc_ref[0] += jnp.sum(m)

    @pl.when(i == GRID - 1)
    def _():
        scale = (1.0 + BETA) / (N_TOKENS * LATENT_DIM)
        loss_ref[...] = jnp.broadcast_to(acc_ref[0] * scale, (1, 1))


_tc_call = pl.pallas_call(
    _tc_body,
    grid=(GRID,),
    in_specs=[
        pl.BlockSpec((TILE, LATENT_DIM), lambda i: (i, 0)),
        pl.BlockSpec((NUM_CODES, LATENT_DIM), lambda i: (0, 0)),
        pl.BlockSpec((1, NUM_CODES), lambda i: (0, 0)),
        pl.BlockSpec((1, 1, TILE), lambda i: (i, 0, 0)),
    ],
    out_specs=[
        pl.BlockSpec((1, 1, TILE), lambda i: (i, 0, 0)),
        pl.BlockSpec((1, 1), lambda i: (0, 0)),
    ],
    out_shape=[
        jax.ShapeDtypeStruct((GRID, 1, TILE), jnp.int32),
        jax.ShapeDtypeStruct((1, 1), jnp.float32),
    ],
    scratch_shapes=[
        pltpu.SMEM((1,), jnp.float32),
    ],
)


@functools.partial(
    pl.kernel,
    mesh=plsc.VectorSubcoreMesh(core_axis_name="c", subcore_axis_name="s"),
    out_type=jax.ShapeDtypeStruct((N_TOKENS, LATENT_DIM), jnp.float32),
    scratch_types=[
        pltpu.VMEM((N_CHUNKS, CHUNK), jnp.int32),
        pltpu.VMEM((NBUF, CHUNK, LATENT_DIM), jnp.float32),
        pltpu.SemaphoreType.DMA,
        pltpu.SemaphoreType.DMA,
        pltpu.SemaphoreType.DMA,
        pltpu.SemaphoreType.DMA,
        pltpu.SemaphoreType.DMA,
        pltpu.SemaphoreType.DMA,
        pltpu.SemaphoreType.DMA,
        pltpu.SemaphoreType.DMA,
    ],
)
def _sc_gather(table_hbm, idx_hbm, out_hbm, idx_v, rows_v, sem_g0, sem_g1,
               sem_g2, sem_g3, sem_s0, sem_s1, sem_s2, sem_s3):
    wid = lax.axis_index("s") * NC + lax.axis_index("c")
    pltpu.sync_copy(idx_hbm.at[pl.ds(wid * N_CHUNKS, N_CHUNKS)], idx_v)
    base = wid * ROWS_PER_W
    sem_g = (sem_g0, sem_g1, sem_g2, sem_g3)
    sem_s = (sem_s0, sem_s1, sem_s2, sem_s3)
    scat = [None] * NBUF
    gath = [None] * NBUF
    for c in range(2):
        gath[c] = pltpu.async_copy(
            table_hbm.at[idx_v.at[c]], rows_v.at[c], sem_g[c])
    for c in range(N_CHUNKS):
        b = c % NBUF
        gath[b].wait()
        nxt = c + 2
        if nxt < N_CHUNKS:
            nb = nxt % NBUF
            if scat[nb] is not None:
                scat[nb].wait()
            gath[nb] = pltpu.async_copy(
                table_hbm.at[idx_v.at[nxt]], rows_v.at[nb], sem_g[nb])
        scat[b] = pltpu.async_copy(
            rows_v.at[b], out_hbm.at[pl.ds(base + c * CHUNK, CHUNK)],
            sem_s[b])
    for b in range(NBUF):
        if scat[b] is not None:
            scat[b].wait()


def kernel(z, weight):
    wn = weight / jnp.maximum(
        jnp.linalg.norm(weight, axis=1, keepdims=True), 1e-12)
    wsq = jnp.sum(wn ** 2, axis=1)
    nrm = jnp.linalg.norm(z, axis=-1, keepdims=True)
    idx3, loss = _tc_call(z, wn, wsq[None, :],
                          nrm.reshape(GRID, 1, TILE))
    idx = idx3.reshape(N_TOKENS)
    z_q = _sc_gather(wn, idx3.reshape(N_TOKENS // CHUNK, CHUNK))
    return (z_q, idx, loss[0, 0])

# --- scband reference (transcript-rebuilt; emitter-appended) ---
"""Pipeline reference for scband-codebook-18038862643696 (READ-ONLY COPY).

The authoritative reference and input builder live on the scoring server;
editing this copy changes nothing except your own understanding.
"""

import jax, jax.numpy as jnp
import numpy as np

NUM_CODES = 512
LATENT_DIM = 384
BETA = 0.25


def setup_inputs(seed: int = 0) -> dict:
    key = jax.random.key(seed)
    k1, k2 = jax.random.split(key)
    z = jax.random.normal(k1, (32768, LATENT_DIM), dtype=jnp.float32)
    weight = jax.random.normal(k2, (NUM_CODES, LATENT_DIM), dtype=jnp.float32)
    return {"z": z, "weight": weight}


def reference(z, weight):
    # F.normalize(weight, dim=1): row-normalize codebook (eps clamp like torch)
    w = weight / jnp.maximum(jnp.linalg.norm(weight, axis=1, keepdims=True), 1e-12)
    # F.normalize(z, dim=-1)
    zn = z / jnp.maximum(jnp.linalg.norm(z, axis=-1, keepdims=True), 1e-12)
    # squared L2 distances to every code
    d = (jnp.sum(zn ** 2, axis=1, keepdims=True)
         + jnp.sum(w ** 2, axis=1)
         - 2.0 * jnp.matmul(zn, w.T))
    min_encoding_indices = jnp.argmin(d, axis=1)
    z_q = jnp.take(w, min_encoding_indices, axis=0).reshape(zn.shape)
    sg = jax.lax.stop_gradient
    loss = jnp.mean((sg(z_q) - zn) ** 2) + BETA * jnp.mean((z_q - sg(zn)) ** 2)
    z_q_out = zn + sg(z_q - zn)  # straight-through estimator
    return (z_q_out, min_encoding_indices, loss)

if __name__ == "__main__":
    import jax
    _d = setup_inputs()
    print(jax.jit(kernel)(*tuple(_d.values())))

</pallas_src>

<mosaic_0001>
#map = affine_map<(d0, d1) -> (0, 0)>
module attributes {stable_mosaic.version = 14 : i64} {
  func.func @_sc_gather(%arg0: i32, %arg1: i32, %arg2: memref<512x384xf32, #tpu.memory_space<hbm>>, %arg3: memref<512x64xi32, #tpu.memory_space<hbm>>, %arg4: memref<32768x384xf32, #tpu.memory_space<hbm>>, %arg5: memref<16x64xi32, #tpu.memory_space<vmem>>, %arg6: memref<4x64x384xf32, #tpu.memory_space<vmem>>, %arg7: memref<!tpu.dma_semaphore, #tpu.memory_space<semaphore_mem>>, %arg8: memref<!tpu.dma_semaphore, #tpu.memory_space<semaphore_mem>>, %arg9: memref<!tpu.dma_semaphore, #tpu.memory_space<semaphore_mem>>, %arg10: memref<!tpu.dma_semaphore, #tpu.memory_space<semaphore_mem>>, %arg11: memref<!tpu.dma_semaphore, #tpu.memory_space<semaphore_mem>>, %arg12: memref<!tpu.dma_semaphore, #tpu.memory_space<semaphore_mem>>, %arg13: memref<!tpu.dma_semaphore, #tpu.memory_space<semaphore_mem>>, %arg14: memref<!tpu.dma_semaphore, #tpu.memory_space<semaphore_mem>>) attributes {dimension_semantics = [#tpu.dimension_semantics<core_parallel>, #tpu.dimension_semantics<subcore_parallel>], iteration_bounds = array<i64: 2, 16>, scalar_prefetch = 0 : i64, scratch_operands = 10 : i64, tpu.core_type = #tpu.core_type<sc_vector_subcore>, window_params = [{transform_indices = #map}, {transform_indices = #map}, {transform_indices = #map}]} {
    %mul3A = arith.constant 2 : i32
    %mul3A_0 = arith.muli %arg1, %mul3A : i32
    %add3A = arith.addi %mul3A_0, %arg0 : i32
    %mul3A_1 = arith.constant 16 : i32
    %mul3A_2 = arith.muli %add3A, %mul3A_1 : i32
    "tpu.region"() ({
      %run_scoped3A = tpu.sem_alloc : memref<!tpu.dma_semaphore, #tpu.memory_space<semaphore_mem>>
      %dma_start3A_835 = arith.constant 0 : i32
      %dma_start3A_836 = tpu.memref_slice %arg3[%mul3A_2, %dma_start3A_835] : memref<512x64xi32, #tpu.memory_space<hbm>> -> memref<16x64xi32, #tpu.memory_space<hbm>>
      %dma_start3A_837 = arith.constant 0 : i32
      %dma_start3A_838 = tpu.memref_slice %arg3[%mul3A_2, %dma_start3A_837] : memref<512x64xi32, #tpu.memory_space<hbm>> -> memref<16x64xi32, #tpu.memory_space<hbm>>
      tpu.enqueue_dma source(%dma_start3A_838 : memref<16x64xi32, #tpu.memory_space<hbm>>) target(%arg5 : memref<16x64xi32, #tpu.memory_space<vmem>>) target_semaphore(%run_scoped3A : memref<!tpu.dma_semaphore, #tpu.memory_space<semaphore_mem>>)
      %dma_wait3A_839 = arith.constant 0 : i32
      %dma_wait3A_840 = tpu.memref_slice %arg3[%mul3A_2, %dma_wait3A_839] : memref<512x64xi32, #tpu.memory_space<hbm>> -> memref<16x64xi32, #tpu.memory_space<hbm>>
      %dma_wait3A_841 = arith.constant 0 : i32
      %dma_wait3A_842 = tpu.memref_slice %arg3[%mul3A_2, %dma_wait3A_841] : memref<512x64xi32, #tpu.memory_space<hbm>> -> memref<16x64xi32, #tpu.memory_space<hbm>>
      tpu.wait_dma2 semaphore(%run_scoped3A : memref<!tpu.dma_semaphore, #tpu.memory_space<semaphore_mem>>) src(%dma_wait3A_842 : memref<16x64xi32, #tpu.memory_space<hbm>>) dst(%arg5 : memref<16x64xi32, #tpu.memory_space<vmem>>)
      tpu.yield
    }) : () -> ()
    %mul3A_3 = arith.constant 1024 : i32
    %mul3A_4 = arith.muli %add3A, %mul3A_3 : i32
    %dma_start3A = arith.constant 0 : i32
    %dma_start3A_5 = arith.constant 0 : i32
    %dma_start3A_6 = arith.constant 0 : i32
    %dma_start3A_7 = arith.constant 0 : i32
    %dma_start3A_8 = tpu.memref_slice %arg6[%dma_start3A_5, %dma_start3A_6, %dma_start3A_7] : memref<4x64x384xf32, #tpu.memory_space<vmem>> -> memref<1x64x384xf32, #tpu.memory_space<vmem>>
    %dma_start3A_9 = tpu.memref_squeeze %dma_start3A_8 : memref<1x64x384xf32, #tpu.memory_space<vmem>> -> memref<64x384xf32, #tpu.memory_space<vmem>>
    %dma_start3A_10 = arith.constant 0 : i32
    %dma_start3A_11 = tpu.memref_slice %arg5[%dma_start3A, %dma_start3A_10] : memref<16x64xi32, #tpu.memory_space<vmem>> -> memref<1x64xi32, #tpu.memory_space<vmem>>
    %dma_start3A_12 = tpu.memref_squeeze %dma_start3A_11 : memref<1x64xi32, #tpu.memory_space<vmem>> -> memref<64xi32, #tpu.memory_space<vmem>>
    %dma_start3A_13 = arith.constant 0 : i32
    %dma_start3A_14 = arith.constant 0 : i32
    %dma_start3A_15 = tpu.memref_slice %arg2[%dma_start3A_13, %dma_start3A_14] : memref<512x384xf32, #tpu.memory_space<hbm>> -> memref<512x384xf32, #tpu.memory_space<hbm>>
    tpu.enqueue_indirect_dma source(%dma_start3A_15 : memref<512x384xf32, #tpu.memory_space<hbm>>) target(%dma_start3A_9 : memref<64x384xf32, #tpu.memory_space<vmem>>) offsets(%dma_start3A_12 : memref<64xi32, #tpu.memory_space<vmem>>) semaphore(%arg7 : memref<!tpu.dma_semaphore, #tpu.memory_space<semaphore_mem>>)
    %dma_start3A_16 = arith.constant 1 : i32
    %dma_start3A_17 = arith.constant 1 : i32
    %dma_start3A_18 = arith.constant 0 : i32
    %dma_start3A_19 = arith.constant 0 : i32
    %dma_start3A_20 = tpu.memref_slice %arg6[%dma_start3A_17, %dma_start3A_18, %dma_start3A_19] : memref<4x64x384xf32, #tpu.memory_space<vmem>> -> memref<1x64x384xf32, #tpu.memory_space<vmem>>
    %dma_start3A_21 = tpu.memref_squeeze %dma_start3A_20 : memref<1x64x384xf32, #tpu.memory_space<vmem>> -> memref<64x384xf32, #tpu.memory_space<vmem>>
    %dma_start3A_22 = arith.constant 0 : i32
    %dma_start3A_23 = tpu.memref_slice %arg5[%dma_start3A_16, %dma_start3A_22] : memref<16x64xi32, #tpu.memory_space<vmem>> -> memref<1x64xi32, #tpu.memory_space<vmem>>
    %dma_start3A_24 = tpu.memref_squeeze %dma_start3A_23 : memref<1x64xi32, #tpu.memory_space<vmem>> -> memref<64xi32, #tpu.memory_space<vmem>>
    %dma_start3A_25 = arith.constant 0 : i32
    %dma_start3A_26 = arith.constant 0 : i32
    %dma_start3A_27 = tpu.memref_slice %arg2[%dma_start3A_25, %dma_start3A_26] : memref<512x384xf32, #tpu.memory_space<hbm>> -> memref<512x384xf32, #tpu.memory_space<hbm>>
    tpu.enqueue_indirect_dma source(%dma_start3A_27 : memref<512x384xf32, #tpu.memory_space<hbm>>) target(%dma_start3A_21 : memref<64x384xf32, #tpu.memory_space<vmem>>) offsets(%dma_start3A_24 : memref<64xi32, #tpu.memory_space<vmem>>) semaphore(%arg8 : memref<!tpu.dma_semaphore, #tpu.memory_space<semaphore_mem>>)
    %dma_wait3A = arith.constant 0 : i32
    %dma_wait3A_28 = arith.constant 0 : i32
    %dma_wait3A_29 = arith.constant 0 : i32
    %dma_wait3A_30 = arith.constant 0 : i32
    %dma_wait3A_31 = tpu.memref_slice %arg6[%dma_wait3A_28, %dma_wait3A_29, %dma_wait3A_30] : memref<4x64x384xf32, #tpu.memory_space<vmem>> -> memref<1x64x384xf32, #tpu.memory_space<vmem>>
    %dma_wait3A_32 = tpu.memref_squeeze %dma_wait3A_31 : memref<1x64x384xf32, #tpu.memory_space<vmem>> -> memref<64x384xf32, #tpu.memory_space<vmem>>
    %dma_wait3A_33 = arith.constant 0 : i32
    %dma_wait3A_34 = tpu.memref_slice %arg5[%dma_wait3A, %dma_wait3A_33] : memref<16x64xi32, #tpu.memory_space<vmem>> -> memref<1x64xi32, #tpu.memory_space<vmem>>
    %dma_wait3A_35 = tpu.memref_squeeze %dma_wait3A_34 : memref<1x64xi32, #tpu.memory_space<vmem>> -> memref<64xi32, #tpu.memory_space<vmem>>
    %dma_wait3A_36 = arith.constant 0 : i32
    %dma_wait3A_37 = arith.constant 0 : i32
    %dma_wait3A_38 = tpu.memref_slice %arg2[%dma_wait3A_36, %dma_wait3A_37] : memref<512x384xf32, #tpu.memory_space<hbm>> -> memref<512x384xf32, #tpu.memory_space<hbm>>
    tpu.wait_indirect_dma semaphore(%arg7 : memref<!tpu.dma_semaphore, #tpu.memory_space<semaphore_mem>>) src(%dma_wait3A_38 : memref<512x384xf32, #tpu.memory_space<hbm>>) dst(%dma_wait3A_32 : memref<64x384xf32, #tpu.memory_space<vmem>>)
    %dma_start3A_39 = arith.constant 2 : i32
    %dma_start3A_40 = arith.constant 2 : i32
    %dma_start3A_41 = arith.constant 0 : i32
    %dma_start3A_42 = arith.constant 0 : i32
    %dma_start3A_43 = tpu.memref_slice %arg6[%dma_start3A_40, %dma_start3A_41, %dma_start3A_42] : memref<4x64x384xf32, #tpu.memory_space<vmem>> -> memref<1x64x384xf32, #tpu.memory_space<vmem>>
    %dma_start3A_44 = tpu.memref_squeeze %dma_start3A_43 : memref<1x64x384xf32, #tpu.memory_space<vmem>> -> memref<64x384xf32, #tpu.memory_space<vmem>>
    %dma_start3A_45 = arith.constant 0 : i32
    %dma_start3A_46 = tpu.memref_slice %arg5[%dma_start3A_39, %dma_start3A_45] : memref<16x64xi32, #tpu.memory_space<vmem>> -> memref<1x64xi32, #tpu.memory_space<vmem>>
    %dma_start3A_47 = tpu.memref_squeeze %dma_start3A_46 : memref<1x64xi32, #tpu.memory_space<vmem>> -> memref<64xi32, #tpu.memory_space<vmem>>
    %dma_start3A_48 = arith.constant 0 : i32
    %dma_start3A_49 = arith.constant 0 : i32
    %dma_start3A_50 = tpu.memref_slice %arg2[%dma_start3A_48, %dma_start3A_49] : memref<512x384xf32, #tpu.memory_space<hbm>> -> memref<512x384xf32, #tpu.memory_space<hbm>>
    tpu.enqueue_indirect_dma source(%dma_start3A_50 : memref<512x384xf32, #tpu.memory_space<hbm>>) target(%dma_start3A_44 : memref<64x384xf32, #tpu.memory_space<vmem>>) offsets(%dma_start3A_47 : memref<64xi32, #tpu.memory_space<vmem>>) semaphore(%arg9 : memref<!tpu.dma_semaphore, #tpu.memory_space<semaphore_mem>>)
    %add3A_51 = arith.constant 0 : i32
    %add3A_52 = arith.addi %mul3A_4, %add3A_51 : i32
    %dma_start3A_53 = arith.constant 0 : i32
    %dma_start3A_54 = arith.constant 0 : i32
    %dma_start3A_55 = arith.constant 0 : i32
    %dma_start3A_56 = tpu.memref_slice %arg6[%dma_start3A_53, %dma_start3A_54, %dma_start3A_55] : memref<4x64x384xf32, #tpu.memory_space<vmem>> -> memref<1x64x384xf32, #tpu.memory_space<vmem>>
    %dma_start3A_57 = tpu.memref_squeeze %dma_start3A_56 : memref<1x64x384xf32, #tpu.memory_space<vmem>> -> memref<64x384xf32, #tpu.memory_space<vmem>>
    %dma_start3A_58 = arith.constant 0 : i32
    %dma_start3A_59 = tpu.memref_slice %arg4[%add3A_52, %dma_start3A_58] : memref<32768x384xf32, #tpu.memory_space<hbm>> -> memref<64x384xf32, #tpu.memory_space<hbm>>
    %dma_start3A_60 = arith.constant 0 : i32
    %dma_start3A_61 = tpu.memref_slice %arg4[%add3A_52, %dma_start3A_60] : memref<32768x384xf32, #tpu.memory_space<hbm>> -> memref<64x384xf32, #tpu.memory_space<hbm>>
    %dma_start3A_62 = arith.constant 0 : i32
    %dma_start3A_63 = arith.constant 0 : i32
    %dma_start3A_64 = tpu.memref_slice %arg6[%dma_start3A_53, %dma_start3A_62, %dma_start3A_63] : memref<4x64x384xf32, #tpu.memory_space<vmem>> -> memref<1x64x384xf32, #tpu.memory_space<vmem>>
    %dma_start3A_65 = tpu.memref_squeeze %dma_start3A_64 : memref<1x64x384xf32, #tpu.memory_space<vmem>> -> memref<64x384xf32, #tpu.memory_space<vmem>>
    tpu.enqueue_dma source(%dma_start3A_65 : memref<64x384xf32, #tpu.memory_space<vmem>>) target(%dma_start3A_61 : memref<64x384xf32, #tpu.memory_space<hbm>>) target_semaphore(%arg11 : memref<!tpu.dma_semaphore, #tpu.memory_space<semaphore_mem>>)
    %dma_wait3A_66 = arith.constant 1 : i32
    %dma_wait3A_67 = arith.constant 1 : i32
    %dma_wait3A_68 = arith.constant 0 : i32
    %dma_wait3A_69 = arith.constant 0 : i32
    %dma_wait3A_70 = tpu.memref_slice %arg6[%dma_wait3A_67, %dma_wait3A_68, %dma_wait3A_69] : memref<4x64x384xf32, #tpu.memory_space<vmem>> -> memref<1x64x384xf32, #tpu.memory_space<vmem>>
    %dma_wait3A_71 = tpu.memref_squeeze %dma_wait3A_70 : memref<1x64x384xf32, #tpu.memory_space<vmem>> -> memref<64x384xf32, #tpu.memory_space<vmem>>
    %dma_wait3A_72 = arith.constant 0 : i32
    %dma_wait3A_73 = tpu.memref_slice %arg5[%dma_wait3A_66, %dma_wait3A_72] : memref<16x64xi32, #tpu.memory_space<vmem>> -> memref<1x64xi32, #tpu.memory_space<vmem>>
    %dma_wait3A_74 = tpu.memref_squeeze %dma_wait3A_73 : memref<1x64xi32, #tpu.memory_space<vmem>> -> memref<64xi32, #tpu.memory_space<vmem>>
    %dma_wait3A_75 = arith.constant 0 : i32
    %dma_wait3A_76 = arith.constant 0 : i32
    %dma_wait3A_77 = tpu.memref_slice %arg2[%dma_wait3A_75, %dma_wait3A_76] : memref<512x384xf32, #tpu.memory_space<hbm>> -> memref<512x384xf32, #tpu.memory_space<hbm>>
    tpu.wait_indirect_dma semaphore(%arg8 : memref<!tpu.dma_semaphore, #tpu.memory_space<semaphore_mem>>) src(%dma_wait3A_77 : memref<512x384xf32, #tpu.memory_space<hbm>>) dst(%dma_wait3A_71 : memref<64x384xf32, #tpu.memory_space<vmem>>)
    %dma_start3A_78 = arith.constant 3 : i32
    %dma_start3A_79 = arith.constant 3 : i32
    %dma_start3A_80 = arith.constant 0 : i32
    %dma_start3A_81 = arith.constant 0 : i32
    %dma_start3A_82 = tpu.memref_slice %arg6[%dma_start3A_79, %dma_start3A_80, %dma_start3A_81] : memref<4x64x384xf32, #tpu.memory_space<vmem>> -> memref<1x64x384xf32, #tpu.memory_space<vmem>>
    %dma_start3A_83 = tpu.memref_squeeze %dma_start3A_82 : memref<1x64x384xf32, #tpu.memory_space<vmem>> -> memref<64x384xf32, #tpu.memory_space<vmem>>
    %dma_start3A_84 = arith.constant 0 : i32
    %dma_start3A_85 = tpu.memref_slice %arg5[%dma_start3A_78, %dma_start3A_84] : memref<16x64xi32, #tpu.memory_space<vmem>> -> memref<1x64xi32, #tpu.memory_space<vmem>>
    %dma_start3A_86 = tpu.memref_squeeze %dma_start3A_85 : memref<1x64xi32, #tpu.memory_space<vmem>> -> memref<64xi32, #tpu.memory_space<vmem>>
    %dma_start3A_87 = arith.constant 0 : i32
    %dma_start3A_88 = arith.constant 0 : i32
    %dma_start3A_89 = tpu.memref_slice %arg2[%dma_start3A_87, %dma_start3A_88] : memref<512x384xf32, #tpu.memory_space<hbm>> -> memref<512x384xf32, #tpu.memory_space<hbm>>
    tpu.enqueue_indirect_dma source(%dma_start3A_89 : memref<512x384xf32, #tpu.memory_space<hbm>>) target(%dma_start3A_83 : memref<64x384xf32, #tpu.memory_space<vmem>>) offsets(%dma_start3A_86 : memref<64xi32, #tpu.memory_space<vmem>>) semaphore(%arg10 : memref<!tpu.dma_semaphore, #tpu.memory_space<semaphore_mem>>)
    %add3A_90 = arith.constant 64 : i32
    %add3A_91 = arith.addi %mul3A_4, %add3A_90 : i32
    %dma_start3A_92 = arith.constant 1 : i32
    %dma_start3A_93 = arith.constant 0 : i32
    %dma_start3A_94 = arith.constant 0 : i32
    %dma_start3A_95 = tpu.memref_slice %arg6[%dma_start3A_92, %dma_start3A_93, %dma_start3A_94] : memref<4x64x384xf32, #tpu.memory_space<vmem>> -> memref<1x64x384xf32, #tpu.memory_space<vmem>>
    %dma_start3A_96 = tpu.memref_squeeze %dma_start3A_95 : memref<1x64x384xf32, #tpu.memory_space<vmem>> -> memref<64x384xf32, #tpu.memory_space<vmem>>
    %dma_start3A_97 = arith.constant 0 : i32
    %dma_start3A_98 = tpu.memref_slice %arg4[%add3A_91, %dma_start3A_97] : memref<32768x384xf32, #tpu.memory_space<hbm>> -> memref<64x384xf32, #tpu.memory_space<hbm>>
    %dma_start3A_99 = arith.constant 0 : i32
    %dma_start3A_100 = tpu.memref_slice %arg4[%add3A_91, %dma_start3A_99] : memref<32768x384xf32, #tpu.memory_space<hbm>> -> memref<64x384xf32, #tpu.memory_space<hbm>>
    %dma_start3A_101 = arith.constant 0 : i32
    %dma_start3A_102 = arith.constant 0 : i32
    %dma_start3A_103 = tpu.memref_slice %arg6[%dma_start3A_92, %dma_start3A_101, %dma_start3A_102] : memref<4x64x384xf32, #tpu.memory_space<vmem>> -> memref<1x64x384xf32, #tpu.memory_space<vmem>>
    %dma_start3A_104 = tpu.memref_squeeze %dma_start3A_103 : memref<1x64x384xf32, #tpu.memory_space<vmem>> -> memref<64x384xf32, #tpu.memory_space<vmem>>
    tpu.enqueue_dma source(%dma_start3A_104 : memref<64x384xf32, #tpu.memory_space<vmem>>) target(%dma_start3A_100 : memref<64x384xf32, #tpu.memory_space<hbm>>) target_semaphore(%arg12 : memref<!tpu.dma_semaphore, #tpu.memory_space<semaphore_mem>>)
    %dma_wait3A_105 = arith.constant 2 : i32
    %dma_wait3A_106 = arith.constant 2 : i32
    %dma_wait3A_107 = arith.constant 0 : i32
    %dma_wait3A_108 = arith.constant 0 : i32
    %dma_wait3A_109 = tpu.memref_slice %arg6[%dma_wait3A_106, %dma_wait3A_107, %dma_wait3A_108] : memref<4x64x384xf32, #tpu.memory_space<vmem>> -> memref<1x64x384xf32, #tpu.memory_space<vmem>>
    %dma_wait3A_110 = tpu.memref_squeeze %dma_wait3A_109 : memref<1x64x384xf32, #tpu.memory_space<vmem>> -> memref<64x384xf32, #tpu.memory_space<vmem>>
    %dma_wait3A_111 = arith.constant 0 : i32
    %dma_wait3A_112 = tpu.memref_slice %arg5[%dma_wait3A_105, %dma_wait3A_111] : memref<16x64xi32, #tpu.memory_space<vmem>> -> memref<1x64xi32, #tpu.memory_space<vmem>>
    %dma_wait3A_113 = tpu.memref_squeeze %dma_wait3A_112 : memref<1x64xi32, #tpu.memory_space<vmem>> -> memref<64xi32, #tpu.memory_space<vmem>>
    %dma_wait3A_114 = arith.constant 0 : i32
    %dma_wait3A_115 = arith.constant 0 : i32
    %dma_wait3A_116 = tpu.memref_slice %arg2[%dma_wait3A_114, %dma_wait3A_115] : memref<512x384xf32, #tpu.memory_space<hbm>> -> memref<512x384xf32, #tpu.memory_space<hbm>>
    tpu.wait_indirect_dma semaphore(%arg9 : memref<!tpu.dma_semaphore, #tpu.memory_space<semaphore_mem>>) src(%dma_wait3A_116 : memref<512x384xf32, #tpu.memory_space<hbm>>) dst(%dma_wait3A_110 : memref<64x384xf32, #tpu.memory_space<vmem>>)
    %dma_wait3A_117 = arith.constant 0 : i32
    %dma_wait3A_118 = arith.constant 0 : i32
    %dma_wait3A_119 = arith.constant 0 : i32
    %dma_wait3A_120 = tpu.memref_slice %arg6[%dma_wait3A_117, %dma_wait3A_118, %dma_wait3A_119] : memref<4x64x384xf32, #tpu.memory_space<vmem>> -> memref<1x64x384xf32, #tpu.memory_space<vmem>>
    %dma_wait3A_121 = tpu.memref_squeeze %dma_wait3A_120 : memref<1x64x384xf32, #tpu.memory_space<vmem>> -> memref<64x384xf32, #tpu.memory_space<vmem>>
    %dma_wait3A_122 = arith.constant 0 : i32
    %dma_wait3A_123 = tpu.memref_slice %arg4[%add3A_52, %dma_wait3A_122] : memref<32768x384xf32, #tpu.memory_space<hbm>> -> memref<64x384xf32, #tpu.memory_space<hbm>>
    %dma_wait3A_124 = arith.constant 0 : i32
    %dma_wait3A_125 = tpu.memref_slice %arg4[%add3A_52, %dma_wait3A_124] : memref<32768x384xf32, #tpu.memory_space<hbm>> -> memref<64x384xf32, #tpu.memory_space<hbm>>
    %dma_wait3A_126 = arith.constant 0 : i32
    %dma_wait3A_127 = arith.constant 0 : i32
    %dma_wait3A_128 = tpu.memref_slice %arg6[%dma_wait3A_117, %dma_wait3A_126, %dma_wait3A_127] : memref<4x64x384xf32, #tpu.memory_space<vmem>> -> memref<1x64x384xf32, #tpu.memory_space<vmem>>
    %dma_wait3A_129 = tpu.memref_squeeze %dma_wait3A_128 : memref<1x64x384xf32, #tpu.memory_space<vmem>> -> memref<64x384xf32, #tpu.memory_space<vmem>>
    tpu.wait_dma2 semaphore(%arg11 : memref<!tpu.dma_semaphore, #tpu.memory_space<semaphore_mem>>) src(%dma_wait3A_129 : memref<64x384xf32, #tpu.memory_space<vmem>>) dst(%dma_wait3A_125 : memref<64x384xf32, #tpu.memory_space<hbm>>)
    %dma_start3A_130 = arith.constant 4 : i32
    %dma_start3A_131 = arith.constant 0 : i32
    %dma_start3A_132 = arith.constant 0 : i32
    %dma_start3A_133 = arith.constant 0 : i32
    %dma_start3A_134 = tpu.memref_slice %arg6[%dma_start3A_131, %dma_start3A_132, %dma_start3A_133] : memref<4x64x384xf32, #tpu.memory_space<vmem>> -> memref<1x64x384xf32, #tpu.memory_space<vmem>>
    %dma_start3A_135 = tpu.memref_squeeze %dma_start3A_134 : memref<1x64x384xf32, #tpu.memory_space<vmem>> -> memref<64x384xf32, #tpu.memory_space<vmem>>
    %dma_start3A_136 = arith.constant 0 : i32
    %dma_start3A_137 = tpu.memref_slice %arg5[%dma_start3A_130, %dma_start3A_136] : memref<16x64xi32, #tpu.memory_space<vmem>> -> memref<1x64xi32, #tpu.memory_space<vmem>>
    %dma_start3A_138 = tpu.memref_squeeze %dma_start3A_137 : memref<1x64xi32, #tpu.memory_space<vmem>> -> memref<64xi32, #tpu.memory_space<vmem>>
    %dma_start3A_139 = arith.constant 0 : i32
    %dma_start3A_140 = arith.constant 0 : i32
    %dma_start3A_141 = tpu.memref_slice %arg2[%dma_start3A_139, %dma_start3A_140] : memref<512x384xf32, #tpu.memory_space<hbm>> -> memref<512x384xf32, #tpu.memory_space<hbm>>
    tpu.enqueue_indirect_dma source(%dma_start3A_141 : memref<512x384xf32, #tpu.memory_space<hbm>>) target(%dma_start3A_135 : memref<64x384xf32, #tpu.memory_space<vmem>>) offsets(%dma_start3A_138 : memref<64xi32, #tpu.memory_space<vmem>>) semaphore(%arg7 : memref<!tpu.dma_semaphore, #tpu.memory_space<semaphore_mem>>)
    %add3A_142 = arith.constant 128 : i32
    %add3A_143 = arith.addi %mul3A_4, %add3A_142 : i32
    %dma_start3A_144 = arith.constant 2 : i32
    %dma_start3A_145 = arith.constant 0 : i32
    %dma_start3A_146 = arith.constant 0 : i32
    %dma_start3A_147 = tpu.memref_slice %arg6[%dma_start3A_144, %dma_start3A_145, %dma_start3A_146] : memref<4x64x384xf32, #tpu.memory_space<vmem>> -> memref<1x64x384xf32, #tpu.memory_space<vmem>>
    %dma_start3A_148 = tpu.memref_squeeze %dma_start3A_147 : memref<1x64x384xf32, #tpu.memory_space<vmem>> -> memref<64x384xf32, #tpu.memory_space<vmem>>
    %dma_start3A_149 = arith.constant 0 : i32
    %dma_start3A_150 = tpu.memref_slice %arg4[%add3A_143, %dma_start3A_149] : memref<32768x384xf32, #tpu.memory_space<hbm>> -> memref<64x384xf32, #tpu.memory_space<hbm>>
    %dma_start3A_151 = arith.constant 0 : i32
    %dma_start3A_152 = tpu.memref_slice %arg4[%add3A_143, %dma_start3A_151] : memref<32768x384xf32, #tpu.memory_space<hbm>> -> memref<64x384xf32, #tpu.memory_space<hbm>>
    %dma_start3A_153 = arith.constant 0 : i32
    %dma_start3A_154 = arith.constant 0 : i32
    %dma_start3A_155 = tpu.memref_slice %arg6[%dma_start3A_144, %dma_start3A_153, %dma_start3A_154] : memref<4x64x384xf32, #tpu.memory_space<vmem>> -> memref<1x64x384xf32, #tpu.memory_space<vmem>>
    %dma_start3A_156 = tpu.memref_squeeze %dma_start3A_155 : memref<1x64x384xf32, #tpu.memory_space<vmem>> -> memref<64x384xf32, #tpu.memory_space<vmem>>
    tpu.enqueue_dma source(%dma_start3A_156 : memref<64x384xf32, #tpu.memory_space<vmem>>) target(%dma_start3A_152 : memref<64x384xf32, #tpu.memory_space<hbm>>) target_semaphore(%arg13 : memref<!tpu.dma_semaphore, #tpu.memory_space<semaphore_mem>>)
    %dma_wait3A_157 = arith.constant 3 : i32
    %dma_wait3A_158 = arith.constant 3 : i32
    %dma_wait3A_159 = arith.constant 0 : i32
    %dma_wait3A_160 = arith.constant 0 : i32
    %dma_wait3A_161 = tpu.memref_slice %arg6[%dma_wait3A_158, %dma_wait3A_159, %dma_wait3A_160] : memref<4x64x384xf32, #tpu.memory_space<vmem>> -> memref<1x64x384xf32, #tpu.memory_space<vmem>>
    %dma_wait3A_162 = tpu.memref_squeeze %dma_wait3A_161 : memref<1x64x384xf32, #tpu.memory_space<vmem>> -> memref<64x384xf32, #tpu.memory_space<vmem>>
    %dma_wait3A_163 = arith.constant 0 : i32
    %dma_wait3A_164 = tpu.memref_slice %arg5[%dma_wait3A_157, %dma_wait3A_163] : memref<16x64xi32, #tpu.memory_space<vmem>> -> memref<1x64xi32, #tpu.memory_space<vmem>>
    %dma_wait3A_165 = tpu.memref_squeeze %dma_wait3A_164 : memref<1x64xi32, #tpu.memory_space<vmem>> -> memref<64xi32, #tpu.memory_space<vmem>>
    %dma_wait3A_166 = arith.constant 0 : i32
    %dma_wait3A_167 = arith.constant 0 : i32
    %dma_wait3A_168 = tpu.memref_slice %arg2[%dma_wait3A_166, %dma_wait3A_167] : memref<512x384xf32, #tpu.memory_space<hbm>> -> memref<512x384xf32, #tpu.memory_space<hbm>>
    tpu.wait_indirect_dma semaphore(%arg10 : memref<!tpu.dma_semaphore, #tpu.memory_space<semaphore_mem>>) src(%dma_wait3A_168 : memref<512x384xf32, #tpu.memory_space<hbm>>) dst(%dma_wait3A_162 : memref<64x384xf32, #tpu.memory_space<vmem>>)
    %dma_wait3A_169 = arith.constant 1 : i32
    %dma_wait3A_170 = arith.constant 0 : i32
    %dma_wait3A_171 = arith.constant 0 : i32
    %dma_wait3A_172 = tpu.memref_slice %arg6[%dma_wait3A_169, %dma_wait3A_170, %dma_wait3A_171] : memref<4x64x384xf32, #tpu.memory_space<vmem>> -> memref<1x64x384xf32, #tpu.memory_space<vmem>>
    %dma_wait3A_173 = tpu.memref_squeeze %dma_wait3A_172 : memref<1x64x384xf32, #tpu.memory_space<vmem>> -> memref<64x384xf32, #tpu.memory_space<vmem>>
    %dma_wait3A_174 = arith.constant 0 : i32
    %dma_wait3A_175 = tpu.memref_slice %arg4[%add3A_91, %dma_wait3A_174] : memref<32768x384xf32, #tpu.memory_space<hbm>> -> memref<64x384xf32, #tpu.memory_space<hbm>>
    %dma_wait3A_176 = arith.constant 0 : i32
    %dma_wait3A_177 = tpu.memref_slice %arg4[%add3A_91, %dma_wait3A_176] : memref<32768x384xf32, #tpu.memory_space<hbm>> -> memref<64x384xf32, #tpu.memory_space<hbm>>
    %dma_wait3A_178 = arith.constant 0 : i32
    %dma_wait3A_179 = arith.constant 0 : i32
    %dma_wait3A_180 = tpu.memref_slice %arg6[%dma_wait3A_169, %dma_wait3A_178, %dma_wait3A_179] : memref<4x64x384xf32, #tpu.memory_space<vmem>> -> memref<1x64x384xf32, #tpu.memory_space<vmem>>
    %dma_wait3A_181 = tpu.memref_squeeze %dma_wait3A_180 : memref<1x64x384xf32, #tpu.memory_space<vmem>> -> memref<64x384xf32, #tpu.memory_space<vmem>>
    tpu.wait_dma2 semaphore(%arg12 : memref<!tpu.dma_semaphore, #tpu.memory_space<semaphore_mem>>) src(%dma_wait3A_181 : memref<64x384xf32, #tpu.memory_space<vmem>>) dst(%dma_wait3A_177 : memref<64x384xf32, #tpu.memory_space<hbm>>)
    %dma_start3A_182 = arith.constant 5 : i32
    %dma_start3A_183 = arith.constant 1 : i32
    %dma_start3A_184 = arith.constant 0 : i32
    %dma_start3A_185 = arith.constant 0 : i32
    %dma_start3A_186 = tpu.memref_slice %arg6[%dma_start3A_183, %dma_start3A_184, %dma_start3A_185] : memref<4x64x384xf32, #tpu.memory_space<vmem>> -> memref<1x64x384xf32, #tpu.memory_space<vmem>>
    %dma_start3A_187 = tpu.memref_squeeze %dma_start3A_186 : memref<1x64x384xf32, #tpu.memory_space<vmem>> -> memref<64x384xf32, #tpu.memory_space<vmem>>
    %dma_start3A_188 = arith.constant 0 : i32
    %dma_start3A_189 = tpu.memref_slice %arg5[%dma_start3A_182, %dma_start3A_188] : memref<16x64xi32, #tpu.memory_space<vmem>> -> memref<1x64xi32, #tpu.memory_space<vmem>>
    %dma_start3A_190 = tpu.memref_squeeze %dma_start3A_189 : memref<1x64xi32, #tpu.memory_space<vmem>> -> memref<64xi32, #tpu.memory_space<vmem>>
    %dma_start3A_191 = arith.constant 0 : i32
    %dma_start3A_192 = arith.constant 0 : i32
    %dma_start3A_193 = tpu.memref_slice %arg2[%dma_start3A_191, %dma_start3A_192] : memref<512x384xf32, #tpu.memory_space<hbm>> -> memref<512x384xf32, #tpu.memory_space<hbm>>
    tpu.enqueue_indirect_dma source(%dma_start3A_193 : memref<512x384xf32, #tpu.memory_space<hbm>>) target(%dma_start3A_187 : memref<64x384xf32, #tpu.memory_space<vmem>>) offsets(%dma_start3A_190 : memref<64xi32, #tpu.memory_space<vmem>>) semaphore(%arg8 : memref<!tpu.dma_semaphore, #tpu.memory_space<semaphore_mem>>)
    %add3A_194 = arith.constant 192 : i32
    %add3A_195 = arith.addi %mul3A_4, %add3A_194 : i32
    %dma_start3A_196 = arith.constant 3 : i32
    %dma_start3A_197 = arith.constant 0 : i32
    %dma_start3A_198 = arith.constant 0 : i32
    %dma_start3A_199 = tpu.memref_slice %arg6[%dma_start3A_196, %dma_start3A_197, %dma_start3A_198] : memref<4x64x384xf32, #tpu.memory_space<vmem>> -> memref<1x64x384xf32, #tpu.memory_space<vmem>>
    %dma_start3A_200 = tpu.memref_squeeze %dma_start3A_199 : memref<1x64x384xf32, #tpu.memory_space<vmem>> -> memref<64x384xf32, #tpu.memory_space<vmem>>
    %dma_start3A_201 = arith.constant 0 : i32
    %dma_start3A_202 = tpu.memref_slice %arg4[%add3A_195, %dma_start3A_201] : memref<32768x384xf32, #tpu.memory_space<hbm>> -> memref<64x384xf32, #tpu.memory_space<hbm>>
    %dma_start3A_203 = arith.constant 0 : i32
    %dma_start3A_204 = tpu.memref_slice %arg4[%add3A_195, %dma_start3A_203] : memref<32768x384xf32, #tpu.memory_space<hbm>> -> memref<64x384xf32, #tpu.memory_space<hbm>>
    %dma_start3A_205 = arith.constant 0 : i32
    %dma_start3A_206 = arith.constant 0 : i32
    %dma_start3A_207 = tpu.memref_slice %arg6[%dma_start3A_196, %dma_start3A_205, %dma_start3A_206] : memref<4x64x384xf32, #tpu.memory_space<vmem>> -> memref<1x64x384xf32, #tpu.memory_space<vmem>>
    %dma_start3A_208 = tpu.memref_squeeze %dma_start3A_207 : memref<1x64x384xf32, #tpu.memory_space<vmem>> -> memref<64x384xf32, #tpu.memory_space<vmem>>
    tpu.enqueue_dma source(%dma_start3A_208 : memref<64x384xf32, #tpu.memory_space<vmem>>) target(%dma_start3A_204 : memref<64x384xf32, #tpu.memory_space<hbm>>) target_semaphore(%arg14 : memref<!tpu.dma_semaphore, #tpu.memory_space<semaphore_mem>>)
    %dma_wait3A_209 = arith.constant 4 : i32
    %dma_wait3A_210 = arith.constant 0 : i32
    %dma_wait3A_211 = arith.constant 0 : i32
    %dma_wait3A_212 = arith.constant 0 : i32
    %dma_wait3A_213 = tpu.memref_slice %arg6[%dma_wait3A_210, %dma_wait3A_211, %dma_wait3A_212] : memref<4x64x384xf32, #tpu.memory_space<vmem>> -> memref<1x64x384xf32, #tpu.memory_space<vmem>>
    %dma_wait3A_214 = tpu.memref_squeeze %dma_wait3A_213 : memref<1x64x384xf32, #tpu.memory_space<vmem>> -> memref<64x384xf32, #tpu.memory_space<vmem>>
    %dma_wait3A_215 = arith.constant 0 : i32
    %dma_wait3A_216 = tpu.memref_slice %arg5[%dma_wait3A_209, %dma_wait3A_215] : memref<16x64xi32, #tpu.memory_space<vmem>> -> memref<1x64xi32, #tpu.memory_space<vmem>>
    %dma_wait3A_217 = tpu.memref_squeeze %dma_wait3A_216 : memref<1x64xi32, #tpu.memory_space<vmem>> -> memref<64xi32, #tpu.memory_space<vmem>>
    %dma_wait3A_218 = arith.constant 0 : i32
    %dma_wait3A_219 = arith.constant 0 : i32
    %dma_wait3A_220 = tpu.memref_slice %arg2[%dma_wait3A_218, %dma_wait3A_219] : memref<512x384xf32, #tpu.memory_space<hbm>> -> memref<512x384xf32, #tpu.memory_space<hbm>>
    tpu.wait_indirect_dma semaphore(%arg7 : memref<!tpu.dma_semaphore, #tpu.memory_space<semaphore_mem>>) src(%dma_wait3A_220 : memref<512x384xf32, #tpu.memory_space<hbm>>) dst(%dma_wait3A_214 : memref<64x384xf32, #tpu.memory_space<vmem>>)
    %dma_wait3A_221 = arith.constant 2 : i32
    %dma_wait3A_222 = arith.constant 0 : i32
    %dma_wait3A_223 = arith.constant 0 : i32
    %dma_wait3A_224 = tpu.memref_slice %arg6[%dma_wait3A_221, %dma_wait3A_222, %dma_wait3A_223] : memref<4x64x384xf32, #tpu.memory_space<vmem>> -> memref<1x64x384xf32, #tpu.memory_space<vmem>>
    %dma_wait3A_225 = tpu.memref_squeeze %dma_wait3A_224 : memref<1x64x384xf32, #tpu.memory_space<vmem>> -> memref<64x384xf32, #tpu.memory_space<vmem>>
    %dma_wait3A_226 = arith.constant 0 : i32
    %dma_wait3A_227 = tpu.memref_slice %arg4[%add3A_143, %dma_wait3A_226] : memref<32768x384xf32, #tpu.memory_space<hbm>> -> memref<64x384xf32, #tpu.memory_space<hbm>>
    %dma_wait3A_228 = arith.constant 0 : i32
    %dma_wait3A_229 = tpu.memref_slice %arg4[%add3A_143, %dma_wait3A_228] : memref<32768x384xf32, #tpu.memory_space<hbm>> -> memref<64x384xf32, #tpu.memory_space<hbm>>
    %dma_wait3A_230 = arith.constant 0 : i32
    %dma_wait3A_231 = arith.constant 0 : i32
    %dma_wait3A_232 = tpu.memref_slice %arg6[%dma_wait3A_221, %dma_wait3A_230, %dma_wait3A_231] : memref<4x64x384xf32, #tpu.memory_space<vmem>> -> memref<1x64x384xf32, #tpu.memory_space<vmem>>
    %dma_wait3A_233 = tpu.memref_squeeze %dma_wait3A_232 : memref<1x64x384xf32, #tpu.memory_space<vmem>> -> memref<64x384xf32, #tpu.memory_space<vmem>>
    tpu.wait_dma2 semaphore(%arg13 : memref<!tpu.dma_semaphore, #tpu.memory_space<semaphore_mem>>) src(%dma_wait3A_233 : memref<64x384xf32, #tpu.memory_space<vmem>>) dst(%dma_wait3A_229 : memref<64x384xf32, #tpu.memory_space<hbm>>)
    %dma_start3A_234 = arith.constant 6 : i32
    %dma_start3A_235 = arith.constant 2 : i32
    %dma_start3A_236 = arith.constant 0 : i32
    %dma_start3A_237 = arith.constant 0 : i32
    %dma_start3A_238 = tpu.memref_slice %arg6[%dma_start3A_235, %dma_start3A_236, %dma_start3A_237] : memref<4x64x384xf32, #tpu.memory_space<vmem>> -> memref<1x64x384xf32, #tpu.memory_space<vmem>>
    %dma_start3A_239 = tpu.memref_squeeze %dma_start3A_238 : memref<1x64x384xf32, #tpu.memory_space<vmem>> -> memref<64x384xf32, #tpu.memory_space<vmem>>
    %dma_start3A_240 = arith.constant 0 : i32
    %dma_start3A_241 = tpu.memref_slice %arg5[%dma_start3A_234, %dma_start3A_240] : memref<16x64xi32, #tpu.memory_space<vmem>> -> memref<1x64xi32, #tpu.memory_space<vmem>>
    %dma_start3A_242 = tpu.memref_squeeze %dma_start3A_241 : memref<1x64xi32, #tpu.memory_space<vmem>> -> memref<64xi32, #tpu.memory_space<vmem>>
    %dma_start3A_243 = arith.constant 0 : i32
    %dma_start3A_244 = arith.constant 0 : i32
    %dma_start3A_245 = tpu.memref_slice %arg2[%dma_start3A_243, %dma_start3A_244] : memref<512x384xf32, #tpu.memory_space<hbm>> -> memref<512x384xf32, #tpu.memory_space<hbm>>
    tpu.enqueue_indirect_dma source(%dma_start3A_245 : memref<512x384xf32, #tpu.memory_space<hbm>>) target(%dma_start3A_239 : memref<64x384xf32, #tpu.memory_space<vmem>>) offsets(%dma_start3A_242 : memref<64xi32, #tpu.memory_space<vmem>>) semaphore(%arg9 : memref<!tpu.dma_semaphore, #tpu.memory_space<semaphore_mem>>)
    %add3A_246 = arith.constant 256 : i32
    %add3A_247 = arith.addi %mul3A_4, %add3A_246 : i32
    %dma_start3A_248 = arith.constant 0 : i32
    %dma_start3A_249 = arith.constant 0 : i32
    %dma_start3A_250 = arith.constant 0 : i32
    %dma_start3A_251 = tpu.memref_slice %arg6[%dma_start3A_248, %dma_start3A_249, %dma_start3A_250] : memref<4x64x384xf32, #tpu.memory_space<vmem>> -> memref<1x64x384xf32, #tpu.memory_space<vmem>>
    %dma_start3A_252 = tpu.memref_squeeze %dma_start3A_251 : memref<1x64x384xf32, #tpu.memory_space<vmem>> -> memref<64x384xf32, #tpu.memory_space<vmem>>
    %dma_start3A_253 = arith.constant 0 : i32
    %dma_start3A_254 = tpu.memref_slice %arg4[%add3A_247, %dma_start3A_253] : memref<32768x384xf32, #tpu.memory_space<hbm>> -> memref<64x384xf32, #tpu.memory_space<hbm>>
    %dma_start3A_255 = arith.constant 0 : i32
    %dma_start3A_256 = tpu.memref_slice %arg4[%add3A_247, %dma_start3A_255] : memref<32768x384xf32, #tpu.memory_space<hbm>> -> memref<64x384xf32, #tpu.memory_space<hbm>>
    %dma_start3A_257 = arith.constant 0 : i32
    %dma_start3A_258 = arith.constant 0 : i32
    %dma_start3A_259 = tpu.memref_slice %arg6[%dma_start3A_248, %dma_start3A_257, %dma_start3A_258] : memref<4x64x384xf32, #tpu.memory_space<vmem>> -> memref<1x64x384xf32, #tpu.memory_space<vmem>>
    %dma_start3A_260 = tpu.memref_squeeze %dma_start3A_259 : memref<1x64x384xf32, #tpu.memory_space<vmem>> -> memref<64x384xf32, #tpu.memory_space<vmem>>
    tpu.enqueue_dma source(%dma_start3A_260 : memref<64x384xf32, #tpu.memory_space<vmem>>) target(%dma_start3A_256 : memref<64x384xf32, #tpu.memory_space<hbm>>) target_semaphore(%arg11 : memref<!tpu.dma_semaphore, #tpu.memory_space<semaphore_mem>>)
    %dma_wait3A_261 = arith.constant 5 : i32
    %dma_wait3A_262 = arith.constant 1 : i32
    %dma_wait3A_263 = arith.constant 0 : i32
    %dma_wait3A_264 = arith.constant 0 : i32
    %dma_wait3A_265 = tpu.memref_slice %arg6[%dma_wait3A_262, %dma_wait3A_263, %dma_wait3A_264] : memref<4x64x384xf32, #tpu.memory_space<vmem>> -> memref<1x64x384xf32, #tpu.memory_space<vmem>>
    %dma_wait3A_266 = tpu.memref_squeeze %dma_wait3A_265 : memref<1x64x384xf32, #tpu.memory_space<vmem>> -> memref<64x384xf32, #tpu.memory_space<vmem>>
    %dma_wait3A_267 = arith.constant 0 : i32
    %dma_wait3A_268 = tpu.memref_slice %arg5[%dma_wait3A_261, %dma_wait3A_267] : memref<16x64xi32, #tpu.memory_space<vmem>> -> memref<1x64xi32, #tpu.memory_space<vmem>>
    %dma_wait3A_269 = tpu.memref_squeeze %dma_wait3A_268 : memref<1x64xi32, #tpu.memory_space<vmem>> -> memref<64xi32, #tpu.memory_space<vmem>>
    %dma_wait3A_270 = arith.constant 0 : i32
    %dma_wait3A_271 = arith.constant 0 : i32
    %dma_wait3A_272 = tpu.memref_slice %arg2[%dma_wait3A_270, %dma_wait3A_271] : memref<512x384xf32, #tpu.memory_space<hbm>> -> memref<512x384xf32, #tpu.memory_space<hbm>>
    tpu.wait_indirect_dma semaphore(%arg8 : memref<!tpu.dma_semaphore, #tpu.memory_space<semaphore_mem>>) src(%dma_wait3A_272 : memref<512x384xf32, #tpu.memory_space<hbm>>) dst(%dma_wait3A_266 : memref<64x384xf32, #tpu.memory_space<vmem>>)
    %dma_wait3A_273 = arith.constant 3 : i32
    %dma_wait3A_274 = arith.constant 0 : i32
    %dma_wait3A_275 = arith.constant 0 : i32
    %dma_wait3A_276 = tpu.memref_slice %arg6[%dma_wait3A_273, %dma_wait3A_274, %dma_wait3A_275] : memref<4x64x384xf32, #tpu.memory_space<vmem>> -> memref<1x64x384xf32, #tpu.memory_space<vmem>>
    %dma_wait3A_277 = tpu.memref_squeeze %dma_wait3A_276 : memref<1x64x384xf32, #tpu.memory_space<vmem>> -> memref<64x384xf32, #tpu.memory_space<vmem>>
    %dma_wait3A_278 = arith.constant 0 : i32
    %dma_wait3A_279 = tpu.memref_slice %arg4[%add3A_195, %dma_wait3A_278] : memref<32768x384xf32, #tpu.memory_space<hbm>> -> memref<64x384xf32, #tpu.memory_space<hbm>>
    %dma_wait3A_280 = arith.constant 0 : i32
    %dma_wait3A_281 = tpu.memref_slice %arg4[%add3A_195, %dma_wait3A_280] : memref<32768x384xf32, #tpu.memory_space<hbm>> -> memref<64x384xf32, #tpu.memory_space<hbm>>
    %dma_wait3A_282 = arith.constant 0 : i32
    %dma_wait3A_283 = arith.constant 0 : i32
    %dma_wait3A_284 = tpu.memref_slice %arg6[%dma_wait3A_273, %dma_wait3A_282, %dma_wait3A_283] : memref<4x64x384xf32, #tpu.memory_space<vmem>> -> memref<1x64x384xf32, #tpu.memory_space<vmem>>
    %dma_wait3A_285 = tpu.memref_squeeze %dma_wait3A_284 : memref<1x64x384xf32, #tpu.memory_space<vmem>> -> memref<64x384xf32, #tpu.memory_space<vmem>>
    tpu.wait_dma2 semaphore(%arg14 : memref<!tpu.dma_semaphore, #tpu.memory_space<semaphore_mem>>) src(%dma_wait3A_285 : memref<64x384xf32, #tpu.memory_space<vmem>>) dst(%dma_wait3A_281 : memref<64x384xf32, #tpu.memory_space<hbm>>)
    %dma_start3A_286 = arith.constant 7 : i32
    %dma_start3A_287 = arith.constant 3 : i32
    %dma_start3A_288 = arith.constant 0 : i32
    %dma_start3A_289 = arith.constant 0 : i32
    %dma_start3A_290 = tpu.memref_slice %arg6[%dma_start3A_287, %dma_start3A_288, %dma_start3A_289] : memref<4x64x384xf32, #tpu.memory_space<vmem>> -> memref<1x64x384xf32, #tpu.memory_space<vmem>>
    %dma_start3A_291 = tpu.memref_squeeze %dma_start3A_290 : memref<1x64x384xf32, #tpu.memory_space<vmem>> -> memref<64x384xf32, #tpu.memory_space<vmem>>
    %dma_start3A_292 = arith.constant 0 : i32
    %dma_start3A_293 = tpu.memref_slice %arg5[%dma_start3A_286, %dma_start3A_292] : memref<16x64xi32, #tpu.memory_space<vmem>> -> memref<1x64xi32, #tpu.memory_space<vmem>>
    %dma_start3A_294 = tpu.memref_squeeze %dma_start3A_293 : memref<1x64xi32, #tpu.memory_space<vmem>> -> memref<64xi32, #tpu.memory_space<vmem>>
    %dma_start3A_295 = arith.constant 0 : i32
    %dma_start3A_296 = arith.constant 0 : i32
    %dma_start3A_297 = tpu.memref_slice %arg2[%dma_start3A_295, %dma_start3A_296] : memref<512x384xf32, #tpu.memory_space<hbm>> -> memref<512x384xf32, #tpu.memory_space<hbm>>
    tpu.enqueue_indirect_dma source(%dma_start3A_297 : memref<512x384xf32, #tpu.memory_space<hbm>>) target(%dma_start3A_291 : memref<64x384xf32, #tpu.memory_space<vmem>>) offsets(%dma_start3A_294 : memref<64xi32, #tpu.memory_space<vmem>>) semaphore(%arg10 : memref<!tpu.dma_semaphore, #tpu.memory_space<semaphore_mem>>)
    %add3A_298 = arith.constant 320 : i32
    %add3A_299 = arith.addi %mul3A_4, %add3A_298 : i32
    %dma_start3A_300 = arith.constant 1 : i32
    %dma_start3A_301 = arith.constant 0 : i32
    %dma_start3A_302 = arith.constant 0 : i32
    %dma_start3A_303 = tpu.memref_slice %arg6[%dma_start3A_300, %dma_start3A_301, %dma_start3A_302] : memref<4x64x384xf32, #tpu.memory_space<vmem>> -> memref<1x64x384xf32, #tpu.memory_space<vmem>>
    %dma_start3A_304 = tpu.memref_squeeze %dma_start3A_303 : memref<1x64x384xf32, #tpu.memory_space<vmem>> -> memref<64x384xf32, #tpu.memory_space<vmem>>
    %dma_start3A_305 = arith.constant 0 : i32
    %dma_start3A_306 = tpu.memref_slice %arg4[%add3A_299, %dma_start3A_305] : memref<32768x384xf32, #tpu.memory_space<hbm>> -> memref<64x384xf32, #tpu.memory_space<hbm>>
    %dma_start3A_307 = arith.constant 0 : i32
    %dma_start3A_308 = tpu.memref_slice %arg4[%add3A_299, %dma_start3A_307] : memref<32768x384xf32, #tpu.memory_space<hbm>> -> memref<64x384xf32, #tpu.memory_space<hbm>>
    %dma_start3A_309 = arith.constant 0 : i32
    %dma_start3A_310 = arith.constant 0 : i32
    %dma_start3A_311 = tpu.memref_slice %arg6[%dma_start3A_300, %dma_start3A_309, %dma_start3A_310] : memref<4x64x384xf32, #tpu.memory_space<vmem>> -> memref<1x64x384xf32, #tpu.memory_space<vmem>>
    %dma_start3A_312 = tpu.memref_squeeze %dma_start3A_311 : memref<1x64x384xf32, #tpu.memory_space<vmem>> -> memref<64x384xf32, #tpu.memory_space<vmem>>
    tpu.enqueue_dma source(%dma_start3A_312 : memref<64x384xf32, #tpu.memory_space<vmem>>) target(%dma_start3A_308 : memref<64x384xf32, #tpu.memory_space<hbm>>) target_semaphore(%arg12 : memref<!tpu.dma_semaphore, #tpu.memory_space<semaphore_mem>>)
    %dma_wait3A_313 = arith.constant 6 : i32
    %dma_wait3A_314 = arith.constant 2 : i32
    %dma_wait3A_315 = arith.constant 0 : i32
    %dma_wait3A_316 = arith.constant 0 : i32
    %dma_wait3A_317 = tpu.memref_slice %arg6[%dma_wait3A_314, %dma_wait3A_315, %dma_wait3A_316] : memref<4x64x384xf32, #tpu.memory_space<vmem>> -> memref<1x64x384xf32, #tpu.memory_space<vmem>>
    %dma_wait3A_318 = tpu.memref_squeeze %dma_wait3A_317 : memref<1x64x384xf32, #tpu.memory_space<vmem>> -> memref<64x384xf32, #tpu.memory_space<vmem>>
    %dma_wait3A_319 = arith.constant 0 : i32
    %dma_wait3A_320 = tpu.memref_slice %arg5[%dma_wait3A_313, %dma_wait3A_319] : memref<16x64xi32, #tpu.memory_space<vmem>> -> memref<1x64xi32, #tpu.memory_space<vmem>>
    %dma_wait3A_321 = tpu.memref_squeeze %dma_wait3A_320 : memref<1x64xi32, #tpu.memory_space<vmem>> -> memref<64xi32, #tpu.memory_space<vmem>>
    %dma_wait3A_322 = arith.constant 0 : i32
    %dma_wait3A_323 = arith.constant 0 : i32
    %dma_wait3A_324 = tpu.memref_slice %arg2[%dma_wait3A_322, %dma_wait3A_323] : memref<512x384xf32, #tpu.memory_space<hbm>> -> memref<512x384xf32, #tpu.memory_space<hbm>>
    tpu.wait_indirect_dma semaphore(%arg9 : memref<!tpu.dma_semaphore, #tpu.memory_space<semaphore_mem>>) src(%dma_wait3A_324 : memref<512x384xf32, #tpu.memory_space<hbm>>) dst(%dma_wait3A_318 : memref<64x384xf32, #tpu.memory_space<vmem>>)
    %dma_wait3A_325 = arith.constant 0 : i32
    %dma_wait3A_326 = arith.constant 0 : i32
    %dma_wait3A_327 = arith.constant 0 : i32
    %dma_wait3A_328 = tpu.memref_slice %arg6[%dma_wait3A_325, %dma_wait3A_326, %dma_wait3A_327] : memref<4x64x384xf32, #tpu.memory_space<vmem>> -> memref<1x64x384xf32, #tpu.memory_space<vmem>>
    %dma_wait3A_329 = tpu.memref_squeeze %dma_wait3A_328 : memref<1x64x384xf32, #tpu.memory_space<vmem>> -> memref<64x384xf32, #tpu.memory_space<vmem>>
    %dma_wait3A_330 = arith.constant 0 : i32
    %dma_wait3A_331 = tpu.memref_slice %arg4[%add3A_247, %dma_wait3A_330] : memref<32768x384xf32, #tpu.memory_space<hbm>> -> memref<64x384xf32, #tpu.memory_space<hbm>>
    %dma_wait3A_332 = arith.constant 0 : i32
    %dma_wait3A_333 = tpu.memref_slice %arg4[%add3A_247, %dma_wait3A_332] : memref<32768x384xf32, #tpu.memory_space<hbm>> -> memref<64x384xf32, #tpu.memory_space<hbm>>
    %dma_wait3A_334 = arith.constant 0 : i32
    %dma_wait3A_335 = arith.constant 0 : i32
    %dma_wait3A_336 = tpu.memref_slice %arg6[%dma_wait3A_325, %dma_wait3A_334, %dma_wait3A_335] : memref<4x64x384xf32, #tpu.memory_space<vmem>> -> memref<1x64x384xf32, #tpu.memory_space<vmem>>
    %dma_wait3A_337 = tpu.memref_squeeze %dma_wait3A_336 : memref<1x64x384xf32, #tpu.memory_space<vmem>> -> memref<64x384xf32, #tpu.memory_space<vmem>>
    tpu.wait_dma2 semaphore(%arg11 : memref<!tpu.dma_semaphore, #tpu.memory_space<semaphore_mem>>) src(%dma_wait3A_337 : memref<64x384xf32, #tpu.memory_space<vmem>>) dst(%dma_wait3A_333 : memref<64x384xf32, #tpu.memory_space<hbm>>)
    %dma_start3A_338 = arith.constant 8 : i32
    %dma_start3A_339 = arith.constant 0 : i32
    %dma_start3A_340 = arith.constant 0 : i32
    %dma_start3A_341 = arith.constant 0 : i32
    %dma_start3A_342 = tpu.memref_slice %arg6[%dma_start3A_339, %dma_start3A_340, %dma_start3A_341] : memref<4x64x384xf32, #tpu.memory_space<vmem>> -> memref<1x64x384xf32, #tpu.memory_space<vmem>>
    %dma_start3A_343 = tpu.memref_squeeze %dma_start3A_342 : memref<1x64x384xf32, #tpu.memory_space<vmem>> -> memref<64x384xf32, #tpu.memory_space<vmem>>
    %dma_start3A_344 = arith.constant 0 : i32
    %dma_start3A_345 = tpu.memref_slice %arg5[%dma_start3A_338, %dma_start3A_344] : memref<16x64xi32, #tpu.memory_space<vmem>> -> memref<1x64xi32, #tpu.memory_space<vmem>>
    %dma_start3A_346 = tpu.memref_squeeze %dma_start3A_345 : memref<1x64xi32, #tpu.memory_space<vmem>> -> memref<64xi32, #tpu.memory_space<vmem>>
    %dma_start3A_347 = arith.constant 0 : i32
    %dma_start3A_348 = arith.constant 0 : i32
    %dma_start3A_349 = tpu.memref_slice %arg2[%dma_start3A_347, %dma_start3A_348] : memref<512x384xf32, #tpu.memory_space<hbm>> -> memref<512x384xf32, #tpu.memory_space<hbm>>
    tpu.enqueue_indirect_dma source(%dma_start3A_349 : memref<512x384xf32, #tpu.memory_space<hbm>>) target(%dma_start3A_343 : memref<64x384xf32, #tpu.memory_space<vmem>>) offsets(%dma_start3A_346 : memref<64xi32, #tpu.memory_space<vmem>>) semaphore(%arg7 : memref<!tpu.dma_semaphore, #tpu.memory_space<semaphore_mem>>)
    %add3A_350 = arith.constant 384 : i32
    %add3A_351 = arith.addi %mul3A_4, %add3A_350 : i32
    %dma_start3A_352 = arith.constant 2 : i32
    %dma_start3A_353 = arith.constant 0 : i32
    %dma_start3A_354 = arith.constant 0 : i32
    %dma_start3A_355 = tpu.memref_slice %arg6[%dma_start3A_352, %dma_start3A_353, %dma_start3A_354] : memref<4x64x384xf32, #tpu.memory_space<vmem>> -> memref<1x64x384xf32, #tpu.memory_space<vmem>>
    %dma_start3A_356 = tpu.memref_squeeze %dma_start3A_355 : memref<1x64x384xf32, #tpu.memory_space<vmem>> -> memref<64x384xf32, #tpu.memory_space<vmem>>
    %dma_start3A_357 = arith.constant 0 : i32
    %dma_start3A_358 = tpu.memref_slice %arg4[%add3A_351, %dma_start3A_357] : memref<32768x384xf32, #tpu.memory_space<hbm>> -> memref<64x384xf32, #tpu.memory_space<hbm>>
    %dma_start3A_359 = arith.constant 0 : i32
    %dma_start3A_360 = tpu.memref_slice %arg4[%add3A_351, %dma_start3A_359] : memref<32768x384xf32, #tpu.memory_space<hbm>> -> memref<64x384xf32, #tpu.memory_space<hbm>>
    %dma_start3A_361 = arith.constant 0 : i32
    %dma_start3A_362 = arith.constant 0 : i32
    %dma_start3A_363 = tpu.memref_slice %arg6[%dma_start3A_352, %dma_start3A_361, %dma_start3A_362] : memref<4x64x384xf32, #tpu.memory_space<vmem>> -> memref<1x64x384xf32, #tpu.memory_space<vmem>>
    %dma_start3A_364 = tpu.memref_squeeze %dma_start3A_363 : memref<1x64x384xf32, #tpu.memory_space<vmem>> -> memref<64x384xf32, #tpu.memory_space<vmem>>
    tpu.enqueue_dma source(%dma_start3A_364 : memref<64x384xf32, #tpu.memory_space<vmem>>) target(%dma_start3A_360 : memref<64x384xf32, #tpu.memory_space<hbm>>) target_semaphore(%arg13 : memref<!tpu.dma_semaphore, #tpu.memory_space<semaphore_mem>>)
    %dma_wait3A_365 = arith.constant 7 : i32
    %dma_wait3A_366 = arith.constant 3 : i32
    %dma_wait3A_367 = arith.constant 0 : i32
    %dma_wait3A_368 = arith.constant 0 : i32
    %dma_wait3A_369 = tpu.memref_slice %arg6[%dma_wait3A_366, %dma_wait3A_367, %dma_wait3A_368] : memref<4x64x384xf32, #tpu.memory_space<vmem>> -> memref<1x64x384xf32, #tpu.memory_space<vmem>>
    %dma_wait3A_370 = tpu.memref_squeeze %dma_wait3A_369 : memref<1x64x384xf32, #tpu.memory_space<vmem>> -> memref<64x384xf32, #tpu.memory_space<vmem>>
    %dma_wait3A_371 = arith.constant 0 : i32
    %dma_wait3A_372 = tpu.memref_slice %arg5[%dma_wait3A_365, %dma_wait3A_371] : memref<16x64xi32, #tpu.memory_space<vmem>> -> memref<1x64xi32, #tpu.memory_space<vmem>>
    %dma_wait3A_373 = tpu.memref_squeeze %dma_wait3A_372 : memref<1x64xi32, #tpu.memory_space<vmem>> -> memref<64xi32, #tpu.memory_space<vmem>>
    %dma_wait3A_374 = arith.constant 0 : i32
    %dma_wait3A_375 = arith.constant 0 : i32
    %dma_wait3A_376 = tpu.memref_slice %arg2[%dma_wait3A_374, %dma_wait3A_375] : memref<512x384xf32, #tpu.memory_space<hbm>> -> memref<512x384xf32, #tpu.memory_space<hbm>>
    tpu.wait_indirect_dma semaphore(%arg10 : memref<!tpu.dma_semaphore, #tpu.memory_space<semaphore_mem>>) src(%dma_wait3A_376 : memref<512x384xf32, #tpu.memory_space<hbm>>) dst(%dma_wait3A_370 : memref<64x384xf32, #tpu.memory_space<vmem>>)
    %dma_wait3A_377 = arith.constant 1 : i32
    %dma_wait3A_378 = arith.constant 0 : i32
    %dma_wait3A_379 = arith.constant 0 : i32
    %dma_wait3A_380 = tpu.memref_slice %arg6[%dma_wait3A_377, %dma_wait3A_378, %dma_wait3A_379] : memref<4x64x384xf32, #tpu.memory_space<vmem>> -> memref<1x64x384xf32, #tpu.memory_space<vmem>>
    %dma_wait3A_381 = tpu.memref_squeeze %dma_wait3A_380 : memref<1x64x384xf32, #tpu.memory_space<vmem>> -> memref<64x384xf32, #tpu.memory_space<vmem>>
    %dma_wait3A_382 = arith.constant 0 : i32
    %dma_wait3A_383 = tpu.memref_slice %arg4[%add3A_299, %dma_wait3A_382] : memref<32768x384xf32, #tpu.memory_space<hbm>> -> memref<64x384xf32, #tpu.memory_space<hbm>>
    %dma_wait3A_384 = arith.constant 0 : i32
    %dma_wait3A_385 = tpu.memref_slice %arg4[%add3A_299, %dma_wait3A_384] : memref<32768x384xf32, #tpu.memory_space<hbm>> -> memref<64x384xf32, #tpu.memory_space<hbm>>
    %dma_wait3A_386 = arith.constant 0 : i32
    %dma_wait3A_387 = arith.constant 0 : i32
    %dma_wait3A_388 = tpu.memref_slice %arg6[%dma_wait3A_377, %dma_wait3A_386, %dma_wait3A_387] : memref<4x64x384xf32, #tpu.memory_space<vmem>> -> memref<1x64x384xf32, #tpu.memory_space<vmem>>
    %dma_wait3A_389 = tpu.memref_squeeze %dma_wait3A_388 : memref<1x64x384xf32, #tpu.memory_space<vmem>> -> memref<64x384xf32, #tpu.memory_space<vmem>>
    tpu.wait_dma2 semaphore(%arg12 : memref<!tpu.dma_semaphore, #tpu.memory_space<semaphore_mem>>) src(%dma_wait3A_389 : memref<64x384xf32, #tpu.memory_space<vmem>>) dst(%dma_wait3A_385 : memref<64x384xf32, #tpu.memory_space<hbm>>)
    %dma_start3A_390 = arith.constant 9 : i32
    %dma_start3A_391 = arith.constant 1 : i32
    %dma_start3A_392 = arith.constant 0 : i32
    %dma_start3A_393 = arith.constant 0 : i32
    %dma_start3A_394 = tpu.memref_slice %arg6[%dma_start3A_391, %dma_start3A_392, %dma_start3A_393] : memref<4x64x384xf32, #tpu.memory_space<vmem>> -> memref<1x64x384xf32, #tpu.memory_space<vmem>>
    %dma_start3A_395 = tpu.memref_squeeze %dma_start3A_394 : memref<1x64x384xf32, #tpu.memory_space<vmem>> -> memref<64x384xf32, #tpu.memory_space<vmem>>
    %dma_start3A_396 = arith.constant 0 : i32
    %dma_start3A_397 = tpu.memref_slice %arg5[%dma_start3A_390, %dma_start3A_396] : memref<16x64xi32, #tpu.memory_space<vmem>> -> memref<1x64xi32, #tpu.memory_space<vmem>>
    %dma_start3A_398 = tpu.memref_squeeze %dma_start3A_397 : memref<1x64xi32, #tpu.memory_space<vmem>> -> memref<64xi32, #tpu.memory_space<vmem>>
    %dma_start3A_399 = arith.constant 0 : i32
    %dma_start3A_400 = arith.constant 0 : i32
    %dma_start3A_401 = tpu.memref_slice %arg2[%dma_start3A_399, %dma_start3A_400] : memref<512x384xf32, #tpu.memory_space<hbm>> -> memref<512x384xf32, #tpu.memory_space<hbm>>
    tpu.enqueue_indirect_dma source(%dma_start3A_401 : memref<512x384xf32, #tpu.memory_space<hbm>>) target(%dma_start3A_395 : memref<64x384xf32, #tpu.memory_space<vmem>>) offsets(%dma_start3A_398 : memref<64xi32, #tpu.memory_space<vmem>>) semaphore(%arg8 : memref<!tpu.dma_semaphore, #tpu.memory_space<semaphore_mem>>)
    %add3A_402 = arith.constant 448 : i32
    %add3A_403 = arith.addi %mul3A_4, %add3A_402 : i32
    %dma_start3A_404 = arith.constant 3 : i32
    %dma_start3A_405 = arith.constant 0 : i32
    %dma_start3A_406 = arith.constant 0 : i32
    %dma_start3A_407 = tpu.memref_slice %arg6[%dma_start3A_404, %dma_start3A_405, %dma_start3A_406] : memref<4x64x384xf32, #tpu.memory_space<vmem>> -> memref<1x64x384xf32, #tpu.memory_space<vmem>>
    %dma_start3A_408 = tpu.memref_squeeze %dma_start3A_407 : memref<1x64x384xf32, #tpu.memory_space<vmem>> -> memref<64x384xf32, #tpu.memory_space<vmem>>
    %dma_start3A_409 = arith.constant 0 : i32
    %dma_start3A_410 = tpu.memref_slice %arg4[%add3A_403, %dma_start3A_409] : memref<32768x384xf32, #tpu.memory_space<hbm>> -> memref<64x384xf32, #tpu.memory_space<hbm>>
    %dma_start3A_411 = arith.constant 0 : i32
    %dma_start3A_412 = tpu.memref_slice %arg4[%add3A_403, %dma_start3A_411] : memref<32768x384xf32, #tpu.memory_space<hbm>> -> memref<64x384xf32, #tpu.memory_space<hbm>>
    %dma_start3A_413 = arith.constant 0 : i32
    %dma_start3A_414 = arith.constant 0 : i32
    %dma_start3A_415 = tpu.memref_slice %arg6[%dma_start3A_404, %dma_start3A_413, %dma_start3A_414] : memref<4x64x384xf32, #tpu.memory_space<vmem>> -> memref<1x64x384xf32, #tpu.memory_space<vmem>>
    %dma_start3A_416 = tpu.memref_squeeze %dma_start3A_415 : memref<1x64x384xf32, #tpu.memory_space<vmem>> -> memref<64x384xf32, #tpu.memory_space<vmem>>
    tpu.enqueue_dma source(%dma_start3A_416 : memref<64x384xf32, #tpu.memory_space<vmem>>) target(%dma_start3A_412 : memref<64x384xf32, #tpu.memory_space<hbm>>) target_semaphore(%arg14 : memref<!tpu.dma_semaphore, #tpu.memory_space<semaphore_mem>>)
    %dma_wait3A_417 = arith.constant 8 : i32
    %dma_wait3A_418 = arith.constant 0 : i32
    %dma_wait3A_419 = arith.constant 0 : i32
    %dma_wait3A_420 = arith.constant 0 : i32
    %dma_wait3A_421 = tpu.memref_slice %arg6[%dma_wait3A_418, %dma_wait3A_419, %dma_wait3A_420] : memref<4x64x384xf32, #tpu.memory_space<vmem>> -> memref<1x64x384xf32, #tpu.memory_space<vmem>>
    %dma_wait3A_422 = tpu.memref_squeeze %dma_wait3A_421 : memref<1x64x384xf32, #tpu.memory_space<vmem>> -> memref<64x384xf32, #tpu.memory_space<vmem>>
    %dma_wait3A_423 = arith.constant 0 : i32
    %dma_wait3A_424 = tpu.memref_slice %arg5[%dma_wait3A_417, %dma_wait3A_423] : memref<16x64xi32, #tpu.memory_space<vmem>> -> memref<1x64xi32, #tpu.memory_space<vmem>>
    %dma_wait3A_425 = tpu.memref_squeeze %dma_wait3A_424 : memref<1x64xi32, #tpu.memory_space<vmem>> -> memref<64xi32, #tpu.memory_space<vmem>>
    %dma_wait3A_426 = arith.constant 0 : i32
    %dma_wait3A_427 = arith.constant 0 : i32
    %dma_wait3A_428 = tpu.memref_slice %arg2[%dma_wait3A_426, %dma_wait3A_427] : memref<512x384xf32, #tpu.memory_space<hbm>> -> memref<512x384xf32, #tpu.memory_space<hbm>>
    tpu.wait_indirect_dma semaphore(%arg7 : memref<!tpu.dma_semaphore, #tpu.memory_space<semaphore_mem>>) src(%dma_wait3A_428 : memref<512x384xf32, #tpu.memory_space<hbm>>) dst(%dma_wait3A_422 : memref<64x384xf32, #tpu.memory_space<vmem>>)
    %dma_wait3A_429 = arith.constant 2 : i32
    %dma_wait3A_430 = arith.constant 0 : i32
    %dma_wait3A_431 = arith.constant 0 : i32
    %dma_wait3A_432 = tpu.memref_slice %arg6[%dma_wait3A_429, %dma_wait3A_430, %dma_wait3A_431] : memref<4x64x384xf32, #tpu.memory_space<vmem>> -> memref<1x64x384xf32, #tpu.memory_space<vmem>>
    %dma_wait3A_433 = tpu.memref_squeeze %dma_wait3A_432 : memref<1x64x384xf32, #tpu.memory_space<vmem>> -> memref<64x384xf32, #tpu.memory_space<vmem>>
    %dma_wait3A_434 = arith.constant 0 : i32
    %dma_wait3A_435 = tpu.memref_slice %arg4[%add3A_351, %dma_wait3A_434] : memref<32768x384xf32, #tpu.memory_space<hbm>> -> memref<64x384xf32, #tpu.memory_space<hbm>>
    %dma_wait3A_436 = arith.constant 0 : i32
    %dma_wait3A_437 = tpu.memref_slice %arg4[%add3A_351, %dma_wait3A_436] : memref<32768x384xf32, #tpu.memory_space<hbm>> -> memref<64x384xf32, #tpu.memory_space<hbm>>
    %dma_wait3A_438 = arith.constant 0 : i32
    %dma_wait3A_439 = arith.constant 0 : i32
    %dma_wait3A_440 = tpu.memref_slice %arg6[%dma_wait3A_429, %dma_wait3A_438, %dma_wait3A_439] : memref<4x64x384xf32, #tpu.memory_space<vmem>> -> memref<1x64x384xf32, #tpu.memory_space<vmem>>
    %dma_wait3A_441 = tpu.memref_squeeze %dma_wait3A_440 : memref<1x64x384xf32, #tpu.memory_space<vmem>> -> memref<64x384xf32, #tpu.memory_space<vmem>>
    tpu.wait_dma2 semaphore(%arg13 : memref<!tpu.dma_semaphore, #tpu.memory_space<semaphore_mem>>) src(%dma_wait3A_441 : memref<64x384xf32, #tpu.memory_space<vmem>>) dst(%dma_wait3A_437 : memref<64x384xf32, #tpu.memory_space<hbm>>)
    %dma_start3A_442 = arith.constant 10 : i32
    %dma_start3A_443 = arith.constant 2 : i32
    %dma_start3A_444 = arith.constant 0 : i32
    %dma_start3A_445 = arith.constant 0 : i32
    %dma_start3A_446 = tpu.memref_slice %arg6[%dma_start3A_443, %dma_start3A_444, %dma_start3A_445] : memref<4x64x384xf32, #tpu.memory_space<vmem>> -> memref<1x64x384xf32, #tpu.memory_space<vmem>>
    %dma_start3A_447 = tpu.memref_squeeze %dma_start3A_446 : memref<1x64x384xf32, #tpu.memory_space<vmem>> -> memref<64x384xf32, #tpu.memory_space<vmem>>
    %dma_start3A_448 = arith.constant 0 : i32
    %dma_start3A_449 = tpu.memref_slice %arg5[%dma_start3A_442, %dma_start3A_448] : memref<16x64xi32, #tpu.memory_space<vmem>> -> memref<1x64xi32, #tpu.memory_space<vmem>>
    %dma_start3A_450 = tpu.memref_squeeze %dma_start3A_449 : memref<1x64xi32, #tpu.memory_space<vmem>> -> memref<64xi32, #tpu.memory_space<vmem>>
    %dma_start3A_451 = arith.constant 0 : i32
    %dma_start3A_452 = arith.constant 0 : i32
    %dma_start3A_453 = tpu.memref_slice %arg2[%dma_start3A_451, %dma_start3A_452] : memref<512x384xf32, #tpu.memory_space<hbm>> -> memref<512x384xf32, #tpu.memory_space<hbm>>
    tpu.enqueue_indirect_dma source(%dma_start3A_453 : memref<512x384xf32, #tpu.memory_space<hbm>>) target(%dma_start3A_447 : memref<64x384xf32, #tpu.memory_space<vmem>>) offsets(%dma_start3A_450 : memref<64xi32, #tpu.memory_space<vmem>>) semaphore(%arg9 : memref<!tpu.dma_semaphore, #tpu.memory_space<semaphore_mem>>)
    %add3A_454 = arith.constant 512 : i32
    %add3A_455 = arith.addi %mul3A_4, %add3A_454 : i32
    %dma_start3A_456 = arith.constant 0 : i32
    %dma_start3A_457 = arith.constant 0 : i32
    %dma_start3A_458 = arith.constant 0 : i32
    %dma_start3A_459 = tpu.memref_slice %arg6[%dma_start3A_456, %dma_start3A_457, %dma_start3A_458] : memref<4x64x384xf32, #tpu.memory_space<vmem>> -> memref<1x64x384xf32, #tpu.memory_space<vmem>>
    %dma_start3A_460 = tpu.memref_squeeze %dma_start3A_459 : memref<1x64x384xf32, #tpu.memory_space<vmem>> -> memref<64x384xf32, #tpu.memory_space<vmem>>
    %dma_start3A_461 = arith.constant 0 : i32
    %dma_start3A_462 = tpu.memref_slice %arg4[%add3A_455, %dma_start3A_461] : memref<32768x384xf32, #tpu.memory_space<hbm>> -> memref<64x384xf32, #tpu.memory_space<hbm>>
    %dma_start3A_463 = arith.constant 0 : i32
    %dma_start3A_464 = tpu.memref_slice %arg4[%add3A_455, %dma_start3A_463] : memref<32768x384xf32, #tpu.memory_space<hbm>> -> memref<64x384xf32, #tpu.memory_space<hbm>>
    %dma_start3A_465 = arith.constant 0 : i32
    %dma_start3A_466 = arith.constant 0 : i32
    %dma_start3A_467 = tpu.memref_slice %arg6[%dma_start3A_456, %dma_start3A_465, %dma_start3A_466] : memref<4x64x384xf32, #tpu.memory_space<vmem>> -> memref<1x64x384xf32, #tpu.memory_space<vmem>>
    %dma_start3A_468 = tpu.memref_squeeze %dma_start3A_467 : memref<1x64x384xf32, #tpu.memory_space<vmem>> -> memref<64x384xf32, #tpu.memory_space<vmem>>
    tpu.enqueue_dma source(%dma_start3A_468 : memref<64x384xf32, #tpu.memory_space<vmem>>) target(%dma_start3A_464 : memref<64x384xf32, #tpu.memory_space<hbm>>) target_semaphore(%arg11 : memref<!tpu.dma_semaphore, #tpu.memory_space<semaphore_mem>>)
    %dma_wait3A_469 = arith.constant 9 : i32
    %dma_wait3A_470 = arith.constant 1 : i32
    %dma_wait3A_471 = arith.constant 0 : i32
    %dma_wait3A_472 = arith.constant 0 : i32
    %dma_wait3A_473 = tpu.memref_slice %arg6[%dma_wait3A_470, %dma_wait3A_471, %dma_wait3A_472] : memref<4x64x384xf32, #tpu.memory_space<vmem>> -> memref<1x64x384xf32, #tpu.memory_space<vmem>>
    %dma_wait3A_474 = tpu.memref_squeeze %dma_wait3A_473 : memref<1x64x384xf32, #tpu.memory_space<vmem>> -> memref<64x384xf32, #tpu.memory_space<vmem>>
    %dma_wait3A_475 = arith.constant 0 : i32
    %dma_wait3A_476 = tpu.memref_slice %arg5[%dma_wait3A_469, %dma_wait3A_475] : memref<16x64xi32, #tpu.memory_space<vmem>> -> memref<1x64xi32, #tpu.memory_space<vmem>>
    %dma_wait3A_477 = tpu.memref_squeeze %dma_wait3A_476 : memref<1x64xi32, #tpu.memory_space<vmem>> -> memref<64xi32, #tpu.memory_space<vmem>>
    %dma_wait3A_478 = arith.constant 0 : i32
    %dma_wait3A_479 = arith.constant 0 : i32
    %dma_wait3A_480 = tpu.memref_slice %arg2[%dma_wait3A_478, %dma_wait3A_479] : memref<512x384xf32, #tpu.memory_space<hbm>> -> memref<512x384xf32, #tpu.memory_space<hbm>>
    tpu.wait_indirect_dma semaphore(%arg8 : memref<!tpu.dma_semaphore, #tpu.memory_space<semaphore_mem>>) src(%dma_wait3A_480 : memref<512x384xf32, #tpu.memory_space<hbm>>) dst(%dma_wait3A_474 : memref<64x384xf32, #tpu.memory_space<vmem>>)
    %dma_wait3A_481 = arith.constant 3 : i32
    %dma_wait3A_482 = arith.constant 0 : i32
    %dma_wait3A_483 = arith.constant 0 : i32
    %dma_wait3A_484 = tpu.memref_slice %arg6[%dma_wait3A_481, %dma_wait3A_482, %dma_wait3A_483] : memref<4x64x384xf32, #tpu.memory_space<vmem>> -> memref<1x64x384xf32, #tpu.memory_space<vmem>>
    %dma_wait3A_485 = tpu.memref_squeeze %dma_wait3A_484 : memref<1x64x384xf32, #tpu.memory_space<vmem>> -> memref<64x384xf32, #tpu.memory_space<vmem>>
    %dma_wait3A_486 = arith.constant 0 : i32
    %dma_wait3A_487 = tpu.memref_slice %arg4[%add3A_403, %dma_wait3A_486] : memref<32768x384xf32, #tpu.memory_space<hbm>> -> memref<64x384xf32, #tpu.memory_space<hbm>>
    %dma_wait3A_488 = arith.constant 0 : i32
    %dma_wait3A_489 = tpu.memref_slice %arg4[%add3A_403, %dma_wait3A_488] : memref<32768x384xf32, #tpu.memory_space<hbm>> -> memref<64x384xf32, #tpu.memory_space<hbm>>
    %dma_wait3A_490 = arith.constant 0 : i32
    %dma_wait3A_491 = arith.constant 0 : i32
    %dma_wait3A_492 = tpu.memref_slice %arg6[%dma_wait3A_481, %dma_wait3A_490, %dma_wait3A_491] : memref<4x64x384xf32, #tpu.memory_space<vmem>> -> memref<1x64x384xf32, #tpu.memory_space<vmem>>
    %dma_wait3A_493 = tpu.memref_squeeze %dma_wait3A_492 : memref<1x64x384xf32, #tpu.memory_space<vmem>> -> memref<64x384xf32, #tpu.memory_space<vmem>>
    tpu.wait_dma2 semaphore(%arg14 : memref<!tpu.dma_semaphore, #tpu.memory_space<semaphore_mem>>) src(%dma_wait3A_493 : memref<64x384xf32, #tpu.memory_space<vmem>>) dst(%dma_wait3A_489 : memref<64x384xf32, #tpu.memory_space<hbm>>)
    %dma_start3A_494 = arith.constant 11 : i32
    %dma_start3A_495 = arith.constant 3 : i32
    %dma_start3A_496 = arith.constant 0 : i32
    %dma_start3A_497 = arith.constant 0 : i32
    %dma_start3A_498 = tpu.memref_slice %arg6[%dma_start3A_495, %dma_start3A_496, %dma_start3A_497] : memref<4x64x384xf32, #tpu.memory_space<vmem>> -> memref<1x64x384xf32, #tpu.memory_space<vmem>>
    %dma_start3A_499 = tpu.memref_squeeze %dma_start3A_498 : memref<1x64x384xf32, #tpu.memory_space<vmem>> -> memref<64x384xf32, #tpu.memory_space<vmem>>
    %dma_start3A_500 = arith.constant 0 : i32
    %dma_start3A_501 = tpu.memref_slice %arg5[%dma_start3A_494, %dma_start3A_500] : memref<16x64xi32, #tpu.memory_space<vmem>> -> memref<1x64xi32, #tpu.memory_space<vmem>>
    %dma_start3A_502 = tpu.memref_squeeze %dma_start3A_501 : memref<1x64xi32, #tpu.memory_space<vmem>> -> memref<64xi32, #tpu.memory_space<vmem>>
    %dma_start3A_503 = arith.constant 0 : i32
    %dma_start3A_504 = arith.constant 0 : i32
    %dma_start3A_505 = tpu.memref_slice %arg2[%dma_start3A_503, %dma_start3A_504] : memref<512x384xf32, #tpu.memory_space<hbm>> -> memref<512x384xf32, #tpu.memory_space<hbm>>
    tpu.enqueue_indirect_dma source(%dma_start3A_505 : memref<512x384xf32, #tpu.memory_space<hbm>>) target(%dma_start3A_499 : memref<64x384xf32, #tpu.memory_space<vmem>>) offsets(%dma_start3A_502 : memref<64xi32, #tpu.memory_space<vmem>>) semaphore(%arg10 : memref<!tpu.dma_semaphore, #tpu.memory_space<semaphore_mem>>)
    %add3A_506 = arith.constant 576 : i32
    %add3A_507 = arith.addi %mul3A_4, %add3A_506 : i32
    %dma_start3A_508 = arith.constant 1 : i32
    %dma_start3A_509 = arith.constant 0 : i32
    %dma_start3A_510 = arith.constant 0 : i32
    %dma_start3A_511 = tpu.memref_slice %arg6[%dma_start3A_508, %dma_start3A_509, %dma_start3A_510] : memref<4x64x384xf32, #tpu.memory_space<vmem>> -> memref<1x64x384xf32, #tpu.memory_space<vmem>>
    %dma_start3A_512 = tpu.memref_squeeze %dma_start3A_511 : memref<1x64x384xf32, #tpu.memory_space<vmem>> -> memref<64x384xf32, #tpu.memory_space<vmem>>
    %dma_start3A_513 = arith.constant 0 : i32
    %dma_start3A_514 = tpu.memref_slice %arg4[%add3A_507, %dma_start3A_513] : memref<32768x384xf32, #tpu.memory_space<hbm>> -> memref<64x384xf32, #tpu.memory_space<hbm>>
    %dma_start3A_515 = arith.constant 0 : i32
    %dma_start3A_516 = tpu.memref_slice %arg4[%add3A_507, %dma_start3A_515] : memref<32768x384xf32, #tpu.memory_space<hbm>> -> memref<64x384xf32, #tpu.memory_space<hbm>>
    %dma_start3A_517 = arith.constant 0 : i32
    %dma_start3A_518 = arith.constant 0 : i32
    %dma_start3A_519 = tpu.memref_slice %arg6[%dma_start3A_508, %dma_start3A_517, %dma_start3A_518] : memref<4x64x384xf32, #tpu.memory_space<vmem>> -> memref<1x64x384xf32, #tpu.memory_space<vmem>>
    %dma_start3A_520 = tpu.memref_squeeze %dma_start3A_519 : memref<1x64x384xf32, #tpu.memory_space<vmem>> -> memref<64x384xf32, #tpu.memory_space<vmem>>
    tpu.enqueue_dma source(%dma_start3A_520 : memref<64x384xf32, #tpu.memory_space<vmem>>) target(%dma_start3A_516 : memref<64x384xf32, #tpu.memory_space<hbm>>) target_semaphore(%arg12 : memref<!tpu.dma_semaphore, #tpu.memory_space<semaphore_mem>>)
    %dma_wait3A_521 = arith.constant 10 : i32
    %dma_wait3A_522 = arith.constant 2 : i32
    %dma_wait3A_523 = arith.constant 0 : i32
    %dma_wait3A_524 = arith.constant 0 : i32
    %dma_wait3A_525 = tpu.memref_slice %arg6[%dma_wait3A_522, %dma_wait3A_523, %dma_wait3A_524] : memref<4x64x384xf32, #tpu.memory_space<vmem>> -> memref<1x64x384xf32, #tpu.memory_space<vmem>>
    %dma_wait3A_526 = tpu.memref_squeeze %dma_wait3A_525 : memref<1x64x384xf32, #tpu.memory_space<vmem>> -> memref<64x384xf32, #tpu.memory_space<vmem>>
    %dma_wait3A_527 = arith.constant 0 : i32
    %dma_wait3A_528 = tpu.memref_slice %arg5[%dma_wait3A_521, %dma_wait3A_527] : memref<16x64xi32, #tpu.memory_space<vmem>> -> memref<1x64xi32, #tpu.memory_space<vmem>>
    %dma_wait3A_529 = tpu.memref_squeeze %dma_wait3A_528 : memref<1x64xi32, #tpu.memory_space<vmem>> -> memref<64xi32, #tpu.memory_space<vmem>>
    %dma_wait3A_530 = arith.constant 0 : i32
    %dma_wait3A_531 = arith.constant 0 : i32
    %dma_wait3A_532 = tpu.memref_slice %arg2[%dma_wait3A_530, %dma_wait3A_531] : memref<512x384xf32, #tpu.memory_space<hbm>> -> memref<512x384xf32, #tpu.memory_space<hbm>>
    tpu.wait_indirect_dma semaphore(%arg9 : memref<!tpu.dma_semaphore, #tpu.memory_space<semaphore_mem>>) src(%dma_wait3A_532 : memref<512x384xf32, #tpu.memory_space<hbm>>) dst(%dma_wait3A_526 : memref<64x384xf32, #tpu.memory_space<vmem>>)
    %dma_wait3A_533 = arith.constant 0 : i32
    %dma_wait3A_534 = arith.constant 0 : i32
    %dma_wait3A_535 = arith.constant 0 : i32
    %dma_wait3A_536 = tpu.memref_slice %arg6[%dma_wait3A_533, %dma_wait3A_534, %dma_wait3A_535] : memref<4x64x384xf32, #tpu.memory_space<vmem>> -> memref<1x64x384xf32, #tpu.memory_space<vmem>>
    %dma_wait3A_537 = tpu.memref_squeeze %dma_wait3A_536 : memref<1x64x384xf32, #tpu.memory_space<vmem>> -> memref<64x384xf32, #tpu.memory_space<vmem>>
    %dma_wait3A_538 = arith.constant 0 : i32
    %dma_wait3A_539 = tpu.memref_slice %arg4[%add3A_455, %dma_wait3A_538] : memref<32768x384xf32, #tpu.memory_space<hbm>> -> memref<64x384xf32, #tpu.memory_space<hbm>>
    %dma_wait3A_540 = arith.constant 0 : i32
    %dma_wait3A_541 = tpu.memref_slice %arg4[%add3A_455, %dma_wait3A_540] : memref<32768x384xf32, #tpu.memory_space<hbm>> -> memref<64x384xf32, #tpu.memory_space<hbm>>
    %dma_wait3A_542 = arith.constant 0 : i32
    %dma_wait3A_543 = arith.constant 0 : i32
    %dma_wait3A_544 = tpu.memref_slice %arg6[%dma_wait3A_533, %dma_wait3A_542, %dma_wait3A_543] : memref<4x64x384xf32, #tpu.memory_space<vmem>> -> memref<1x64x384xf32, #tpu.memory_space<vmem>>
    %dma_wait3A_545 = tpu.memref_squeeze %dma_wait3A_544 : memref<1x64x384xf32, #tpu.memory_space<vmem>> -> memref<64x384xf32, #tpu.memory_space<vmem>>
    tpu.wait_dma2 semaphore(%arg11 : memref<!tpu.dma_semaphore, #tpu.memory_space<semaphore_mem>>) src(%dma_wait3A_545 : memref<64x384xf32, #tpu.memory_space<vmem>>) dst(%dma_wait3A_541 : memref<64x384xf32, #tpu.memory_space<hbm>>)
    %dma_start3A_546 = arith.constant 12 : i32
    %dma_start3A_547 = arith.constant 0 : i32
    %dma_start3A_548 = arith.constant 0 : i32
    %dma_start3A_549 = arith.constant 0 : i32
    %dma_start3A_550 = tpu.memref_slice %arg6[%dma_start3A_547, %dma_start3A_548, %dma_start3A_549] : memref<4x64x384xf32, #tpu.memory_space<vmem>> -> memref<1x64x384xf32, #tpu.memory_space<vmem>>
    %dma_start3A_551 = tpu.memref_squeeze %dma_start3A_550 : memref<1x64x384xf32, #tpu.memory_space<vmem>> -> memref<64x384xf32, #tpu.memory_space<vmem>>
    %dma_start3A_552 = arith.constant 0 : i32
    %dma_start3A_553 = tpu.memref_slice %arg5[%dma_start3A_546, %dma_start3A_552] : memref<16x64xi32, #tpu.memory_space<vmem>> -> memref<1x64xi32, #tpu.memory_space<vmem>>
    %dma_start3A_554 = tpu.memref_squeeze %dma_start3A_553 : memref<1x64xi32, #tpu.memory_space<vmem>> -> memref<64xi32, #tpu.memory_space<vmem>>
    %dma_start3A_555 = arith.constant 0 : i32
    %dma_start3A_556 = arith.constant 0 : i32
    %dma_start3A_557 = tpu.memref_slice %arg2[%dma_start3A_555, %dma_start3A_556] : memref<512x384xf32, #tpu.memory_space<hbm>> -> memref<512x384xf32, #tpu.memory_space<hbm>>
    tpu.enqueue_indirect_dma source(%dma_start3A_557 : memref<512x384xf32, #tpu.memory_space<hbm>>) target(%dma_start3A_551 : memref<64x384xf32, #tpu.memory_space<vmem>>) offsets(%dma_start3A_554 : memref<64xi32, #tpu.memory_space<vmem>>) semaphore(%arg7 : memref<!tpu.dma_semaphore, #tpu.memory_space<semaphore_mem>>)
    %add3A_558 = arith.constant 640 : i32
    %add3A_559 = arith.addi %mul3A_4, %add3A_558 : i32
    %dma_start3A_560 = arith.constant 2 : i32
    %dma_start3A_561 = arith.constant 0 : i32
    %dma_start3A_562 = arith.constant 0 : i32
    %dma_start3A_563 = tpu.memref_slice %arg6[%dma_start3A_560, %dma_start3A_561, %dma_start3A_562] : memref<4x64x384xf32, #tpu.memory_space<vmem>> -> memref<1x64x384xf32, #tpu.memory_space<vmem>>
    %dma_start3A_564 = tpu.memref_squeeze %dma_start3A_563 : memref<1x64x384xf32, #tpu.memory_space<vmem>> -> memref<64x384xf32, #tpu.memory_space<vmem>>
    %dma_start3A_565 = arith.constant 0 : i32
    %dma_start3A_566 = tpu.memref_slice %arg4[%add3A_559, %dma_start3A_565] : memref<32768x384xf32, #tpu.memory_space<hbm>> -> memref<64x384xf32, #tpu.memory_space<hbm>>
    %dma_start3A_567 = arith.constant 0 : i32
    %dma_start3A_568 = tpu.memref_slice %arg4[%add3A_559, %dma_start3A_567] : memref<32768x384xf32, #tpu.memory_space<hbm>> -> memref<64x384xf32, #tpu.memory_space<hbm>>
    %dma_start3A_569 = arith.constant 0 : i32
    %dma_start3A_570 = arith.constant 0 : i32
    %dma_start3A_571 = tpu.memref_slice %arg6[%dma_start3A_560, %dma_start3A_569, %dma_start3A_570] : memref<4x64x384xf32, #tpu.memory_space<vmem>> -> memref<1x64x384xf32, #tpu.memory_space<vmem>>
    %dma_start3A_572 = tpu.memref_squeeze %dma_start3A_571 : memref<1x64x384xf32, #tpu.memory_space<vmem>> -> memref<64x384xf32, #tpu.memory_space<vmem>>
    tpu.enqueue_dma source(%dma_start3A_572 : memref<64x384xf32, #tpu.memory_space<vmem>>) target(%dma_start3A_568 : memref<64x384xf32, #tpu.memory_space<hbm>>) target_semaphore(%arg13 : memref<!tpu.dma_semaphore, #tpu.memory_space<semaphore_mem>>)
    %dma_wait3A_573 = arith.constant 11 : i32
    %dma_wait3A_574 = arith.constant 3 : i32
    %dma_wait3A_575 = arith.constant 0 : i32
    %dma_wait3A_576 = arith.constant 0 : i32
    %dma_wait3A_577 = tpu.memref_slice %arg6[%dma_wait3A_574, %dma_wait3A_575, %dma_wait3A_576] : memref<4x64x384xf32, #tpu.memory_space<vmem>> -> memref<1x64x384xf32, #tpu.memory_space<vmem>>
    %dma_wait3A_578 = tpu.memref_squeeze %dma_wait3A_577 : memref<1x64x384xf32, #tpu.memory_space<vmem>> -> memref<64x384xf32, #tpu.memory_space<vmem>>
    %dma_wait3A_579 = arith.constant 0 : i32
    %dma_wait3A_580 = tpu.memref_slice %arg5[%dma_wait3A_573, %dma_wait3A_579] : memref<16x64xi32, #tpu.memory_space<vmem>> -> memref<1x64xi32, #tpu.memory_space<vmem>>
    %dma_wait3A_581 = tpu.memref_squeeze %dma_wait3A_580 : memref<1x64xi32, #tpu.memory_space<vmem>> -> memref<64xi32, #tpu.memory_space<vmem>>
    %dma_wait3A_582 = arith.constant 0 : i32
    %dma_wait3A_583 = arith.constant 0 : i32
    %dma_wait3A_584 = tpu.memref_slice %arg2[%dma_wait3A_582, %dma_wait3A_583] : memref<512x384xf32, #tpu.memory_space<hbm>> -> memref<512x384xf32, #tpu.memory_space<hbm>>
    tpu.wait_indirect_dma semaphore(%arg10 : memref<!tpu.dma_semaphore, #tpu.memory_space<semaphore_mem>>) src(%dma_wait3A_584 : memref<512x384xf32, #tpu.memory_space<hbm>>) dst(%dma_wait3A_578 : memref<64x384xf32, #tpu.memory_space<vmem>>)
    %dma_wait3A_585 = arith.constant 1 : i32
    %dma_wait3A_586 = arith.constant 0 : i32
    %dma_wait3A_587 = arith.constant 0 : i32
    %dma_wait3A_588 = tpu.memref_slice %arg6[%dma_wait3A_585, %dma_wait3A_586, %dma_wait3A_587] : memref<4x64x384xf32, #tpu.memory_space<vmem>> -> memref<1x64x384xf32, #tpu.memory_space<vmem>>
    %dma_wait3A_589 = tpu.memref_squeeze %dma_wait3A_588 : memref<1x64x384xf32, #tpu.memory_space<vmem>> -> memref<64x384xf32, #tpu.memory_space<vmem>>
    %dma_wait3A_590 = arith.constant 0 : i32
    %dma_wait3A_591 = tpu.memref_slice %arg4[%add3A_507, %dma_wait3A_590] : memref<32768x384xf32, #tpu.memory_space<hbm>> -> memref<64x384xf32, #tpu.memory_space<hbm>>
    %dma_wait3A_592 = arith.constant 0 : i32
    %dma_wait3A_593 = tpu.memref_slice %arg4[%add3A_507, %dma_wait3A_592] : memref<32768x384xf32, #tpu.memory_space<hbm>> -> memref<64x384xf32, #tpu.memory_space<hbm>>
    %dma_wait3A_594 = arith.constant 0 : i32
    %dma_wait3A_595 = arith.constant 0 : i32
    %dma_wait3A_596 = tpu.memref_slice %arg6[%dma_wait3A_585, %dma_wait3A_594, %dma_wait3A_595] : memref<4x64x384xf32, #tpu.memory_space<vmem>> -> memref<1x64x384xf32, #tpu.memory_space<vmem>>
    %dma_wait3A_597 = tpu.memref_squeeze %dma_wait3A_596 : memref<1x64x384xf32, #tpu.memory_space<vmem>> -> memref<64x384xf32, #tpu.memory_space<vmem>>
    tpu.wait_dma2 semaphore(%arg12 : memref<!tpu.dma_semaphore, #tpu.memory_space<semaphore_mem>>) src(%dma_wait3A_597 : memref<64x384xf32, #tpu.memory_space<vmem>>) dst(%dma_wait3A_593 : memref<64x384xf32, #tpu.memory_space<hbm>>)
    %dma_start3A_598 = arith.constant 13 : i32
    %dma_start3A_599 = arith.constant 1 : i32
    %dma_start3A_600 = arith.constant 0 : i32
    %dma_start3A_601 = arith.constant 0 : i32
    %dma_start3A_602 = tpu.memref_slice %arg6[%dma_start3A_599, %dma_start3A_600, %dma_start3A_601] : memref<4x64x384xf32, #tpu.memory_space<vmem>> -> memref<1x64x384xf32, #tpu.memory_space<vmem>>
    %dma_start3A_603 = tpu.memref_squeeze %dma_start3A_602 : memref<1x64x384xf32, #tpu.memory_space<vmem>> -> memref<64x384xf32, #tpu.memory_space<vmem>>
    %dma_start3A_604 = arith.constant 0 : i32
    %dma_start3A_605 = tpu.memref_slice %arg5[%dma_start3A_598, %dma_start3A_604] : memref<16x64xi32, #tpu.memory_space<vmem>> -> memref<1x64xi32, #tpu.memory_space<vmem>>
    %dma_start3A_606 = tpu.memref_squeeze %dma_start3A_605 : memref<1x64xi32, #tpu.memory_space<vmem>> -> memref<64xi32, #tpu.memory_space<vmem>>
    %dma_start3A_607 = arith.constant 0 : i32
    %dma_start3A_608 = arith.constant 0 : i32
    %dma_start3A_609 = tpu.memref_slice %arg2[%dma_start3A_607, %dma_start3A_608] : memref<512x384xf32, #tpu.memory_space<hbm>> -> memref<512x384xf32, #tpu.memory_space<hbm>>
    tpu.enqueue_indirect_dma source(%dma_start3A_609 : memref<512x384xf32, #tpu.memory_space<hbm>>) target(%dma_start3A_603 : memref<64x384xf32, #tpu.memory_space<vmem>>) offsets(%dma_start3A_606 : memref<64xi32, #tpu.memory_space<vmem>>) semaphore(%arg8 : memref<!tpu.dma_semaphore, #tpu.memory_space<semaphore_mem>>)
    %add3A_610 = arith.constant 704 : i32
    %add3A_611 = arith.addi %mul3A_4, %add3A_610 : i32
    %dma_start3A_612 = arith.constant 3 : i32
    %dma_start3A_613 = arith.constant 0 : i32
    %dma_start3A_614 = arith.constant 0 : i32
    %dma_start3A_615 = tpu.memref_slice %arg6[%dma_start3A_612, %dma_start3A_613, %dma_start3A_614] : memref<4x64x384xf32, #tpu.memory_space<vmem>> -> memref<1x64x384xf32, #tpu.memory_space<vmem>>
    %dma_start3A_616 = tpu.memref_squeeze %dma_start3A_615 : memref<1x64x384xf32, #tpu.memory_space<vmem>> -> memref<64x384xf32, #tpu.memory_space<vmem>>
    %dma_start3A_617 = arith.constant 0 : i32
    %dma_start3A_618 = tpu.memref_slice %arg4[%add3A_611, %dma_start3A_617] : memref<32768x384xf32, #tpu.memory_space<hbm>> -> memref<64x384xf32, #tpu.memory_space<hbm>>
    %dma_start3A_619 = arith.constant 0 : i32
    %dma_start3A_620 = tpu.memref_slice %arg4[%add3A_611, %dma_start3A_619] : memref<32768x384xf32, #tpu.memory_space<hbm>> -> memref<64x384xf32, #tpu.memory_space<hbm>>
    %dma_start3A_621 = arith.constant 0 : i32
    %dma_start3A_622 = arith.constant 0 : i32
    %dma_start3A_623 = tpu.memref_slice %arg6[%dma_start3A_612, %dma_start3A_621, %dma_start3A_622] : memref<4x64x384xf32, #tpu.memory_space<vmem>> -> memref<1x64x384xf32, #tpu.memory_space<vmem>>
    %dma_start3A_624 = tpu.memref_squeeze %dma_start3A_623 : memref<1x64x384xf32, #tpu.memory_space<vmem>> -> memref<64x384xf32, #tpu.memory_space<vmem>>
    tpu.enqueue_dma source(%dma_start3A_624 : memref<64x384xf32, #tpu.memory_space<vmem>>) target(%dma_start3A_620 : memref<64x384xf32, #tpu.memory_space<hbm>>) target_semaphore(%arg14 : memref<!tpu.dma_semaphore, #tpu.memory_space<semaphore_mem>>)
    %dma_wait3A_625 = arith.constant 12 : i32
    %dma_wait3A_626 = arith.constant 0 : i32
    %dma_wait3A_627 = arith.constant 0 : i32
    %dma_wait3A_628 = arith.constant 0 : i32
    %dma_wait3A_629 = tpu.memref_slice %arg6[%dma_wait3A_626, %dma_wait3A_627, %dma_wait3A_628] : memref<4x64x384xf32, #tpu.memory_space<vmem>> -> memref<1x64x384xf32, #tpu.memory_space<vmem>>
    %dma_wait3A_630 = tpu.memref_squeeze %dma_wait3A_629 : memref<1x64x384xf32, #tpu.memory_space<vmem>> -> memref<64x384xf32, #tpu.memory_space<vmem>>
    %dma_wait3A_631 = arith.constant 0 : i32
    %dma_wait3A_632 = tpu.memref_slice %arg5[%dma_wait3A_625, %dma_wait3A_631] : memref<16x64xi32, #tpu.memory_space<vmem>> -> memref<1x64xi32, #tpu.memory_space<vmem>>
    %dma_wait3A_633 = tpu.memref_squeeze %dma_wait3A_632 : memref<1x64xi32, #tpu.memory_space<vmem>> -> memref<64xi32, #tpu.memory_space<vmem>>
    %dma_wait3A_634 = arith.constant 0 : i32
    %dma_wait3A_635 = arith.constant 0 : i32
    %dma_wait3A_636 = tpu.memref_slice %arg2[%dma_wait3A_634, %dma_wait3A_635] : memref<512x384xf32, #tpu.memory_space<hbm>> -> memref<512x384xf32, #tpu.memory_space<hbm>>
    tpu.wait_indirect_dma semaphore(%arg7 : memref<!tpu.dma_semaphore, #tpu.memory_space<semaphore_mem>>) src(%dma_wait3A_636 : memref<512x384xf32, #tpu.memory_space<hbm>>) dst(%dma_wait3A_630 : memref<64x384xf32, #tpu.memory_space<vmem>>)
    %dma_wait3A_637 = arith.constant 2 : i32
    %dma_wait3A_638 = arith.constant 0 : i32
    %dma_wait3A_639 = arith.constant 0 : i32
    %dma_wait3A_640 = tpu.memref_slice %arg6[%dma_wait3A_637, %dma_wait3A_638, %dma_wait3A_639] : memref<4x64x384xf32, #tpu.memory_space<vmem>> -> memref<1x64x384xf32, #tpu.memory_space<vmem>>
    %dma_wait3A_641 = tpu.memref_squeeze %dma_wait3A_640 : memref<1x64x384xf32, #tpu.memory_space<vmem>> -> memref<64x384xf32, #tpu.memory_space<vmem>>
    %dma_wait3A_642 = arith.constant 0 : i32
    %dma_wait3A_643 = tpu.memref_slice %arg4[%add3A_559, %dma_wait3A_642] : memref<32768x384xf32, #tpu.memory_space<hbm>> -> memref<64x384xf32, #tpu.memory_space<hbm>>
    %dma_wait3A_644 = arith.constant 0 : i32
    %dma_wait3A_645 = tpu.memref_slice %arg4[%add3A_559, %dma_wait3A_644] : memref<32768x384xf32, #tpu.memory_space<hbm>> -> memref<64x384xf32, #tpu.memory_space<hbm>>
    %dma_wait3A_646 = arith.constant 0 : i32
    %dma_wait3A_647 = arith.constant 0 : i32
    %dma_wait3A_648 = tpu.memref_slice %arg6[%dma_wait3A_637, %dma_wait3A_646, %dma_wait3A_647] : memref<4x64x384xf32, #tpu.memory_space<vmem>> -> memref<1x64x384xf32, #tpu.memory_space<vmem>>
    %dma_wait3A_649 = tpu.memref_squeeze %dma_wait3A_648 : memref<1x64x384xf32, #tpu.memory_space<vmem>> -> memref<64x384xf32, #tpu.memory_space<vmem>>
    tpu.wait_dma2 semaphore(%arg13 : memref<!tpu.dma_semaphore, #tpu.memory_space<semaphore_mem>>) src(%dma_wait3A_649 : memref<64x384xf32, #tpu.memory_space<vmem>>) dst(%dma_wait3A_645 : memref<64x384xf32, #tpu.memory_space<hbm>>)
    %dma_start3A_650 = arith.constant 14 : i32
    %dma_start3A_651 = arith.constant 2 : i32
    %dma_start3A_652 = arith.constant 0 : i32
    %dma_start3A_653 = arith.constant 0 : i32
    %dma_start3A_654 = tpu.memref_slice %arg6[%dma_start3A_651, %dma_start3A_652, %dma_start3A_653] : memref<4x64x384xf32, #tpu.memory_space<vmem>> -> memref<1x64x384xf32, #tpu.memory_space<vmem>>
    %dma_start3A_655 = tpu.memref_squeeze %dma_start3A_654 : memref<1x64x384xf32, #tpu.memory_space<vmem>> -> memref<64x384xf32, #tpu.memory_space<vmem>>
    %dma_start3A_656 = arith.constant 0 : i32
    %dma_start3A_657 = tpu.memref_slice %arg5[%dma_start3A_650, %dma_start3A_656] : memref<16x64xi32, #tpu.memory_space<vmem>> -> memref<1x64xi32, #tpu.memory_space<vmem>>
    %dma_start3A_658 = tpu.memref_squeeze %dma_start3A_657 : memref<1x64xi32, #tpu.memory_space<vmem>> -> memref<64xi32, #tpu.memory_space<vmem>>
    %dma_start3A_659 = arith.constant 0 : i32
    %dma_start3A_660 = arith.constant 0 : i32
    %dma_start3A_661 = tpu.memref_slice %arg2[%dma_start3A_659, %dma_start3A_660] : memref<512x384xf32, #tpu.memory_space<hbm>> -> memref<512x384xf32, #tpu.memory_space<hbm>>
    tpu.enqueue_indirect_dma source(%dma_start3A_661 : memref<512x384xf32, #tpu.memory_space<hbm>>) target(%dma_start3A_655 : memref<64x384xf32, #tpu.memory_space<vmem>>) offsets(%dma_start3A_658 : memref<64xi32, #tpu.memory_space<vmem>>) semaphore(%arg9 : memref<!tpu.dma_semaphore, #tpu.memory_space<semaphore_mem>>)
    %add3A_662 = arith.constant 768 : i32
    %add3A_663 = arith.addi %mul3A_4, %add3A_662 : i32
    %dma_start3A_664 = arith.constant 0 : i32
    %dma_start3A_665 = arith.constant 0 : i32
    %dma_start3A_666 = arith.constant 0 : i32
    %dma_start3A_667 = tpu.memref_slice %arg6[%dma_start3A_664, %dma_start3A_665, %dma_start3A_666] : memref<4x64x384xf32, #tpu.memory_space<vmem>> -> memref<1x64x384xf32, #tpu.memory_space<vmem>>
    %dma_start3A_668 = tpu.memref_squeeze %dma_start3A_667 : memref<1x64x384xf32, #tpu.memory_space<vmem>> -> memref<64x384xf32, #tpu.memory_space<vmem>>
    %dma_start3A_669 = arith.constant 0 : i32
    %dma_start3A_670 = tpu.memref_slice %arg4[%add3A_663, %dma_start3A_669] : memref<32768x384xf32, #tpu.memory_space<hbm>> -> memref<64x384xf32, #tpu.memory_space<hbm>>
    %dma_start3A_671 = arith.constant 0 : i32
    %dma_start3A_672 = tpu.memref_slice %arg4[%add3A_663, %dma_start3A_671] : memref<32768x384xf32, #tpu.memory_space<hbm>> -> memref<64x384xf32, #tpu.memory_space<hbm>>
    %dma_start3A_673 = arith.constant 0 : i32
    %dma_start3A_674 = arith.constant 0 : i32
    %dma_start3A_675 = tpu.memref_slice %arg6[%dma_start3A_664, %dma_start3A_673, %dma_start3A_674] : memref<4x64x384xf32, #tpu.memory_space<vmem>> -> memref<1x64x384xf32, #tpu.memory_space<vmem>>
    %dma_start3A_676 = tpu.memref_squeeze %dma_start3A_675 : memref<1x64x384xf32, #tpu.memory_space<vmem>> -> memref<64x384xf32, #tpu.memory_space<vmem>>
    tpu.enqueue_dma source(%dma_start3A_676 : memref<64x384xf32, #tpu.memory_space<vmem>>) target(%dma_start3A_672 : memref<64x384xf32, #tpu.memory_space<hbm>>) target_semaphore(%arg11 : memref<!tpu.dma_semaphore, #tpu.memory_space<semaphore_mem>>)
    %dma_wait3A_677 = arith.constant 13 : i32
    %dma_wait3A_678 = arith.constant 1 : i32
    %dma_wait3A_679 = arith.constant 0 : i32
    %dma_wait3A_680 = arith.constant 0 : i32
    %dma_wait3A_681 = tpu.memref_slice %arg6[%dma_wait3A_678, %dma_wait3A_679, %dma_wait3A_680] : memref<4x64x384xf32, #tpu.memory_space<vmem>> -> memref<1x64x384xf32, #tpu.memory_space<vmem>>
    %dma_wait3A_682 = tpu.memref_squeeze %dma_wait3A_681 : memref<1x64x384xf32, #tpu.memory_space<vmem>> -> memref<64x384xf32, #tpu.memory_space<vmem>>
    %dma_wait3A_683 = arith.constant 0 : i32
    %dma_wait3A_684 = tpu.memref_slice %arg5[%dma_wait3A_677, %dma_wait3A_683] : memref<16x64xi32, #tpu.memory_space<vmem>> -> memref<1x64xi32, #tpu.memory_space<vmem>>
    %dma_wait3A_685 = tpu.memref_squeeze %dma_wait3A_684 : memref<1x64xi32, #tpu.memory_space<vmem>> -> memref<64xi32, #tpu.memory_space<vmem>>
    %dma_wait3A_686 = arith.constant 0 : i32
    %dma_wait3A_687 = arith.constant 0 : i32
    %dma_wait3A_688 = tpu.memref_slice %arg2[%dma_wait3A_686, %dma_wait3A_687] : memref<512x384xf32, #tpu.memory_space<hbm>> -> memref<512x384xf32, #tpu.memory_space<hbm>>
    tpu.wait_indirect_dma semaphore(%arg8 : memref<!tpu.dma_semaphore, #tpu.memory_space<semaphore_mem>>) src(%dma_wait3A_688 : memref<512x384xf32, #tpu.memory_space<hbm>>) dst(%dma_wait3A_682 : memref<64x384xf32, #tpu.memory_space<vmem>>)
    %dma_wait3A_689 = arith.constant 3 : i32
    %dma_wait3A_690 = arith.constant 0 : i32
    %dma_wait3A_691 = arith.constant 0 : i32
    %dma_wait3A_692 = tpu.memref_slice %arg6[%dma_wait3A_689, %dma_wait3A_690, %dma_wait3A_691] : memref<4x64x384xf32, #tpu.memory_space<vmem>> -> memref<1x64x384xf32, #tpu.memory_space<vmem>>
    %dma_wait3A_693 = tpu.memref_squeeze %dma_wait3A_692 : memref<1x64x384xf32, #tpu.memory_space<vmem>> -> memref<64x384xf32, #tpu.memory_space<vmem>>
    %dma_wait3A_694 = arith.constant 0 : i32
    %dma_wait3A_695 = tpu.memref_slice %arg4[%add3A_611, %dma_wait3A_694] : memref<32768x384xf32, #tpu.memory_space<hbm>> -> memref<64x384xf32, #tpu.memory_space<hbm>>
    %dma_wait3A_696 = arith.constant 0 : i32
    %dma_wait3A_697 = tpu.memref_slice %arg4[%add3A_611, %dma_wait3A_696] : memref<32768x384xf32, #tpu.memory_space<hbm>> -> memref<64x384xf32, #tpu.memory_space<hbm>>
    %dma_wait3A_698 = arith.constant 0 : i32
    %dma_wait3A_699 = arith.constant 0 : i32
    %dma_wait3A_700 = tpu.memref_slice %arg6[%dma_wait3A_689, %dma_wait3A_698, %dma_wait3A_699] : memref<4x64x384xf32, #tpu.memory_space<vmem>> -> memref<1x64x384xf32, #tpu.memory_space<vmem>>
    %dma_wait3A_701 = tpu.memref_squeeze %dma_wait3A_700 : memref<1x64x384xf32, #tpu.memory_space<vmem>> -> memref<64x384xf32, #tpu.memory_space<vmem>>
    tpu.wait_dma2 semaphore(%arg14 : memref<!tpu.dma_semaphore, #tpu.memory_space<semaphore_mem>>) src(%dma_wait3A_701 : memref<64x384xf32, #tpu.memory_space<vmem>>) dst(%dma_wait3A_697 : memref<64x384xf32, #tpu.memory_space<hbm>>)
    %dma_start3A_702 = arith.constant 15 : i32
    %dma_start3A_703 = arith.constant 3 : i32
    %dma_start3A_704 = arith.constant 0 : i32
    %dma_start3A_705 = arith.constant 0 : i32
    %dma_start3A_706 = tpu.memref_slice %arg6[%dma_start3A_703, %dma_start3A_704, %dma_start3A_705] : memref<4x64x384xf32, #tpu.memory_space<vmem>> -> memref<1x64x384xf32, #tpu.memory_space<vmem>>
    %dma_start3A_707 = tpu.memref_squeeze %dma_start3A_706 : memref<1x64x384xf32, #tpu.memory_space<vmem>> -> memref<64x384xf32, #tpu.memory_space<vmem>>
    %dma_start3A_708 = arith.constant 0 : i32
    %dma_start3A_709 = tpu.memref_slice %arg5[%dma_start3A_702, %dma_start3A_708] : memref<16x64xi32, #tpu.memory_space<vmem>> -> memref<1x64xi32, #tpu.memory_space<vmem>>
    %dma_start3A_710 = tpu.memref_squeeze %dma_start3A_709 : memref<1x64xi32, #tpu.memory_space<vmem>> -> memref<64xi32, #tpu.memory_space<vmem>>
    %dma_start3A_711 = arith.constant 0 : i32
    %dma_start3A_712 = arith.constant 0 : i32
    %dma_start3A_713 = tpu.memref_slice %arg2[%dma_start3A_711, %dma_start3A_712] : memref<512x384xf32, #tpu.memory_space<hbm>> -> memref<512x384xf32, #tpu.memory_space<hbm>>
    tpu.enqueue_indirect_dma source(%dma_start3A_713 : memref<512x384xf32, #tpu.memory_space<hbm>>) target(%dma_start3A_707 : memref<64x384xf32, #tpu.memory_space<vmem>>) offsets(%dma_start3A_710 : memref<64xi32, #tpu.memory_space<vmem>>) semaphore(%arg10 : memref<!tpu.dma_semaphore, #tpu.memory_space<semaphore_mem>>)
    %add3A_714 = arith.constant 832 : i32
    %add3A_715 = arith.addi %mul3A_4, %add3A_714 : i32
    %dma_start3A_716 = arith.constant 1 : i32
    %dma_start3A_717 = arith.constant 0 : i32
    %dma_start3A_718 = arith.constant 0 : i32
    %dma_start3A_719 = tpu.memref_slice %arg6[%dma_start3A_716, %dma_start3A_717, %dma_start3A_718] : memref<4x64x384xf32, #tpu.memory_space<vmem>> -> memref<1x64x384xf32, #tpu.memory_space<vmem>>
    %dma_start3A_720 = tpu.memref_squeeze %dma_start3A_719 : memref<1x64x384xf32, #tpu.memory_space<vmem>> -> memref<64x384xf32, #tpu.memory_space<vmem>>
    %dma_start3A_721 = arith.constant 0 : i32
    %dma_start3A_722 = tpu.memref_slice %arg4[%add3A_715, %dma_start3A_721] : memref<32768x384xf32, #tpu.memory_space<hbm>> -> memref<64x384xf32, #tpu.memory_space<hbm>>
    %dma_start3A_723 = arith.constant 0 : i32
    %dma_start3A_724 = tpu.memref_slice %arg4[%add3A_715, %dma_start3A_723] : memref<32768x384xf32, #tpu.memory_space<hbm>> -> memref<64x384xf32, #tpu.memory_space<hbm>>
    %dma_start3A_725 = arith.constant 0 : i32
    %dma_start3A_726 = arith.constant 0 : i32
    %dma_start3A_727 = tpu.memref_slice %arg6[%dma_start3A_716, %dma_start3A_725, %dma_start3A_726] : memref<4x64x384xf32, #tpu.memory_space<vmem>> -> memref<1x64x384xf32, #tpu.memory_space<vmem>>
    %dma_start3A_728 = tpu.memref_squeeze %dma_start3A_727 : memref<1x64x384xf32, #tpu.memory_space<vmem>> -> memref<64x384xf32, #tpu.memory_space<vmem>>
    tpu.enqueue_dma source(%dma_start3A_728 : memref<64x384xf32, #tpu.memory_space<vmem>>) target(%dma_start3A_724 : memref<64x384xf32, #tpu.memory_space<hbm>>) target_semaphore(%arg12 : memref<!tpu.dma_semaphore, #tpu.memory_space<semaphore_mem>>)
    %dma_wait3A_729 = arith.constant 14 : i32
    %dma_wait3A_730 = arith.constant 2 : i32
    %dma_wait3A_731 = arith.constant 0 : i32
    %dma_wait3A_732 = arith.constant 0 : i32
    %dma_wait3A_733 = tpu.memref_slice %arg6[%dma_wait3A_730, %dma_wait3A_731, %dma_wait3A_732] : memref<4x64x384xf32, #tpu.memory_space<vmem>> -> memref<1x64x384xf32, #tpu.memory_space<vmem>>
    %dma_wait3A_734 = tpu.memref_squeeze %dma_wait3A_733 : memref<1x64x384xf32, #tpu.memory_space<vmem>> -> memref<64x384xf32, #tpu.memory_space<vmem>>
    %dma_wait3A_735 = arith.constant 0 : i32
    %dma_wait3A_736 = tpu.memref_slice %arg5[%dma_wait3A_729, %dma_wait3A_735] : memref<16x64xi32, #tpu.memory_space<vmem>> -> memref<1x64xi32, #tpu.memory_space<vmem>>
    %dma_wait3A_737 = tpu.memref_squeeze %dma_wait3A_736 : memref<1x64xi32, #tpu.memory_space<vmem>> -> memref<64xi32, #tpu.memory_space<vmem>>
    %dma_wait3A_738 = arith.constant 0 : i32
    %dma_wait3A_739 = arith.constant 0 : i32
    %dma_wait3A_740 = tpu.memref_slice %arg2[%dma_wait3A_738, %dma_wait3A_739] : memref<512x384xf32, #tpu.memory_space<hbm>> -> memref<512x384xf32, #tpu.memory_space<hbm>>
    tpu.wait_indirect_dma semaphore(%arg9 : memref<!tpu.dma_semaphore, #tpu.memory_space<semaphore_mem>>) src(%dma_wait3A_740 : memref<512x384xf32, #tpu.memory_space<hbm>>) dst(%dma_wait3A_734 : memref<64x384xf32, #tpu.memory_space<vmem>>)
    %add3A_741 = arith.constant 896 : i32
    %add3A_742 = arith.addi %mul3A_4, %add3A_741 : i32
    %dma_start3A_743 = arith.constant 2 : i32
    %dma_start3A_744 = arith.constant 0 : i32
    %dma_start3A_745 = arith.constant 0 : i32
    %dma_start3A_746 = tpu.memref_slice %arg6[%dma_start3A_743, %dma_start3A_744, %dma_start3A_745] : memref<4x64x384xf32, #tpu.memory_space<vmem>> -> memref<1x64x384xf32, #tpu.memory_space<vmem>>
    %dma_start3A_747 = tpu.memref_squeeze %dma_start3A_746 : memref<1x64x384xf32, #tpu.memory_space<vmem>> -> memref<64x384xf32, #tpu.memory_space<vmem>>
    %dma_start3A_748 = arith.constant 0 : i32
    %dma_start3A_749 = tpu.memref_slice %arg4[%add3A_742, %dma_start3A_748] : memref<32768x384xf32, #tpu.memory_space<hbm>> -> memref<64x384xf32, #tpu.memory_space<hbm>>
    %dma_start3A_750 = arith.constant 0 : i32
    %dma_start3A_751 = tpu.memref_slice %arg4[%add3A_742, %dma_start3A_750] : memref<32768x384xf32, #tpu.memory_space<hbm>> -> memref<64x384xf32, #tpu.memory_space<hbm>>
    %dma_start3A_752 = arith.constant 0 : i32
    %dma_start3A_753 = arith.constant 0 : i32
    %dma_start3A_754 = tpu.memref_slice %arg6[%dma_start3A_743, %dma_start3A_752, %dma_start3A_753] : memref<4x64x384xf32, #tpu.memory_space<vmem>> -> memref<1x64x384xf32, #tpu.memory_space<vmem>>
    %dma_start3A_755 = tpu.memref_squeeze %dma_start3A_754 : memref<1x64x384xf32, #tpu.memory_space<vmem>> -> memref<64x384xf32, #tpu.memory_space<vmem>>
    tpu.enqueue_dma source(%dma_start3A_755 : memref<64x384xf32, #tpu.memory_space<vmem>>) target(%dma_start3A_751 : memref<64x384xf32, #tpu.memory_space<hbm>>) target_semaphore(%arg13 : memref<!tpu.dma_semaphore, #tpu.memory_space<semaphore_mem>>)
    %dma_wait3A_756 = arith.constant 15 : i32
    %dma_wait3A_757 = arith.constant 3 : i32
    %dma_wait3A_758 = arith.constant 0 : i32
    %dma_wait3A_759 = arith.constant 0 : i32
    %dma_wait3A_760 = tpu.memref_slice %arg6[%dma_wait3A_757, %dma_wait3A_758, %dma_wait3A_759] : memref<4x64x384xf32, #tpu.memory_space<vmem>> -> memref<1x64x384xf32, #tpu.memory_space<vmem>>
    %dma_wait3A_761 = tpu.memref_squeeze %dma_wait3A_760 : memref<1x64x384xf32, #tpu.memory_space<vmem>> -> memref<64x384xf32, #tpu.memory_space<vmem>>
    %dma_wait3A_762 = arith.constant 0 : i32
    %dma_wait3A_763 = tpu.memref_slice %arg5[%dma_wait3A_756, %dma_wait3A_762] : memref<16x64xi32, #tpu.memory_space<vmem>> -> memref<1x64xi32, #tpu.memory_space<vmem>>
    %dma_wait3A_764 = tpu.memref_squeeze %dma_wait3A_763 : memref<1x64xi32, #tpu.memory_space<vmem>> -> memref<64xi32, #tpu.memory_space<vmem>>
    %dma_wait3A_765 = arith.constant 0 : i32
    %dma_wait3A_766 = arith.constant 0 : i32
    %dma_wait3A_767 = tpu.memref_slice %arg2[%dma_wait3A_765, %dma_wait3A_766] : memref<512x384xf32, #tpu.memory_space<hbm>> -> memref<512x384xf32, #tpu.memory_space<hbm>>
    tpu.wait_indirect_dma semaphore(%arg10 : memref<!tpu.dma_semaphore, #tpu.memory_space<semaphore_mem>>) src(%dma_wait3A_767 : memref<512x384xf32, #tpu.memory_space<hbm>>) dst(%dma_wait3A_761 : memref<64x384xf32, #tpu.memory_space<vmem>>)
    %add3A_768 = arith.constant 960 : i32
    %add3A_769 = arith.addi %mul3A_4, %add3A_768 : i32
    %dma_start3A_770 = arith.constant 3 : i32
    %dma_start3A_771 = arith.constant 0 : i32
    %dma_start3A_772 = arith.constant 0 : i32
    %dma_start3A_773 = tpu.memref_slice %arg6[%dma_start3A_770, %dma_start3A_771, %dma_start3A_772] : memref<4x64x384xf32, #tpu.memory_space<vmem>> -> memref<1x64x384xf32, #tpu.memory_space<vmem>>
    %dma_start3A_774 = tpu.memref_squeeze %dma_start3A_773 : memref<1x64x384xf32, #tpu.memory_space<vmem>> -> memref<64x384xf32, #tpu.memory_space<vmem>>
    %dma_start3A_775 = arith.constant 0 : i32
    %dma_start3A_776 = tpu.memref_slice %arg4[%add3A_769, %dma_start3A_775] : memref<32768x384xf32, #tpu.memory_space<hbm>> -> memref<64x384xf32, #tpu.memory_space<hbm>>
    %dma_start3A_777 = arith.constant 0 : i32
    %dma_start3A_778 = tpu.memref_slice %arg4[%add3A_769, %dma_start3A_777] : memref<32768x384xf32, #tpu.memory_space<hbm>> -> memref<64x384xf32, #tpu.memory_space<hbm>>
    %dma_start3A_779 = arith.constant 0 : i32
    %dma_start3A_780 = arith.constant 0 : i32
    %dma_start3A_781 = tpu.memref_slice %arg6[%dma_start3A_770, %dma_start3A_779, %dma_start3A_780] : memref<4x64x384xf32, #tpu.memory_space<vmem>> -> memref<1x64x384xf32, #tpu.memory_space<vmem>>
    %dma_start3A_782 = tpu.memref_squeeze %dma_start3A_781 : memref<1x64x384xf32, #tpu.memory_space<vmem>> -> memref<64x384xf32, #tpu.memory_space<vmem>>
    tpu.enqueue_dma source(%dma_start3A_782 : memref<64x384xf32, #tpu.memory_space<vmem>>) target(%dma_start3A_778 : memref<64x384xf32, #tpu.memory_space<hbm>>) target_semaphore(%arg14 : memref<!tpu.dma_semaphore, #tpu.memory_space<semaphore_mem>>)
    %dma_wait3A_783 = arith.constant 0 : i32
    %dma_wait3A_784 = arith.constant 0 : i32
    %dma_wait3A_785 = arith.constant 0 : i32
    %dma_wait3A_786 = tpu.memref_slice %arg6[%dma_wait3A_783, %dma_wait3A_784, %dma_wait3A_785] : memref<4x64x384xf32, #tpu.memory_space<vmem>> -> memref<1x64x384xf32, #tpu.memory_space<vmem>>
    %dma_wait3A_787 = tpu.memref_squeeze %dma_wait3A_786 : memref<1x64x384xf32, #tpu.memory_space<vmem>> -> memref<64x384xf32, #tpu.memory_space<vmem>>
    %dma_wait3A_788 = arith.constant 0 : i32
    %dma_wait3A_789 = tpu.memref_slice %arg4[%add3A_663, %dma_wait3A_788] : memref<32768x384xf32, #tpu.memory_space<hbm>> -> memref<64x384xf32, #tpu.memory_space<hbm>>
    %dma_wait3A_790 = arith.constant 0 : i32
    %dma_wait3A_791 = tpu.memref_slice %arg4[%add3A_663, %dma_wait3A_790] : memref<32768x384xf32, #tpu.memory_space<hbm>> -> memref<64x384xf32, #tpu.memory_space<hbm>>
    %dma_wait3A_792 = arith.constant 0 : i32
    %dma_wait3A_793 = arith.constant 0 : i32
    %dma_wait3A_794 = tpu.memref_slice %arg6[%dma_wait3A_783, %dma_wait3A_792, %dma_wait3A_793] : memref<4x64x384xf32, #tpu.memory_space<vmem>> -> memref<1x64x384xf32, #tpu.memory_space<vmem>>
    %dma_wait3A_795 = tpu.memref_squeeze %dma_wait3A_794 : memref<1x64x384xf32, #tpu.memory_space<vmem>> -> memref<64x384xf32, #tpu.memory_space<vmem>>
    tpu.wait_dma2 semaphore(%arg11 : memref<!tpu.dma_semaphore, #tpu.memory_space<semaphore_mem>>) src(%dma_wait3A_795 : memref<64x384xf32, #tpu.memory_space<vmem>>) dst(%dma_wait3A_791 : memref<64x384xf32, #tpu.memory_space<hbm>>)
    %dma_wait3A_796 = arith.constant 1 : i32
    %dma_wait3A_797 = arith.constant 0 : i32
    %dma_wait3A_798 = arith.constant 0 : i32
    %dma_wait3A_799 = tpu.memref_slice %arg6[%dma_wait3A_796, %dma_wait3A_797, %dma_wait3A_798] : memref<4x64x384xf32, #tpu.memory_space<vmem>> -> memref<1x64x384xf32, #tpu.memory_space<vmem>>
    %dma_wait3A_800 = tpu.memref_squeeze %dma_wait3A_799 : memref<1x64x384xf32, #tpu.memory_space<vmem>> -> memref<64x384xf32, #tpu.memory_space<vmem>>
    %dma_wait3A_801 = arith.constant 0 : i32
    %dma_wait3A_802 = tpu.memref_slice %arg4[%add3A_715, %dma_wait3A_801] : memref<32768x384xf32, #tpu.memory_space<hbm>> -> memref<64x384xf32, #tpu.memory_space<hbm>>
    %dma_wait3A_803 = arith.constant 0 : i32
    %dma_wait3A_804 = tpu.memref_slice %arg4[%add3A_715, %dma_wait3A_803] : memref<32768x384xf32, #tpu.memory_space<hbm>> -> memref<64x384xf32, #tpu.memory_space<hbm>>
    %dma_wait3A_805 = arith.constant 0 : i32
    %dma_wait3A_806 = arith.constant 0 : i32
    %dma_wait3A_807 = tpu.memref_slice %arg6[%dma_wait3A_796, %dma_wait3A_805, %dma_wait3A_806] : memref<4x64x384xf32, #tpu.memory_space<vmem>> -> memref<1x64x384xf32, #tpu.memory_space<vmem>>
    %dma_wait3A_808 = tpu.memref_squeeze %dma_wait3A_807 : memref<1x64x384xf32, #tpu.memory_space<vmem>> -> memref<64x384xf32, #tpu.memory_space<vmem>>
    tpu.wait_dma2 semaphore(%arg12 : memref<!tpu.dma_semaphore, #tpu.memory_space<semaphore_mem>>) src(%dma_wait3A_808 : memref<64x384xf32, #tpu.memory_space<vmem>>) dst(%dma_wait3A_804 : memref<64x384xf32, #tpu.memory_space<hbm>>)
    %dma_wait3A_809 = arith.constant 2 : i32
    %dma_wait3A_810 = arith.constant 0 : i32
    %dma_wait3A_811 = arith.constant 0 : i32
    %dma_wait3A_812 = tpu.memref_slice %arg6[%dma_wait3A_809, %dma_wait3A_810, %dma_wait3A_811] : memref<4x64x384xf32, #tpu.memory_space<vmem>> -> memref<1x64x384xf32, #tpu.memory_space<vmem>>
    %dma_wait3A_813 = tpu.memref_squeeze %dma_wait3A_812 : memref<1x64x384xf32, #tpu.memory_space<vmem>> -> memref<64x384xf32, #tpu.memory_space<vmem>>
    %dma_wait3A_814 = arith.constant 0 : i32
    %dma_wait3A_815 = tpu.memref_slice %arg4[%add3A_742, %dma_wait3A_814] : memref<32768x384xf32, #tpu.memory_space<hbm>> -> memref<64x384xf32, #tpu.memory_space<hbm>>
    %dma_wait3A_816 = arith.constant 0 : i32
    %dma_wait3A_817 = tpu.memref_slice %arg4[%add3A_742, %dma_wait3A_816] : memref<32768x384xf32, #tpu.memory_space<hbm>> -> memref<64x384xf32, #tpu.memory_space<hbm>>
    %dma_wait3A_818 = arith.constant 0 : i32
    %dma_wait3A_819 = arith.constant 0 : i32
    %dma_wait3A_820 = tpu.memref_slice %arg6[%dma_wait3A_809, %dma_wait3A_818, %dma_wait3A_819] : memref<4x64x384xf32, #tpu.memory_space<vmem>> -> memref<1x64x384xf32, #tpu.memory_space<vmem>>
    %dma_wait3A_821 = tpu.memref_squeeze %dma_wait3A_820 : memref<1x64x384xf32, #tpu.memory_space<vmem>> -> memref<64x384xf32, #tpu.memory_space<vmem>>
    tpu.wait_dma2 semaphore(%arg13 : memref<!tpu.dma_semaphore, #tpu.memory_space<semaphore_mem>>) src(%dma_wait3A_821 : memref<64x384xf32, #tpu.memory_space<vmem>>) dst(%dma_wait3A_817 : memref<64x384xf32, #tpu.memory_space<hbm>>)
    %dma_wait3A_822 = arith.constant 3 : i32
    %dma_wait3A_823 = arith.constant 0 : i32
    %dma_wait3A_824 = arith.constant 0 : i32
    %dma_wait3A_825 = tpu.memref_slice %arg6[%dma_wait3A_822, %dma_wait3A_823, %dma_wait3A_824] : memref<4x64x384xf32, #tpu.memory_space<vmem>> -> memref<1x64x384xf32, #tpu.memory_space<vmem>>
    %dma_wait3A_826 = tpu.memref_squeeze %dma_wait3A_825 : memref<1x64x384xf32, #tpu.memory_space<vmem>> -> memref<64x384xf32, #tpu.memory_space<vmem>>
    %dma_wait3A_827 = arith.constant 0 : i32
    %dma_wait3A_828 = tpu.memref_slice %arg4[%add3A_769, %dma_wait3A_827] : memref<32768x384xf32, #tpu.memory_space<hbm>> -> memref<64x384xf32, #tpu.memory_space<hbm>>
    %dma_wait3A_829 = arith.constant 0 : i32
    %dma_wait3A_830 = tpu.memref_slice %arg4[%add3A_769, %dma_wait3A_829] : memref<32768x384xf32, #tpu.memory_space<hbm>> -> memref<64x384xf32, #tpu.memory_space<hbm>>
    %dma_wait3A_831 = arith.constant 0 : i32
    %dma_wait3A_832 = arith.constant 0 : i32
    %dma_wait3A_833 = tpu.memref_slice %arg6[%dma_wait3A_822, %dma_wait3A_831, %dma_wait3A_832] : memref<4x64x384xf32, #tpu.memory_space<vmem>> -> memref<1x64x384xf32, #tpu.memory_space<vmem>>
    %dma_wait3A_834 = tpu.memref_squeeze %dma_wait3A_833 : memref<1x64x384xf32, #tpu.memory_space<vmem>> -> memref<64x384xf32, #tpu.memory_space<vmem>>
    tpu.wait_dma2 semaphore(%arg14 : memref<!tpu.dma_semaphore, #tpu.memory_space<semaphore_mem>>) src(%dma_wait3A_834 : memref<64x384xf32, #tpu.memory_space<vmem>>) dst(%dma_wait3A_830 : memref<64x384xf32, #tpu.memory_space<hbm>>)
    return
  }
}

module attributes {stable_mosaic.version = 14 : i64} {
  func.func @_tc_body(%arg0: i32, %arg1: memref<1024x384xf32, #tpu.memory_space<vmem>>, %arg2: memref<512x384xf32, #tpu.memory_space<vmem>>, %arg3: memref<1x512xf32, #tpu.memory_space<vmem>>, %arg4: memref<1x1x1024xf32, #tpu.memory_space<vmem>>, %arg5: memref<1x1x1024xi32, #tpu.memory_space<vmem>>, %arg6: memref<1x1xf32, #tpu.memory_space<vmem>>, %arg7: memref<1xf32, #tpu.memory_space<smem>>) attributes {dimension_semantics = [#tpu.dimension_semantics<arbitrary>], iteration_bounds = array<i64: 32>, scalar_prefetch = 0 : i64, scratch_operands = 1 : i64, tpu.core_type = #tpu.core_type<tc>, window_params = [{transform_indices = @transform_0, window_bounds = array<i64: 1024, 384>}, {pipeline_mode = #tpu.pipeline_mode<synchronous>, transform_indices = @transform_1, window_bounds = array<i64: 512, 384>}, {pipeline_mode = #tpu.pipeline_mode<synchronous>, transform_indices = @transform_2, window_bounds = array<i64: 1, 512>}, {transform_indices = @transform_3, window_bounds = array<i64: 1, 1, 1024>}, {transform_indices = @transform_4, window_bounds = array<i64: 1, 1, 1024>}, {pipeline_mode = #tpu.pipeline_mode<synchronous>, transform_indices = @transform_5, window_bounds = array<i64: 1, 1>}]} {
    %eq3A = arith.constant 0 : i32
    %eq3A_0 = arith.cmpi eq, %arg0, %eq3A : i32
    %convert_element_type3A = arith.extui %eq3A_0 : i1 to i32
    %cond3A = arith.constant 0 : i32
    %cond3A_1 = arith.cmpi ne, %convert_element_type3A, %cond3A : i32
    scf.if %cond3A_1 {
      %swap3A_55 = arith.constant 0.000000e+00 : f32
      %swap3A_56 = arith.constant 0 : index
      %swap3A_57 = memref.load %arg7[%swap3A_56] : memref<1xf32, #tpu.memory_space<smem>>
      memref.store %swap3A_55, %arg7[%swap3A_56] : memref<1xf32, #tpu.memory_space<smem>>
    } else {
    }
    %get3A = arith.constant 0 : index
    %get3A_2 = arith.constant 0 : index
    %get3A_3 = vector.load %arg2[%get3A, %get3A_2] : memref<512x384xf32, #tpu.memory_space<vmem>>, vector<512x384xf32>
    %get3A_4 = arith.constant 0 : index
    %get3A_5 = arith.constant 0 : index
    %get3A_6 = vector.load %arg1[%get3A_4, %get3A_5] : memref<1024x384xf32, #tpu.memory_space<vmem>>, vector<1024x384xf32>
    %get3A_7 = arith.constant 0 : index
    %get3A_8 = arith.constant 0 : index
    %get3A_9 = arith.constant 0 : index
    %get3A_10 = vector.load %arg4[%get3A_7, %get3A_8, %get3A_9] : memref<1x1x1024xf32, #tpu.memory_space<vmem>>, vector<1x1x1024xf32>
    %get3A_11 = vector.shape_cast %get3A_10 : vector<1x1x1024xf32> to vector<1024xf32>
    %broadcast_in_dim3A = vector.shape_cast %get3A_11 : vector<1024xf32> to vector<1024x1xf32>
    %max3A = arith.constant 9.99999996E-13 : f32
    %max3A_12 = vector.broadcast %max3A : f32 to vector<1024x1xf32>
    %max3A_13 = arith.maximumf %broadcast_in_dim3A, %max3A_12 : vector<1024x1xf32>
    %div3A = vector.broadcast %max3A_13 : vector<1024x1xf32> to vector<1024x384xf32>
    %div3A_14 = arith.divf %get3A_6, %div3A : vector<1024x384xf32>
    %mul3A = arith.mulf %div3A_14, %div3A_14 : vector<1024x384xf32>
    %reduce_sum3A = arith.constant dense<0.000000e+00> : vector<1024xf32>
    %reduce_sum3A_15 = vector.multi_reduction <add>, %mul3A, %reduce_sum3A [1] : vector<1024x384xf32> to vector<1024xf32>
    %broadcast_in_dim3A_16 = vector.shape_cast %reduce_sum3A_15 : vector<1024xf32> to vector<1024x1xf32>
    %dot_general3A = arith.constant dense<0.000000e+00> : vector<1024x512xf32>
    %dot_general3A_17 = tpu.matmul %div3A_14, %get3A_3, %dot_general3A {dimension_numbers = #tpu.dot_dimension_numbers<[1], [1], [0], [0], [0, 0, 1, 0], [], []>, transpose_lhs_hint = false} : vector<1024x384xf32>, vector<512x384xf32>, vector<1024x512xf32> -> vector<1024x512xf32>
    %get3A_18 = arith.constant 0 : index
    %get3A_19 = arith.constant 0 : index
    %get3A_20 = vector.load %arg3[%get3A_18, %get3A_19] : memref<1x512xf32, #tpu.memory_space<vmem>>, vector<1x512xf32>
    %add3A = vector.broadcast %broadcast_in_dim3A_16 : vector<1024x1xf32> to vector<1024x512xf32>
    %add3A_21 = vector.broadcast %get3A_20 : vector<1x512xf32> to vector<1024x512xf32>
    %add3A_22 = arith.addf %add3A, %add3A_21 : vector<1024x512xf32>
    %mul3A_23 = arith.constant 2.000000e+00 : f32
    %mul3A_24 = vector.broadcast %mul3A_23 : f32 to vector<1024x512xf32>
    %mul3A_25 = arith.mulf %mul3A_24, %dot_general3A_17 : vector<1024x512xf32>
    %sub3A = arith.subf %add3A_22, %mul3A_25 : vector<1024x512xf32>
    %reduce_min3A = arith.constant dense<0x7F800000> : vector<1024xf32>
    %reduce_min3A_26 = vector.multi_reduction <minimumf>, %sub3A, %reduce_min3A [1] : vector<1024x512xf32> to vector<1024xf32>
    %iota3A = tpu.iota {dimensions = array<i32: 1>} : vector<1024x512xi32>
    %convert_element_type3A_27 = arith.sitofp %iota3A : vector<1024x512xi32> to vector<1024x512xf32>
    %broadcast_in_dim3A_28 = vector.shape_cast %reduce_min3A_26 : vector<1024xf32> to vector<1024x1xf32>
    %eq3A_29 = vector.broadcast %broadcast_in_dim3A_28 : vector<1024x1xf32> to vector<1024x512xf32>
    %eq3A_30 = arith.cmpf oeq, %sub3A, %eq3A_29 : vector<1024x512xf32>
    %jit3A = arith.constant 5.120000e+02 : f32
    %broadcast_in_dim3A_31 = vector.broadcast %jit3A : f32 to vector<1024x512xf32>
    %select_n3A = arith.select %eq3A_30, %convert_element_type3A_27, %broadcast_in_dim3A_31 : vector<1024x512xi1>, vector<1024x512xf32>
    %reduce_min3A_32 = arith.constant dense<0x7F800000> : vector<1024xf32>
    %reduce_min3A_33 = vector.multi_reduction <minimumf>, %select_n3A, %reduce_min3A_32 [1] : vector<1024x512xf32> to vector<1024xf32>
    %convert_element_type3A_34 = arith.fptosi %reduce_min3A_33 : vector<1024xf32> to vector<1024xi32>
    %swap3A = arith.constant 0 : index
    %swap3A_35 = arith.constant 0 : index
    %swap3A_36 = arith.constant 0 : index
    %swap3A_37 = vector.load %arg5[%swap3A, %swap3A_35, %swap3A_36] : memref<1x1x1024xi32, #tpu.memory_space<vmem>>, vector<1x1x1024xi32>
    %swap3A_38 = vector.shape_cast %swap3A_37 : vector<1x1x1024xi32> to vector<1024xi32>
    %swap3A_39 = vector.shape_cast %convert_element_type3A_34 : vector<1024xi32> to vector<1x1x1024xi32>
    tpu.vector_store %arg5[%swap3A, %swap3A_35, %swap3A_36], %swap3A_39 {strides = array<i32>} : memref<1x1x1024xi32, #tpu.memory_space<vmem>>, vector<1x1x1024xi32>,
    %get3A_40 = arith.constant 0 : index
    %get3A_41 = memref.load %arg7[%get3A_40] : memref<1xf32, #tpu.memory_space<smem>>
    %reduce_sum3A_42 = vector.shape_cast %reduce_min3A_26 : vector<1024xf32> to vector<1x1024xf32>
    %reduce_sum3A_43 = arith.constant dense<0.000000e+00> : vector<1xf32>
    %reduce_sum3A_44 = vector.multi_reduction <add>, %reduce_sum3A_42, %reduce_sum3A_43 [1] : vector<1x1024xf32> to vector<1xf32>
    %reduce_sum3A_45 = vector.shape_cast %reduce_sum3A_44 : vector<1xf32> to vector<1x1xf32>
    %reduce_sum3A_46 = vector.extract %reduce_sum3A_45[0, 0] : f32 from vector<1x1xf32>
    %add3A_47 = arith.addf %get3A_41, %reduce_sum3A_46 : f32
    %swap3A_48 = arith.constant 0 : index
    %swap3A_49 = memref.load %arg7[%swap3A_48] : memref<1xf32, #tpu.memory_space<smem>>
    memref.store %add3A_47, %arg7[%swap3A_48] : memref<1xf32, #tpu.memory_space<smem>>
    %eq3A_50 = arith.constant 31 : i32
    %eq3A_51 = arith.cmpi eq, %arg0, %eq3A_50 : i32
    %convert_element_type3A_52 = arith.extui %eq3A_51 : i1 to i32
    %cond3A_53 = arith.constant 0 : i32
    %cond3A_54 = arith.cmpi ne, %convert_element_type3A_52, %cond3A_53 : i32
    scf.if %cond3A_54 {
      %get3A_55 = arith.constant 0 : index
      %get3A_56 = memref.load %arg7[%get3A_55] : memref<1xf32, #tpu.memory_space<smem>>
      %mul3A_57 = arith.constant 9.93410722E-8 : f32
      %mul3A_58 = arith.mulf %get3A_56, %mul3A_57 : f32
      %broadcast_in_dim3A_59 = vector.broadcast %mul3A_58 : f32 to vector<1x1xf32>
      %swap3A_60 = arith.constant 0 : index
      %swap3A_61 = arith.constant 0 : index
      %swap3A_62 = vector.load %arg6[%swap3A_60, %swap3A_61] : memref<1x1xf32, #tpu.memory_space<vmem>>, vector<1x1xf32>
      tpu.vector_store %arg6[%swap3A_60, %swap3A_61], %broadcast_in_dim3A_59 {strides = array<i32>} : memref<1x1xf32, #tpu.memory_space<vmem>>, vector<1x1xf32>,
    } else {
    }
    return
  }
  func.func @transform_0(%arg0: i32) -> (i32, i32) {
    %c0_i32 = arith.constant 0 : i32
    %c0_i32_0 = arith.constant 0 : i32
    return %arg0, %c0_i32 : i32, i32
  }
  func.func @transform_1(%arg0: i32) -> (i32, i32) {
    %c0_i32 = arith.constant 0 : i32
    %c0_i32_0 = arith.constant 0 : i32
    %c0_i32_1 = arith.constant 0 : i32
    return %c0_i32, %c0_i32_0 : i32, i32
  }
  func.func @transform_2(%arg0: i32) -> (i32, i32) {
    %c0_i32 = arith.constant 0 : i32
    %c0_i32_0 = arith.constant 0 : i32
    %c0_i32_1 = arith.constant 0 : i32
    return %c0_i32, %c0_i32_0 : i32, i32
  }
  func.func @transform_3(%arg0: i32) -> (i32, i32, i32) {
    %c0_i32 = arith.constant 0 : i32
    %c0_i32_0 = arith.constant 0 : i32
    %c0_i32_1 = arith.constant 0 : i32
    return %arg0, %c0_i32, %c0_i32_0 : i32, i32, i32
  }
  func.func @transform_4(%arg0: i32) -> (i32, i32, i32) {
    %c0_i32 = arith.constant 0 : i32
    %c0_i32_0 = arith.constant 0 : i32
    %c0_i32_1 = arith.constant 0 : i32
    return %arg0, %c0_i32, %c0_i32_0 : i32, i32, i32
  }
  func.func @transform_5(%arg0: i32) -> (i32, i32) {
    %c0_i32 = arith.constant 0 : i32
    %c0_i32_0 = arith.constant 0 : i32
    %c0_i32_1 = arith.constant 0 : i32
    return %c0_i32, %c0_i32_0 : i32, i32
  }
}

</mosaic_0001>

<sc_bundles>
// kernel: kernel.4.cloned.1.call-start
scs
__scs_entry_jumppad:
0x0: {  	(pc) =	sbr.rel $0x88, $3  }
0x1: {  	(tag) =	ssettag $0x0;
	lr =	simm.s32 $0x1  }
0x2: {  	[smem:$0x3F9F] =	sst lr;
	_ =	strace $0xD0000000  }
0x3: {  	_ = 	snop  }
0x4: {  	_ = 	snop  }
0x5: {  	_ = 	snop  }
0x6: {  	_ = 	snop  }
0x7: {  	_ = 	snop  }
__scs_overlays_trampoline_lowered:
0x8: {  	[smem:$0x3FAE] =	sst s0  }
0x9: {  	[smem:$0x3FAF] =	sst s1  }
0xa: {  	[smem:$0x3FB0] =	sst s2  }
0xb: {  	[smem:$0x3FB1] =	sst s3  }
0xc: {  	[smem:$0x3FB2] =	sst s4  }
0xd: {  	[smem:$0x3FB3] =	sst s5  }
0xe: {  	[smem:$0x3FB4] =	sst s6  }
0xf: {  	[smem:$0x3FB5] =	sst s7  }
0x10: {  	[smem:$0x3FB6] =	sst s8  }
0x11: {  	[smem:$0x3FB7] =	sst s9;
	s0 =	simm.s32 @!p0 $0x0  }
0x12: {  	s1 =	sld [smem:$0x3F9D];
	s0 =	simm.s32 @p0 $0x1  }
0x13: {  	[smem:$0x3FB8] =	sst s0;
	s0 =	simm.s32 @!p1 $0x0  }
0x14: {  	s2 =	sld [smem:$0x3F9C];
	s0 =	simm.s32 @p1 $0x1  }
0x15: {  	[smem:$0x3FB9] =	sst s0;
	s0 =	simm.s32 @!p2 $0x0  }
0x16: {  	s3 =	sld [smem:$0x3FDB];
	s0 =	simm.s32 @p2 $0x1  }
0x17: {  	s4 =	simm.s32 $0x1BF5;
	[smem:$0x3FBB] =	sst s0  }
0x18: {  	s0 =	sld [smem:$0x3F9E];
	_ =	swait.ge [sflag:s4], $0x0  }
0x19: {  	s7 =	sld [smem:$0x3F9F]  }
0x1a: {  	s8 =	sadd.s32 $0xFFFFE003, lr  }
0x1b: {  	s9 =	sadd.s32 $0xFFFFFEF7, lr;
	s5 =	simm.s32 $0xFFFFFFFF;
	p2 =	slt.u32 s8, $0xFFFFF086  }
0x1c: {  	p1 =	slt.u32 s9, $0xF7A;
	s5 =	simm.s32 @!p2 $0x0  }
0x1d: {  	s5 =	simm.s32 @p1 $0x1;
	p0 =	seq.s32 s7, s2  }
0x1e: {  	s7 =	smul.u32 @!p0 $0xF7A, s2;
	p2 =	seq.s32 @!p0 s5, $0x0  }
0x1f: {  	s9 =	smul.u32 $0xF7A, s1;
	s8 =	simm.s32 @!p0 $0x1BF5;
	p2 =	por !p2, p0  }
0x20: {  	[sflag:s8] =	ssyncset.s32 @!p0 $0xFFFFF086;
	s6 =	sadd.s32 @!p0 s3, s7;
	s7 =	simm.s32 @!p0 $0x108  }
0x21: {  	s3 =	sadd.s32 s3, s9;
	s6 =	sadd.s32 @!p0 $0x88, s6;
	s7 =	simm.s32 @p2 $0x1082  }
0x22: {  	[simem:s7], [sflag:s8] =	dma.local @!p0 [hbm:s6], $0xF7A  }
0x23: {  	s9 =	sor.u32 $0xD0000000, s2;
	s6 =	simm.s32 $0x108;
	_ =	swait.ge @!p0 [sflag:s8], $0x0  }
0x24: {  	s3 =	sadd.s32 $0x88, s3;
	s6 =	simm.s32 @!p1 $0x1082;
	[sflag:s4] =	ssyncset.s32 $0xFFFFF086  }
0x25: {  	[simem:s6], [sflag:s4] =	dma.local [hbm:s3], $0xF7A  }
0x26: {  	[smem:$0x3F9F] =	sst s1;
	(tag) =	ssettag s2;
	_ =	strace s9  }
0x27: {  	s1 =	sld [smem:$0x3FAF]  }
0x28: {  	s2 =	sld [smem:$0x3FB0]  }
0x29: {  	s4 =	sld [smem:$0x3FB2]  }
0x2a: {  	p0 =	seq.s32 s5, $0x0;
	s5 =	sld [smem:$0x3FB3]  }
0x2b: {  	s6 =	sld [smem:$0x3FB4]  }
0x2c: {  	s7 =	sld [smem:$0x3FB5]  }
0x2d: {  	s3 =	simm.s32 $0x108;
	s8 =	sld [smem:$0x3FB6]  }
0x2e: {  	s3 =	simm.s32 @!p0 $0x1082;
	s9 =	sld [smem:$0x3FB7]  }
0x2f: {  	lr =	sadd.s32 s0, s3;
	s0 =	sld [smem:$0x3FAE]  }
0x30: {  	s3 =	sld [smem:$0x3FB1]  }
0x31: {  	[smem:$0x3FBA] =	sst s10  }
0x32: {  	s10 =	sld [smem:$0x3FB8];
	_ =	sdelay $0x3  }
0x33: {  	p0 =	seq.s32 s10, $0x1;
	s10 =	sld [smem:$0x3FBA];
	_ =	sdelay $0x3  }
0x34: {  	[smem:$0x3FBA] =	sst s10  }
0x35: {  	s10 =	sld [smem:$0x3FB9];
	_ =	sdelay $0x3  }
0x36: {  	p1 =	seq.s32 s10, $0x1;
	s10 =	sld [smem:$0x3FBA];
	_ =	sdelay $0x3  }
0x37: {  	[smem:$0x3FBA] =	sst s10  }
0x38: {  	s10 =	sld [smem:$0x3FBB]  }
0x39: {  	_ = 	snop;
	(pc) =	sbr.ind lr, $3  }
0x3a: {  	_ = 	snop  }
0x3b: {  	_ = 	snop  }
0x3c: {  	p2 =	seq.s32 s10, $0x1;
	s10 =	sld [smem:$0x3FBA]  }
0x3d: {  	_ =	shalt  }
0x3e: {  	_ =	shalt  }
0x3f: {  	_ =	shalt  }
0x40: {  	_ =	shalt  }
0x41: {  	_ =	shalt  }
0x42: {  	_ =	shalt  }
0x43: {  	_ =	shalt  }
0x44: {  	_ =	shalt  }
0x45: {  	_ =	shalt  }
0x46: {  	_ =	shalt  }
0x47: {  	_ =	shalt  }
0x48: {  	_ =	shalt  }
0x49: {  	_ =	shalt  }
0x4a: {  	_ =	shalt  }
0x4b: {  	_ =	shalt  }
0x4c: {  	_ =	shalt  }
0x4d: {  	_ =	shalt  }
0x4e: {  	_ =	shalt  }
0x4f: {  	_ =	shalt  }
0x50: {  	_ =	shalt  }
0x51: {  	_ =	shalt  }
0x52: {  	_ =	shalt  }
0x53: {  	_ =	shalt  }
0x54: {  	_ =	shalt  }
0x55: {  	_ =	shalt  }
0x56: {  	_ =	shalt  }
0x57: {  	_ =	shalt  }
0x58: {  	_ =	shalt  }
0x59: {  	_ =	shalt  }
0x5a: {  	_ =	shalt  }
0x5b: {  	_ =	shalt  }
0x5c: {  	_ =	shalt  }
0x5d: {  	_ =	shalt  }
0x5e: {  	_ =	shalt  }
0x5f: {  	_ =	shalt  }
0x60: {  	_ =	shalt  }
0x61: {  	_ =	shalt  }
0x62: {  	_ =	shalt  }
0x63: {  	_ =	shalt  }
0x64: {  	_ =	shalt  }
0x65: {  	_ =	shalt  }
0x66: {  	_ =	shalt  }
0x67: {  	_ =	shalt  }
0x68: {  	_ =	shalt  }
0x69: {  	_ =	shalt  }
0x6a: {  	_ =	shalt  }
0x6b: {  	_ =	shalt  }
0x6c: {  	_ =	shalt  }
0x6d: {  	_ =	shalt  }
0x6e: {  	_ =	shalt  }
0x6f: {  	_ =	shalt  }
0x70: {  	_ =	shalt  }
0x71: {  	_ =	shalt  }
0x72: {  	_ =	shalt  }
0x73: {  	_ =	shalt  }
0x74: {  	_ =	shalt  }
0x75: {  	_ =	shalt  }
0x76: {  	_ =	shalt  }
0x77: {  	_ =	shalt  }
0x78: {  	_ =	shalt  }
0x79: {  	_ =	shalt  }
0x7a: {  	_ =	shalt  }
0x7b: {  	_ =	shalt  }
0x7c: {  	_ =	shalt  }
0x7d: {  	_ =	shalt  }
0x7e: {  	_ =	shalt  }
0x7f: {  	_ =	shalt  }
0x80: {  	_ =	shalt  }
0x81: {  	_ =	shalt  }
0x82: {  	_ =	shalt  }
0x83: {  	_ =	shalt  }
0x84: {  	_ =	shalt  }
0x85: {  	_ =	shalt  }
0x86: {  	_ =	shalt  }
0x87: {  	_ =	shalt  }
.Lfunc_end0:
.L_simem_size_0:
called_computation_lowered:
.L_overlay_start_0:
0x88: {  	s2 =	sld [smem:$0x3FD9]  }
0x89: {  	s3 =	sld [smem:$0x3FFE];
	_ =	sdelay $0x1  }
0x8a: {  	s1 =	srdreg.scid  }
0x8b: {  	s0 =	sand.u32 $0x1, s1  }
0x8c: {  	s14 =	sshll.u32 s0, $0xA;
	s2 =	sadd.s32 s3, s2  }
0x8d: {  	s2 =	sadd.s32 s2, s14  }
0x8e: {  	[smem:$0x3FC6] =	sst s2  }
0x8f: {  	_ = 	snop  }
0x90: {  	s2 =	sld [smem:$0x3FD0];
	_ =	sdelay $0x2  }
0x91: {  	s15 =	simm.s32 $0xA;
	s4 =	simm.s32 $0x10  }
0x92: {  	[smem:s4], [sflag:s15] =	dma.local [hbm:s2], $0x1  }
0x93: {  	_ =	swait.eq [sflag:s15], $0x1  }
0x94: {  	[sflag:s15] =	ssyncset.done $0x0  }
0x95: {  	[sflag:s15] =	ssyncadd.s32 $0xFFFFFFFF  }
0x96: {  	s16 =	sld [smem:$0x10];
	(tm) =	ssettm $0x1  }
0x97: {  	s17 =	sld [smem:$0x3FFB];
	_ =	sdelay $0x3  }
0x98: {  	_ =	strace s17  }
0x99: {  	s3 =	sld [smem:$0x3FFC];
	_ =	sdelay $0x3  }
0x9a: {  	_ =	strace s3  }
0x9b: {  	s3 =	sld [smem:$0x3FFD];
	_ =	sdelay $0x3  }
0x9c: {  	_ =	strace s3  }
0x9d: {  	_ =	strace $0x8FFFFFFF  }
0x9e: {  	s18 =	sld [smem:$0x3FDB];
	_ =	sdelay $0x1  }
0x9f: {  	s19 =	simm.s32 $_scs_section_size  }
0xa0: {  	s5 =	simm.s32 $_size__tile_overlayer_lowered;
	s6 =	simm.s32 $_tile_overlayer_lowered  }
0xa1: {  	s22 =	simm.s32 $0x1BFF;
	s21 =	sshll.u32 s6, $0x1;
	s3 =	sadd.s32 s19, s18  }
0xa2: {  	s7 =	simm.s32 $0x0;
	s20 =	sshll.u32 s5, $0x1;
	s5 =	sadd.s32 s21, s3  }
0xa3: {  	[timem:s7], [sflag:s22] =	dma.local [hbm:s5], s20  }
0xa4: {  	_ =	swait.ge [sflag:s22], s20  }
0xa5: {  	s4 =	ssub.s32 $0x0, s20;
	[sflag:s22] =	ssyncset.done $0x0  }
0xa6: {  	[sflag:s22] =	ssyncadd.s32 s4;
	_ =	sdelay $0x1  }
0xa7: {  	s23 =	simm.s32 $0x1B8B  }
0xa8: {  	_ =	swait.ge [sflag:s23], $0x1  }
0xa9: {  	[sflag:s23] =	ssyncset.done $0x0  }
0xaa: {  	s25 =	simm.s32 $0x1B8E;
	s24 =	sld [smem:$0x3FFE];
	[sflag:s23] =	ssyncadd.s32 $0xFFFFFFFF  }
0xab: {  	s26 =	simm.s32 $execute0_lowered;
	[smem:$0x3FD2] =	sst s25  }
0xac: {  	s5 =	sshll.u32 s26, $0x1;
	_ =	strace $0x80000046;
	[dreg:$0x1] =	wrdreg $0xFFFFFFFF  }
0xad: {  	s28 =	simm.s32 $_size_execute0_lowered;
	s3 =	sadd.s32 s3, s5;
	[dreg:$0x0] =	wrdreg $0x0  }
0xae: {  	s5 =	sshll.u32 s28, $0x1;
	[dreg:$0x2] =	wrdreg s3  }
0xaf: {  	[dreg:$0x3] =	wrdreg s5  }
0xb0: {  	[dreg:$0x4] =	wrdreg $0xC0  }
0xb1: {  	_ =	task [dreg:s7], $0x5FFFF  }
0xb2: {  	[dreg:$0x1] =	wrdreg $0xFFFFFFFF  }
0xb3: {  	[dreg:$0x0] =	wrdreg $0x60  }
0xb4: {  	[dreg:$0x2] =	wrdreg s24  }
0xb5: {  	[dreg:$0x3] =	wrdreg s16  }
0xb6: {  	[dreg:$0x4] =	wrdreg $0x9  }
0xb7: {  	_ =	task.clear_ibuf [dreg:s7], $0x5FFFF;
	_ =	strace $0x90000046  }
0xb8: {  	s29 =	simm.s32 $0x9;
	_ =	strace $0x80000048  }
0xb9: {  	_ =	swait.ge [sflag:s29], $0x1  }
0xba: {  	[sflag:s29] =	ssyncadd.s32 $0xFFFFFFFF  }
0xbb: {  	_ =	strace $0x90000048  }
0xbc: {  	_ =	sfence  }
0xbd: {  	s30 =	sld [smem:$0x0];
	_ =	sdelay $0x2  }
0xbe: {  	s31 =	sshll.u32 s1, $0xD;
	s1 =	sshrl.u32 s1, $0x2  }
0xbf: {  	s3 =	sand.u32 $0x4000, s31;
	s1 =	sadd.s32 s1, s30  }
0xc0: {  	s0 =	sor.u32 s3, s0;
	s1 =	sshll.u32 s1, $0x11  }
0xc1: {  	s0 =	sor.u32 s1, s0  }
0xc2: {  	s0 =	sadd.s32 $0x8F2B, s0  }
0xc3: {  	[sflag:s0] =	ssyncadd.remote.s32 $0x1  }
0xc4: {  	_ =	sfence.sel $0xFFFF  }
0xc5: {  	[dreg:$0x0] =	wrdreg $0xFFFFFFFF;
	(pc) =	sbr.abs _section_cstart, $3  }
0xc6: {  	[dreg:$0x1] =	wrdreg $0xFFFFFFFF  }
0xc7: {  	_ =	task.clear_ibuf [dreg:s7], $0x2FFFF;
	_ =	strace $0x9FFFFFFF  }
0xc8: {  	(tm) =	ssettm $0x7FFFFFFF  }
0xc9: {  	_ =	shalt  }
tec
execute0_lowered:
.L_overlay_start_1:
0x0: {  	(tag) =	ssettag $0x1  }
0x1: {  	s0 =	srdreg.scid;
	s3 =	stileid.u32  }
0x2: {  	s0 =	sand.u32 $0x1, s0;
	s3 =	sshll.u32 s3, $0x1  }
0x3: {  	s2 =	rddreg [dreg:$0x0];
	s4 =	sor.u32 s0, s3  }
0x4: {  	s1 =	rddreg [dreg:$0x1];
	s5 =	sshll.u32 s4, $0x8  }
0x5: {  	s3 =	simm.s32 $0x0;
	s6 =	smul.u32 $0xC000, s4;
	s5 =	sadd.s32 s5, s2  }
0x6: {  	[smem:$0x7FF] =	sst s3;
	s5 =	sadd.s32 $0x6000, s5  }
0x7: {  	_ =	strace $0x80000047;
	s6 =	sadd.s32 s1, s6;
	[dreg:$0x3] =	wrdreg s5  }
0x8: {  	s13 =	sadd.s32 $0xC00, s6;
	[dreg:$0x13] =	wrdreg s6  }
0x9: {  	s4 =	smul.u32 $0x60000, s4;
	s14 =	sadd.s32 $0x1800, s6;
	[dreg:$0x4] =	wrdreg s13  }
0xa: {  	s12 =	simm.s32 $0x1;
	s15 =	sadd.s32 $0x2400, s6;
	[dreg:$0x5] =	wrdreg s14  }
0xb: {  	s4 =	sshrl.u32 s4, $0x3;
	s16 =	sadd.s32 $0x3000, s6;
	[dreg:$0x6] =	wrdreg s15  }
0xc: {  	s17 =	sadd.s32 $0x3C00, s6;
	s1 =	sadd.s32 s1, s4;
	[dreg:$0x7] =	wrdreg s16  }
0xd: {  	s28 =	simm.s32 $0x5;
	[dreg:$0x8] =	wrdreg s17;
	s4 =	sadd.s32 $0x4800, s1  }
0xe: {  	s29 =	simm.s32 $0x4;
	s18 =	sadd.s32 $0x5400, s1;
	[dreg:$0x9] =	wrdreg s4  }
0xf: {  	s30 =	simm.s32 $0x6;
	s19 =	sadd.s32 $0x6000, s1;
	[dreg:$0xa] =	wrdreg s18  }
0x10: {  	s31 =	simm.s32 $0x7;
	s20 =	sadd.s32 $0x6C00, s1;
	[dreg:$0xb] =	wrdreg s19  }
0x11: {  	s0 =	ssub.s32 $0x2, s0;
	s21 =	sadd.s32 $0x7800, s1;
	[dreg:$0xc] =	wrdreg s20  }
0x12: {  	s24 =	sshrl.u32 s0, $0x1;
	s22 =	sadd.s32 $0x8400, s1;
	[dreg:$0xd] =	wrdreg s21  }
0x13: {  	s0 =	ssub.s32 s0, s24;
	s23 =	sadd.s32 $0x9000, s1;
	[dreg:$0xe] =	wrdreg s22  }
0x14: {  	s5 =	sadd.s32 $0x100, s2;
	s25 =	sadd.s32 $0x9C00, s1;
	[dreg:$0xf] =	wrdreg s23  }
0x15: {  	v2 =	vlaneseq.u32;
	s6 =	smax.u32 s0, $0x1;
	s26 =	sadd.s32 $0xA800, s1;
	[dreg:$0x10] =	wrdreg s25  }
0x16: {  	vm0 =	vmmov $0xffff;
	vm1 =	vmmov $0xff;
	v1 =	vshrl.u32 v2, $0x3;
	s0 =	simm.s32 $0x2;
	s1 =	sadd.s32 $0xB400, s1;
	[dreg:$0x11] =	wrdreg s26  }
0x17: {  	v0 =	vand.u32 $0x7, v2;
	v2 =	vor.u32 $0x8, v2;
	v1 =	vmul.u32 $0x8, v1;
	[dreg:$0x12] =	wrdreg s1;
	s26 =	simm.s32 $0x3;
	s1 =	simm.s32 $0x8  }
.LBB2_1:
0x18: {  	s7 =	rddreg [dreg:$0x3];
	s14 =	simm.s32 $0x9  }
0x19: {  	[tilespmem:s3], [sflag:$0x9] =	stream.linear.gather [hbm4b:s7+s3], $0x800, $0x38;
	[tilespmem:$0x18800] =	vst v63  }
0x1a: {  	_ =	swait.ge [sflag:s14], $0x800  }
0x1b: {  	[sflag:s14] =	ssyncset.done $0x0  }
0x1c: {  	[sflag:s14] =	ssyncadd.s32 $0xFFFFF800  }
0x1d: {  	v3 =	vld [tilespmem:$0x0];
	_ =	sdelay $0x4  }
0x1e: {  	v4 =	vshrl.u32 v3, $0x3  }
0x1f: {  	v4 =	vmul.u32 $0x18, v4  }
0x20: {  	v3 =	vand.u32 $0x7, v3  }
0x21: {  	v3 =	vor.u32 v3, v4  }
0x22: {  	v4 =	vperm.xlane v3, v0;
	_ =	sdelay $0x1  }
0x23: {  	v4 =	vadd.s32 v1, v4;
	_ =	sdelay $0x1  }
0x24: {  	v3 =	vperm.xlane v3, v2;
	_ =	sdelay $0x1  }
0x25: {  	s4 =	simm.s32 $0x800;
	v3 =	vadd.s32 v1, v3  }
0x26: {  	[tilespmem:s4], [sflag:$0x1] =	stream.indirect_vreg.gather [hbm4b:s2+s3], $0x80, v4, vm0, $0xb8;
	[tilespmem:$0x18800] =	vst v63  }
0x27: {  	s15 =	simm.s32 $0x1000  }
0x28: {  	[tilespmem:s15], [sflag:$0x1] =	stream.indirect_vreg.gather [hbm4b:s5+s3], $0x80, v4, vm1, $0xb8;
	[tilespmem:$0x18800] =	vst v63  }
0x29: {  	s16 =	simm.s32 $0x1400  }
0x2a: {  	[tilespmem:s16], [sflag:$0x1] =	stream.indirect_vreg.gather [hbm4b:s2+s3], $0x80, v3, vm0, $0xb8;
	[tilespmem:$0x18800] =	vst v63  }
0x2b: {  	s17 =	simm.s32 $0x1C00  }
0x2c: {  	[tilespmem:s17], [sflag:$0x1] =	stream.indirect_vreg.gather [hbm4b:s5+s3], $0x80, v3, vm1, $0xb8;
	[tilespmem:$0x18800] =	vst v63  }
0x2d: {  	v3 =	vld [tilespmem:$0x10];
	_ =	sdelay $0x4  }
0x2e: {  	v57 =	vshrl.u32 v3, $0x3  }
0x2f: {  	v4 =	vmul.u32 $0x18, v57  }
0x30: {  	v3 =	vand.u32 $0x7, v3  }
0x31: {  	v3 =	vor.u32 v3, v4  }
0x32: {  	v4 =	vperm.xlane v3, v0;
	_ =	sdelay $0x1  }
0x33: {  	v4 =	vadd.s32 v1, v4;
	_ =	sdelay $0x1  }
0x34: {  	v3 =	vperm.xlane v3, v2;
	_ =	sdelay $0x1  }
0x35: {  	s18 =	simm.s32 $0x2000;
	v3 =	vadd.s32 v1, v3  }
0x36: {  	[tilespmem:s18], [sflag:$0x1] =	stream.indirect_vreg.gather [hbm4b:s2+s3], $0x80, v4, vm0, $0xb8;
	[tilespmem:$0x18800] =	vst v63  }
0x37: {  	s19 =	simm.s32 $0x2800  }
0x38: {  	[tilespmem:s19], [sflag:$0x1] =	stream.indirect_vreg.gather [hbm4b:s5+s3], $0x80, v4, vm1, $0xb8;
	[tilespmem:$0x18800] =	vst v63  }
0x39: {  	s20 =	simm.s32 $0x2C00  }
0x3a: {  	[tilespmem:s20], [sflag:$0x1] =	stream.indirect_vreg.gather [hbm4b:s2+s3], $0x80, v3, vm0, $0xb8;
	[tilespmem:$0x18800] =	vst v63  }
0x3b: {  	s21 =	simm.s32 $0x3400  }
0x3c: {  	[tilespmem:s21], [sflag:$0x1] =	stream.indirect_vreg.gather [hbm4b:s5+s3], $0x80, v3, vm1, $0xb8;
	[tilespmem:$0x18800] =	vst v63  }
0x3d: {  	v3 =	vld [tilespmem:$0x20];
	_ =	sdelay $0x4  }
0x3e: {  	v58 =	vshrl.u32 v3, $0x3  }
0x3f: {  	v4 =	vmul.u32 $0x18, v58  }
0x40: {  	v3 =	vand.u32 $0x7, v3  }
0x41: {  	v3 =	vor.u32 v3, v4  }
0x42: {  	v4 =	vperm.xlane v3, v0;
	_ =	sdelay $0x1  }
0x43: {  	v4 =	vadd.s32 v1, v4;
	_ =	sdelay $0x1  }
0x44: {  	v3 =	vperm.xlane v3, v2;
	_ =	sdelay $0x1  }
0x45: {  	s22 =	simm.s32 $0x3800;
	v3 =	vadd.s32 v1, v3  }
0x46: {  	[tilespmem:s22], [sflag:$0x1] =	stream.indirect_vreg.gather [hbm4b:s2+s3], $0x80, v4, vm0, $0xb8;
	[tilespmem:$0x18800] =	vst v63  }
0x47: {  	s23 =	simm.s32 $0x4000  }
0x48: {  	[tilespmem:s23], [sflag:$0x1] =	stream.indirect_vreg.gather [hbm4b:s5+s3], $0x80, v4, vm1, $0xb8;
	[tilespmem:$0x18800] =	vst v63  }
0x49: {  	s25 =	simm.s32 $0x4400  }
0x4a: {  	[tilespmem:s25], [sflag:$0x1] =	stream.indirect_vreg.gather [hbm4b:s2+s3], $0x80, v3, vm0, $0xb8;
	[tilespmem:$0x18800] =	vst v63  }
0x4b: {  	s7 =	simm.s32 $0x4C00  }
0x4c: {  	[tilespmem:s7], [sflag:$0x1] =	stream.indirect_vreg.gather [hbm4b:s5+s3], $0x80, v3, vm1, $0xb8;
	[tilespmem:$0x18800] =	vst v63  }
0x4d: {  	v3 =	vld [tilespmem:$0x30];
	_ =	sdelay $0x4  }
0x4e: {  	v59 =	vshrl.u32 v3, $0x3  }
0x4f: {  	v4 =	vmul.u32 $0x18, v59  }
0x50: {  	v3 =	vand.u32 $0x7, v3  }
0x51: {  	v3 =	vor.u32 v3, v4  }
0x52: {  	v4 =	vperm.xlane v3, v0;
	_ =	sdelay $0x1  }
0x53: {  	v4 =	vadd.s32 v1, v4;
	_ =	sdelay $0x1  }
0x54: {  	v3 =	vperm.xlane v3, v2;
	_ =	sdelay $0x1  }
0x55: {  	s8 =	simm.s32 $0x5000;
	v3 =	vadd.s32 v1, v3  }
0x56: {  	[tilespmem:s8], [sflag:$0x1] =	stream.indirect_vreg.gather [hbm4b:s2+s3], $0x80, v4, vm0, $0xb8;
	[tilespmem:$0x18800] =	vst v63  }
0x57: {  	s9 =	simm.s32 $0x5800  }
0x58: {  	[tilespmem:s9], [sflag:$0x1] =	stream.indirect_vreg.gather [hbm4b:s5+s3], $0x80, v4, vm1, $0xb8;
	[tilespmem:$0x18800] =	vst v63  }
0x59: {  	s11 =	simm.s32 $0x5C00  }
0x5a: {  	[tilespmem:s11], [sflag:$0x1] =	stream.indirect_vreg.gather [hbm4b:s2+s3], $0x80, v3, vm0, $0xb8;
	[tilespmem:$0x18800] =	vst v63  }
0x5b: {  	s15 =	simm.s32 $0x6400  }
0x5c: {  	[tilespmem:s15], [sflag:$0x1] =	stream.indirect_vreg.gather [hbm4b:s5+s3], $0x80, v3, vm1, $0xb8;
	[tilespmem:$0x18800] =	vst v63  }
0x5d: {  	v3 =	vld [tilespmem:$0x80];
	_ =	sdelay $0x4  }
0x5e: {  	v60 =	vshrl.u32 v3, $0x3  }
0x5f: {  	v4 =	vmul.u32 $0x18, v60  }
0x60: {  	v3 =	vand.u32 $0x7, v3  }
0x61: {  	v3 =	vor.u32 v3, v4  }
0x62: {  	v4 =	vperm.xlane v3, v0;
	_ =	sdelay $0x1  }
0x63: {  	v4 =	vadd.s32 v1, v4;
	_ =	sdelay $0x1  }
0x64: {  	v3 =	vperm.xlane v3, v2;
	_ =	sdelay $0x1  }
0x65: {  	s16 =	simm.s32 $0x6800;
	v3 =	vadd.s32 v1, v3  }
0x66: {  	[tilespmem:s16], [sflag:$0x2] =	stream.indirect_vreg.gather [hbm4b:s2+s3], $0x80, v4, vm0, $0xb8;
	[tilespmem:$0x18800] =	vst v63  }
0x67: {  	s17 =	simm.s32 $0x7000  }
0x68: {  	[tilespmem:s17], [sflag:$0x2] =	stream.indirect_vreg.gather [hbm4b:s5+s3], $0x80, v4, vm1, $0xb8;
	[tilespmem:$0x18800] =	vst v63  }
0x69: {  	s18 =	simm.s32 $0x7400  }
0x6a: {  	[tilespmem:s18], [sflag:$0x2] =	stream.indirect_vreg.gather [hbm4b:s2+s3], $0x80, v3, vm0, $0xb8;
	[tilespmem:$0x18800] =	vst v63  }
0x6b: {  	s19 =	simm.s32 $0x7C00  }
0x6c: {  	[tilespmem:s19], [sflag:$0x2] =	stream.indirect_vreg.gather [hbm4b:s5+s3], $0x80, v3, vm1, $0xb8;
	[tilespmem:$0x18800] =	vst v63  }
0x6d: {  	v3 =	vld [tilespmem:$0x90];
	_ =	sdelay $0x4  }
0x6e: {  	v61 =	vshrl.u32 v3, $0x3  }
0x6f: {  	v4 =	vmul.u32 $0x18, v61  }
0x70: {  	v3 =	vand.u32 $0x7, v3  }
0x71: {  	v3 =	vor.u32 v3, v4  }
0x72: {  	v4 =	vperm.xlane v3, v0;
	_ =	sdelay $0x1  }
0x73: {  	v4 =	vadd.s32 v1, v4;
	_ =	sdelay $0x1  }
0x74: {  	v3 =	vperm.xlane v3, v2;
	_ =	sdelay $0x1  }
0x75: {  	s20 =	simm.s32 $0x8000;
	v3 =	vadd.s32 v1, v3  }
0x76: {  	[tilespmem:s20], [sflag:$0x2] =	stream.indirect_vreg.gather [hbm4b:s2+s3], $0x80, v4, vm0, $0xb8;
	[tilespmem:$0x18800] =	vst v63  }
0x77: {  	s21 =	simm.s32 $0x8800  }
0x78: {  	[tilespmem:s21], [sflag:$0x2] =	stream.indirect_vreg.gather [hbm4b:s5+s3], $0x80, v4, vm1, $0xb8;
	[tilespmem:$0x18800] =	vst v63  }
0x79: {  	s22 =	simm.s32 $0x8C00  }
0x7a: {  	[tilespmem:s22], [sflag:$0x2] =	stream.indirect_vreg.gather [hbm4b:s2+s3], $0x80, v3, vm0, $0xb8;
	[tilespmem:$0x18800] =	vst v63  }
0x7b: {  	s23 =	simm.s32 $0x9400  }
0x7c: {  	[tilespmem:s23], [sflag:$0x2] =	stream.indirect_vreg.gather [hbm4b:s5+s3], $0x80, v3, vm1, $0xb8;
	[tilespmem:$0x18800] =	vst v63  }
0x7d: {  	v3 =	vld [tilespmem:$0xA0];
	_ =	sdelay $0x4  }
0x7e: {  	v62 =	vshrl.u32 v3, $0x3  }
0x7f: {  	v4 =	vmul.u32 $0x18, v62  }
0x80: {  	v3 =	vand.u32 $0x7, v3  }
0x81: {  	v3 =	vor.u32 v3, v4  }
0x82: {  	v4 =	vperm.xlane v3, v0;
	_ =	sdelay $0x1  }
0x83: {  	v4 =	vadd.s32 v1, v4;
	_ =	sdelay $0x1  }
0x84: {  	v3 =	vperm.xlane v3, v2;
	_ =	sdelay $0x1  }
0x85: {  	s25 =	simm.s32 $0x9800;
	v3 =	vadd.s32 v1, v3  }
0x86: {  	[tilespmem:s25], [sflag:$0x2] =	stream.indirect_vreg.gather [hbm4b:s2+s3], $0x80, v4, vm0, $0xb8;
	[tilespmem:$0x18800] =	vst v63  }
0x87: {  	s7 =	simm.s32 $0xA000  }
0x88: {  	[tilespmem:s7], [sflag:$0x2] =	stream.indirect_vreg.gather [hbm4b:s5+s3], $0x80, v4, vm1, $0xb8;
	[tilespmem:$0x18800] =	vst v63  }
0x89: {  	s8 =	simm.s32 $0xA400  }
0x8a: {  	[tilespmem:s8], [sflag:$0x2] =	stream.indirect_vreg.gather [hbm4b:s2+s3], $0x80, v3, vm0, $0xb8;
	[tilespmem:$0x18800] =	vst v63  }
0x8b: {  	s9 =	simm.s32 $0xAC00  }
0x8c: {  	[tilespmem:s9], [sflag:$0x2] =	stream.indirect_vreg.gather [hbm4b:s5+s3], $0x80, v3, vm1, $0xb8;
	[tilespmem:$0x18800] =	vst v63  }
0x8d: {  	v3 =	vld [tilespmem:$0xB0];
	_ =	sdelay $0x4  }
0x8e: {  	v63 =	vshrl.u32 v3, $0x3  }
0x8f: {  	v4 =	vmul.u32 $0x18, v63  }
0x90: {  	v3 =	vand.u32 $0x7, v3  }
0x91: {  	v3 =	vor.u32 v3, v4  }
0x92: {  	v4 =	vperm.xlane v3, v0;
	_ =	sdelay $0x1  }
0x93: {  	v4 =	vadd.s32 v1, v4;
	_ =	sdelay $0x1  }
0x94: {  	v3 =	vperm.xlane v3, v2;
	_ =	sdelay $0x1  }
0x95: {  	s11 =	simm.s32 $0xB000;
	v3 =	vadd.s32 v1, v3  }
0x96: {  	[tilespmem:s11], [sflag:$0x2] =	stream.indirect_vreg.gather [hbm4b:s2+s3], $0x80, v4, vm0, $0xb8;
	[tilespmem:$0x18800] =	vst v63  }
0x97: {  	s18 =	simm.s32 $0xB800  }
0x98: {  	[tilespmem:s18], [sflag:$0x2] =	stream.indirect_vreg.gather [hbm4b:s5+s3], $0x80, v4, vm1, $0xb8;
	[tilespmem:$0x18800] =	vst v63  }
0x99: {  	s7 =	simm.s32 $0xBC00  }
0x9a: {  	[tilespmem:s7], [sflag:$0x2] =	stream.indirect_vreg.gather [hbm4b:s2+s3], $0x80, v3, vm0, $0xb8;
	[tilespmem:$0x18800] =	vst v63  }
0x9b: {  	s8 =	simm.s32 $0xC400  }
0x9c: {  	[tilespmem:s8], [sflag:$0x2] =	stream.indirect_vreg.gather [hbm4b:s5+s3], $0x80, v3, vm1, $0xb8;
	[tilespmem:$0x18800] =	vst v63  }
0x9d: {  	_ =	swait.ge [sflag:s12], $0x6000  }
0x9e: {  	[sflag:s12] =	ssyncset.done $0x0  }
0x9f: {  	[sflag:s12] =	ssyncadd.s32 $0xFFFFA000  }
0xa0: {  	v3 =	vld [tilespmem:$0x100];
	_ =	sdelay $0x4  }
0xa1: {  	v8 =	vshrl.u32 v3, $0x3  }
0xa2: {  	v4 =	vmul.u32 $0x18, v8  }
0xa3: {  	v3 =	vand.u32 $0x7, v3  }
0xa4: {  	v3 =	vor.u32 v3, v4  }
0xa5: {  	v4 =	vperm.xlane v3, v0;
	_ =	sdelay $0x1  }
0xa6: {  	v4 =	vadd.s32 v1, v4;
	_ =	sdelay $0x1  }
0xa7: {  	v3 =	vperm.xlane v3, v2;
	_ =	sdelay $0x1  }
0xa8: {  	s9 =	simm.s32 $0xC800;
	v3 =	vadd.s32 v1, v3  }
0xa9: {  	[tilespmem:s9], [sflag:$0x3] =	stream.indirect_vreg.gather [hbm4b:s2+s3], $0x80, v4, vm0, $0xb8;
	[tilespmem:$0x18800] =	vst v63  }
0xaa: {  	s11 =	simm.s32 $0xD000  }
0xab: {  	[tilespmem:s11], [sflag:$0x3] =	stream.indirect_vreg.gather [hbm4b:s5+s3], $0x80, v4, vm1, $0xb8;
	[tilespmem:$0x18800] =	vst v63  }
0xac: {  	s4 =	simm.s32 $0xD400  }
0xad: {  	[tilespmem:s4], [sflag:$0x3] =	stream.indirect_vreg.gather [hbm4b:s2+s3], $0x80, v3, vm0, $0xb8;
	[tilespmem:$0x18800] =	vst v63  }
0xae: {  	s8 =	simm.s32 $0xDC00  }
0xaf: {  	[tilespmem:s8], [sflag:$0x3] =	stream.indirect_vreg.gather [hbm4b:s5+s3], $0x80, v3, vm1, $0xb8;
	[tilespmem:$0x18800] =	vst v63  }
0xb0: {  	v3 =	vld [tilespmem:$0x110];
	_ =	sdelay $0x4  }
0xb1: {  	v9 =	vshrl.u32 v3, $0x3  }
0xb2: {  	v4 =	vmul.u32 $0x18, v9  }
0xb3: {  	v3 =	vand.u32 $0x7, v3  }
0xb4: {  	v3 =	vor.u32 v3, v4  }
0xb5: {  	v4 =	vperm.xlane v3, v0;
	_ =	sdelay $0x1  }
0xb6: {  	v4 =	vadd.s32 v1, v4;
	_ =	sdelay $0x1  }
0xb7: {  	v3 =	vperm.xlane v3, v2;
	_ =	sdelay $0x1  }
0xb8: {  	s9 =	simm.s32 $0xE000;
	v3 =	vadd.s32 v1, v3  }
0xb9: {  	[tilespmem:s9], [sflag:$0x3] =	stream.indirect_vreg.gather [hbm4b:s2+s3], $0x80, v4, vm0, $0xb8;
	[tilespmem:$0x18800] =	vst v63  }
0xba: {  	s11 =	simm.s32 $0xE800  }
0xbb: {  	[tilespmem:s11], [sflag:$0x3] =	stream.indirect_vreg.gather [hbm4b:s5+s3], $0x80, v4, vm1, $0xb8;
	[tilespmem:$0x18800] =	vst v63  }
0xbc: {  	s4 =	simm.s32 $0xEC00  }
0xbd: {  	[tilespmem:s4], [sflag:$0x3] =	stream.indirect_vreg.gather [hbm4b:s2+s3], $0x80, v3, vm0, $0xb8;
	[tilespmem:$0x18800] =	vst v63  }
0xbe: {  	s8 =	simm.s32 $0xF400  }
0xbf: {  	[tilespmem:s8], [sflag:$0x3] =	stream.indirect_vreg.gather [hbm4b:s5+s3], $0x80, v3, vm1, $0xb8;
	[tilespmem:$0x18800] =	vst v63  }
0xc0: {  	v3 =	vld [tilespmem:$0x120];
	_ =	sdelay $0x4  }
0xc1: {  	v10 =	vshrl.u32 v3, $0x3  }
0xc2: {  	v4 =	vmul.u32 $0x18, v10  }
0xc3: {  	v3 =	vand.u32 $0x7, v3  }
0xc4: {  	v3 =	vor.u32 v3, v4  }
0xc5: {  	v4 =	vperm.xlane v3, v0;
	_ =	sdelay $0x1  }
0xc6: {  	v4 =	vadd.s32 v1, v4;
	_ =	sdelay $0x1  }
0xc7: {  	v3 =	vperm.xlane v3, v2;
	_ =	sdelay $0x1  }
0xc8: {  	s9 =	simm.s32 $0xF800;
	v3 =	vadd.s32 v1, v3  }
0xc9: {  	[tilespmem:s9], [sflag:$0x3] =	stream.indirect_vreg.gather [hbm4b:s2+s3], $0x80, v4, vm0, $0xb8;
	[tilespmem:$0x18800] =	vst v63  }
0xca: {  	s11 =	simm.s32 $0x10000  }
0xcb: {  	[tilespmem:s11], [sflag:$0x3] =	stream.indirect_vreg.gather [hbm4b:s5+s3], $0x80, v4, vm1, $0xb8;
	[tilespmem:$0x18800] =	vst v63  }
0xcc: {  	s4 =	simm.s32 $0x10400  }
0xcd: {  	[tilespmem:s4], [sflag:$0x3] =	stream.indirect_vreg.gather [hbm4b:s2+s3], $0x80, v3, vm0, $0xb8;
	[tilespmem:$0x18800] =	vst v63  }
0xce: {  	s8 =	simm.s32 $0x10C00  }
0xcf: {  	[tilespmem:s8], [sflag:$0x3] =	stream.indirect_vreg.gather [hbm4b:s5+s3], $0x80, v3, vm1, $0xb8;
	[tilespmem:$0x18800] =	vst v63  }
0xd0: {  	v3 =	vld [tilespmem:$0x130];
	_ =	sdelay $0x4  }
0xd1: {  	v11 =	vshrl.u32 v3, $0x3  }
0xd2: {  	v4 =	vmul.u32 $0x18, v11  }
0xd3: {  	v3 =	vand.u32 $0x7, v3  }
0xd4: {  	v3 =	vor.u32 v3, v4  }
0xd5: {  	v4 =	vperm.xlane v3, v0;
	_ =	sdelay $0x1  }
0xd6: {  	v4 =	vadd.s32 v1, v4;
	_ =	sdelay $0x1  }
0xd7: {  	v3 =	vperm.xlane v3, v2;
	_ =	sdelay $0x1  }
0xd8: {  	s9 =	simm.s32 $0x11000;
	v3 =	vadd.s32 v1, v3  }
0xd9: {  	[tilespmem:s9], [sflag:$0x3] =	stream.indirect_vreg.gather [hbm4b:s2+s3], $0x80, v4, vm0, $0xb8;
	[tilespmem:$0x18800] =	vst v63  }
0xda: {  	s11 =	simm.s32 $0x11800  }
0xdb: {  	[tilespmem:s11], [sflag:$0x3] =	stream.indirect_vreg.gather [hbm4b:s5+s3], $0x80, v4, vm1, $0xb8;
	[tilespmem:$0x18800] =	vst v63  }
0xdc: {  	s4 =	simm.s32 $0x11C00  }
0xdd: {  	[tilespmem:s4], [sflag:$0x3] =	stream.indirect_vreg.gather [hbm4b:s2+s3], $0x80, v3, vm0, $0xb8;
	[tilespmem:$0x18800] =	vst v63  }
0xde: {  	s8 =	simm.s32 $0x12400  }
0xdf: {  	[tilespmem:s8], [sflag:$0x3] =	stream.indirect_vreg.gather [hbm4b:s5+s3], $0x80, v3, vm1, $0xb8;
	[tilespmem:$0x18800] =	vst v63  }
0xe0: {  	s9 =	rddreg [dreg:$0x13];
	s4 =	simm.s32 $0x800  }
0xe1: {  	[hbm4b:s9+s3] =	stream.linear.scatter [tilespmem:s4], [sflag:$0x5], $0x6000, $0x38;
	[tilespmem:$0x18800] =	vst v63  }
0xe2: {  	_ =	swait.ge [sflag:s0], $0x6000  }
0xe3: {  	[sflag:s0] =	ssyncset.done $0x0  }
0xe4: {  	[sflag:s0] =	ssyncadd.s32 $0xFFFFA000  }
0xe5: {  	v3 =	vld [tilespmem:$0x180];
	_ =	sdelay $0x4  }
0xe6: {  	v12 =	vshrl.u32 v3, $0x3  }
0xe7: {  	v4 =	vmul.u32 $0x18, v12  }
0xe8: {  	v3 =	vand.u32 $0x7, v3  }
0xe9: {  	v3 =	vor.u32 v3, v4  }
0xea: {  	v4 =	vperm.xlane v3, v0;
	_ =	sdelay $0x1  }
0xeb: {  	v4 =	vadd.s32 v1, v4;
	_ =	sdelay $0x1  }
0xec: {  	v3 =	vperm.xlane v3, v2;
	_ =	sdelay $0x1  }
0xed: {  	s11 =	simm.s32 $0x12800;
	v3 =	vadd.s32 v1, v3  }
0xee: {  	[tilespmem:s11], [sflag:$0x4] =	stream.indirect_vreg.gather [hbm4b:s2+s3], $0x80, v4, vm0, $0xb8;
	[tilespmem:$0x18800] =	vst v63  }
0xef: {  	s8 =	simm.s32 $0x13000  }
0xf0: {  	[tilespmem:s8], [sflag:$0x4] =	stream.indirect_vreg.gather [hbm4b:s5+s3], $0x80, v4, vm1, $0xb8;
	[tilespmem:$0x18800] =	vst v63  }
0xf1: {  	s9 =	simm.s32 $0x13400  }
0xf2: {  	[tilespmem:s9], [sflag:$0x4] =	stream.indirect_vreg.gather [hbm4b:s2+s3], $0x80, v3, vm0, $0xb8;
	[tilespmem:$0x18800] =	vst v63  }
0xf3: {  	s11 =	simm.s32 $0x13C00  }
0xf4: {  	[tilespmem:s11], [sflag:$0x4] =	stream.indirect_vreg.gather [hbm4b:s5+s3], $0x80, v3, vm1, $0xb8;
	[tilespmem:$0x18800] =	vst v63  }
0xf5: {  	v3 =	vld [tilespmem:$0x190];
	_ =	sdelay $0x4  }
0xf6: {  	v13 =	vshrl.u32 v3, $0x3  }
0xf7: {  	v4 =	vmul.u32 $0x18, v13  }
0xf8: {  	v3 =	vand.u32 $0x7, v3  }
0xf9: {  	v3 =	vor.u32 v3, v4  }
0xfa: {  	v4 =	vperm.xlane v3, v0;
	_ =	sdelay $0x1  }
0xfb: {  	v4 =	vadd.s32 v1, v4;
	_ =	sdelay $0x1  }
0xfc: {  	v3 =	vperm.xlane v3, v2;
	_ =	sdelay $0x1  }
0xfd: {  	s8 =	simm.s32 $0x14000;
	v3 =	vadd.s32 v1, v3  }
0xfe: {  	[tilespmem:s8], [sflag:$0x4] =	stream.indirect_vreg.gather [hbm4b:s2+s3], $0x80, v4, vm0, $0xb8;
	[tilespmem:$0x18800] =	vst v63  }
0xff: {  	s9 =	simm.s32 $0x14800  }
0x100: {  	[tilespmem:s9], [sflag:$0x4] =	stream.indirect_vreg.gather [hbm4b:s5+s3], $0x80, v4, vm1, $0xb8;
	[tilespmem:$0x18800] =	vst v63  }
0x101: {  	s11 =	simm.s32 $0x14C00  }
0x102: {  	[tilespmem:s11], [sflag:$0x4] =	stream.indirect_vreg.gather [hbm4b:s2+s3], $0x80, v3, vm0, $0xb8;
	[tilespmem:$0x18800] =	vst v63  }
0x103: {  	s8 =	simm.s32 $0x15400  }
0x104: {  	[tilespmem:s8], [sflag:$0x4] =	stream.indirect_vreg.gather [hbm4b:s5+s3], $0x80, v3, vm1, $0xb8;
	[tilespmem:$0x18800] =	vst v63  }
0x105: {  	v3 =	vld [tilespmem:$0x1A0];
	_ =	sdelay $0x4  }
0x106: {  	v14 =	vshrl.u32 v3, $0x3  }
0x107: {  	v4 =	vmul.u32 $0x18, v14  }
0x108: {  	v3 =	vand.u32 $0x7, v3  }
0x109: {  	v3 =	vor.u32 v3, v4  }
0x10a: {  	v4 =	vperm.xlane v3, v0;
	_ =	sdelay $0x1  }
0x10b: {  	v4 =	vadd.s32 v1, v4;
	_ =	sdelay $0x1  }
0x10c: {  	v3 =	vperm.xlane v3, v2;
	_ =	sdelay $0x1  }
0x10d: {  	s9 =	simm.s32 $0x15800;
	v3 =	vadd.s32 v1, v3  }
0x10e: {  	[tilespmem:s9], [sflag:$0x4] =	stream.indirect_vreg.gather [hbm4b:s2+s3], $0x80, v4, vm0, $0xb8;
	[tilespmem:$0x18800] =	vst v63  }
0x10f: {  	s11 =	simm.s32 $0x16000  }
0x110: {  	[tilespmem:s11], [sflag:$0x4] =	stream.indirect_vreg.gather [hbm4b:s5+s3], $0x80, v4, vm1, $0xb8;
	[tilespmem:$0x18800] =	vst v63  }
0x111: {  	s8 =	simm.s32 $0x16400  }
0x112: {  	[tilespmem:s8], [sflag:$0x4] =	stream.indirect_vreg.gather [hbm4b:s2+s3], $0x80, v3, vm0, $0xb8;
	[tilespmem:$0x18800] =	vst v63  }
0x113: {  	s9 =	simm.s32 $0x16C00  }
0x114: {  	[tilespmem:s9], [sflag:$0x4] =	stream.indirect_vreg.gather [hbm4b:s5+s3], $0x80, v3, vm1, $0xb8;
	[tilespmem:$0x18800] =	vst v63  }
0x115: {  	v3 =	vld [tilespmem:$0x1B0];
	_ =	sdelay $0x4  }
0x116: {  	v15 =	vshrl.u32 v3, $0x3  }
0x117: {  	v4 =	vmul.u32 $0x18, v15  }
0x118: {  	v3 =	vand.u32 $0x7, v3  }
0x119: {  	v3 =	vor.u32 v3, v4  }
0x11a: {  	v4 =	vperm.xlane v3, v0;
	_ =	sdelay $0x1  }
0x11b: {  	v4 =	vadd.s32 v1, v4;
	_ =	sdelay $0x1  }
0x11c: {  	v3 =	vperm.xlane v3, v2;
	_ =	sdelay $0x1  }
0x11d: {  	s11 =	simm.s32 $0x17000;
	v3 =	vadd.s32 v1, v3  }
0x11e: {  	[tilespmem:s11], [sflag:$0x4] =	stream.indirect_vreg.gather [hbm4b:s2+s3], $0x80, v4, vm0, $0xb8;
	[tilespmem:$0x18800] =	vst v63  }
0x11f: {  	s8 =	simm.s32 $0x17800  }
0x120: {  	[tilespmem:s8], [sflag:$0x4] =	stream.indirect_vreg.gather [hbm4b:s5+s3], $0x80, v4, vm1, $0xb8;
	[tilespmem:$0x18800] =	vst v63  }
0x121: {  	s9 =	simm.s32 $0x17C00  }
0x122: {  	[tilespmem:s9], [sflag:$0x4] =	stream.indirect_vreg.gather [hbm4b:s2+s3], $0x80, v3, vm0, $0xb8;
	[tilespmem:$0x18800] =	vst v63  }
0x123: {  	s9 =	simm.s32 $0x18400  }
0x124: {  	[tilespmem:s9], [sflag:$0x4] =	stream.indirect_vreg.gather [hbm4b:s5+s3], $0x80, v3, vm1, $0xb8;
	[tilespmem:$0x18800] =	vst v63  }
0x125: {  	s11 =	rddreg [dreg:$0x4];
	s9 =	simm.s32 $0x6800  }
0x126: {  	[hbm4b:s11+s3] =	stream.linear.scatter [tilespmem:s9], [sflag:$0x6], $0x6000, $0x38;
	[tilespmem:$0x18800] =	vst v63  }
0x127: {  	_ =	swait.ge [sflag:s26], $0x6000  }
0x128: {  	[sflag:s26] =	ssyncset.done $0x0  }
0x129: {  	[sflag:s26] =	ssyncadd.s32 $0xFFFFA000  }
0x12a: {  	_ =	swait.ge [sflag:s28], $0x6000  }
0x12b: {  	[sflag:s28] =	ssyncset.done $0x0  }
0x12c: {  	[sflag:s28] =	ssyncadd.s32 $0xFFFFA000  }
0x12d: {  	v3 =	vld [tilespmem:$0x200];
	_ =	sdelay $0x4  }
0x12e: {  	v16 =	vshrl.u32 v3, $0x3  }
0x12f: {  	v4 =	vmul.u32 $0x18, v16  }
0x130: {  	v3 =	vand.u32 $0x7, v3  }
0x131: {  	v3 =	vor.u32 v3, v4  }
0x132: {  	v4 =	vperm.xlane v3, v0;
	_ =	sdelay $0x1  }
0x133: {  	v4 =	vadd.s32 v1, v4;
	_ =	sdelay $0x1  }
0x134: {  	v3 =	vperm.xlane v3, v2;
	_ =	sdelay $0x1  }
0x135: {  	v3 =	vadd.s32 v1, v3  }
0x136: {  	[tilespmem:s4], [sflag:$0x1] =	stream.indirect_vreg.gather [hbm4b:s2+s3], $0x80, v4, vm0, $0xb8;
	[tilespmem:$0x18800] =	vst v63  }
0x137: {  	s24 =	simm.s32 $0x1000  }
0x138: {  	[tilespmem:s24], [sflag:$0x1] =	stream.indirect_vreg.gather [hbm4b:s5+s3], $0x80, v4, vm1, $0xb8;
	[tilespmem:$0x18800] =	vst v63  }
0x139: {  	s11 =	simm.s32 $0x1400  }
0x13a: {  	[tilespmem:s11], [sflag:$0x1] =	stream.indirect_vreg.gather [hbm4b:s2+s3], $0x80, v3, vm0, $0xb8;
	[tilespmem:$0x18800] =	vst v63  }
0x13b: {  	s10 =	simm.s32 $0x1C00  }
0x13c: {  	[tilespmem:s10], [sflag:$0x1] =	stream.indirect_vreg.gather [hbm4b:s5+s3], $0x80, v3, vm1, $0xb8;
	[tilespmem:$0x18800] =	vst v63  }
0x13d: {  	v3 =	vld [tilespmem:$0x210];
	_ =	sdelay $0x4  }
0x13e: {  	v17 =	vshrl.u32 v3, $0x3  }
0x13f: {  	v4 =	vmul.u32 $0x18, v17  }
0x140: {  	v3 =	vand.u32 $0x7, v3  }
0x141: {  	v3 =	vor.u32 v3, v4  }
0x142: {  	v4 =	vperm.xlane v3, v0;
	_ =	sdelay $0x1  }
0x143: {  	v4 =	vadd.s32 v1, v4;
	_ =	sdelay $0x1  }
0x144: {  	v3 =	vperm.xlane v3, v2;
	_ =	sdelay $0x1  }
0x145: {  	s7 =	simm.s32 $0x2000;
	v3 =	vadd.s32 v1, v3  }
0x146: {  	[tilespmem:s7], [sflag:$0x1] =	stream.indirect_vreg.gather [hbm4b:s2+s3], $0x80, v4, vm0, $0xb8;
	[tilespmem:$0x18800] =	vst v63  }
0x147: {  	s10 =	simm.s32 $0x2800  }
0x148: {  	[tilespmem:s10], [sflag:$0x1] =	stream.indirect_vreg.gather [hbm4b:s5+s3], $0x80, v4, vm1, $0xb8;
	[tilespmem:$0x18800] =	vst v63  }
0x149: {  	s24 =	simm.s32 $0x2C00  }
0x14a: {  	[tilespmem:s24], [sflag:$0x1] =	stream.indirect_vreg.gather [hbm4b:s2+s3], $0x80, v3, vm0, $0xb8;
	[tilespmem:$0x18800] =	vst v63  }
0x14b: {  	s13 =	simm.s32 $0x3400  }
0x14c: {  	[tilespmem:s13], [sflag:$0x1] =	stream.indirect_vreg.gather [hbm4b:s5+s3], $0x80, v3, vm1, $0xb8;
	[tilespmem:$0x18800] =	vst v63  }
0x14d: {  	v3 =	vld [tilespmem:$0x220];
	_ =	sdelay $0x4  }
0x14e: {  	v18 =	vshrl.u32 v3, $0x3  }
0x14f: {  	v4 =	vmul.u32 $0x18, v18  }
0x150: {  	v3 =	vand.u32 $0x7, v3  }
0x151: {  	v3 =	vor.u32 v3, v4  }
0x152: {  	v4 =	vperm.xlane v3, v0;
	_ =	sdelay $0x1  }
0x153: {  	v4 =	vadd.s32 v1, v4;
	_ =	sdelay $0x1  }
0x154: {  	v3 =	vperm.xlane v3, v2;
	_ =	sdelay $0x1  }
0x155: {  	s7 =	simm.s32 $0x3800;
	v3 =	vadd.s32 v1, v3  }
0x156: {  	[tilespmem:s7], [sflag:$0x1] =	stream.indirect_vreg.gather [hbm4b:s2+s3], $0x80, v4, vm0, $0xb8;
	[tilespmem:$0x18800] =	vst v63  }
0x157: {  	s10 =	simm.s32 $0x4000  }
0x158: {  	[tilespmem:s10], [sflag:$0x1] =	stream.indirect_vreg.gather [hbm4b:s5+s3], $0x80, v4, vm1, $0xb8;
	[tilespmem:$0x18800] =	vst v63  }
0x159: {  	s13 =	simm.s32 $0x4400  }
0x15a: {  	[tilespmem:s13], [sflag:$0x1] =	stream.indirect_vreg.gather [hbm4b:s2+s3], $0x80, v3, vm0, $0xb8;
	[tilespmem:$0x18800] =	vst v63  }
0x15b: {  	s14 =	simm.s32 $0x4C00  }
0x15c: {  	[tilespmem:s14], [sflag:$0x1] =	stream.indirect_vreg.gather [hbm4b:s5+s3], $0x80, v3, vm1, $0xb8;
	[tilespmem:$0x18800] =	vst v63  }
0x15d: {  	v3 =	vld [tilespmem:$0x230];
	_ =	sdelay $0x4  }
0x15e: {  	v19 =	vshrl.u32 v3, $0x3  }
0x15f: {  	v4 =	vmul.u32 $0x18, v19  }
0x160: {  	v3 =	vand.u32 $0x7, v3  }
0x161: {  	v3 =	vor.u32 v3, v4  }
0x162: {  	v4 =	vperm.xlane v3, v0;
	_ =	sdelay $0x1  }
0x163: {  	v4 =	vadd.s32 v1, v4;
	_ =	sdelay $0x1  }
0x164: {  	v3 =	vperm.xlane v3, v2;
	_ =	sdelay $0x1  }
0x165: {  	s14 =	simm.s32 $0x5000;
	v3 =	vadd.s32 v1, v3  }
0x166: {  	[tilespmem:s14], [sflag:$0x1] =	stream.indirect_vreg.gather [hbm4b:s2+s3], $0x80, v4, vm0, $0xb8;
	[tilespmem:$0x18800] =	vst v63  }
0x167: {  	s24 =	simm.s32 $0x5800  }
0x168: {  	[tilespmem:s24], [sflag:$0x1] =	stream.indirect_vreg.gather [hbm4b:s5+s3], $0x80, v4, vm1, $0xb8;
	[tilespmem:$0x18800] =	vst v63  }
0x169: {  	s7 =	simm.s32 $0x5C00  }
0x16a: {  	[tilespmem:s7], [sflag:$0x1] =	stream.indirect_vreg.gather [hbm4b:s2+s3], $0x80, v3, vm0, $0xb8;
	[tilespmem:$0x18800] =	vst v63  }
0x16b: {  	s15 =	simm.s32 $0x6400  }
0x16c: {  	[tilespmem:s15], [sflag:$0x1] =	stream.indirect_vreg.gather [hbm4b:s5+s3], $0x80, v3, vm1, $0xb8;
	[tilespmem:$0x18800] =	vst v63  }
0x16d: {  	s10 =	rddreg [dreg:$0x5];
	s15 =	simm.s32 $0xC800  }
0x16e: {  	[hbm4b:s10+s3] =	stream.linear.scatter [tilespmem:s15], [sflag:$0x7], $0x6000, $0x38;
	[tilespmem:$0x18800] =	vst v63  }
0x16f: {  	_ =	swait.ge [sflag:s29], $0x6000  }
0x170: {  	[sflag:s29] =	ssyncset.done $0x0  }
0x171: {  	[sflag:s29] =	ssyncadd.s32 $0xFFFFA000  }
0x172: {  	_ =	swait.ge [sflag:s30], $0x6000  }
0x173: {  	[sflag:s30] =	ssyncset.done $0x0  }
0x174: {  	[sflag:s30] =	ssyncadd.s32 $0xFFFFA000  }
0x175: {  	v3 =	vld [tilespmem:$0x280];
	_ =	sdelay $0x4  }
0x176: {  	v20 =	vshrl.u32 v3, $0x3  }
0x177: {  	v4 =	vmul.u32 $0x18, v20  }
0x178: {  	v3 =	vand.u32 $0x7, v3  }
0x179: {  	v3 =	vor.u32 v3, v4  }
0x17a: {  	v4 =	vperm.xlane v3, v0;
	_ =	sdelay $0x1  }
0x17b: {  	v4 =	vadd.s32 v1, v4;
	_ =	sdelay $0x1  }
0x17c: {  	v3 =	vperm.xlane v3, v2;
	_ =	sdelay $0x1  }
0x17d: {  	v3 =	vadd.s32 v1, v3  }
0x17e: {  	[tilespmem:s9], [sflag:$0x2] =	stream.indirect_vreg.gather [hbm4b:s2+s3], $0x80, v4, vm0, $0xb8;
	[tilespmem:$0x18800] =	vst v63  }
0x17f: {  	s10 =	simm.s32 $0x7000  }
0x180: {  	[tilespmem:s10], [sflag:$0x2] =	stream.indirect_vreg.gather [hbm4b:s5+s3], $0x80, v4, vm1, $0xb8;
	[tilespmem:$0x18800] =	vst v63  }
0x181: {  	s24 =	simm.s32 $0x7400  }
0x182: {  	[tilespmem:s24], [sflag:$0x2] =	stream.indirect_vreg.gather [hbm4b:s2+s3], $0x80, v3, vm0, $0xb8;
	[tilespmem:$0x18800] =	vst v63  }
0x183: {  	s13 =	simm.s32 $0x7C00  }
0x184: {  	[tilespmem:s13], [sflag:$0x2] =	stream.indirect_vreg.gather [hbm4b:s5+s3], $0x80, v3, vm1, $0xb8;
	[tilespmem:$0x18800] =	vst v63  }
0x185: {  	v3 =	vld [tilespmem:$0x290];
	_ =	sdelay $0x4  }
0x186: {  	v21 =	vshrl.u32 v3, $0x3  }
0x187: {  	v4 =	vmul.u32 $0x18, v21  }
0x188: {  	v3 =	vand.u32 $0x7, v3  }
0x189: {  	v3 =	vor.u32 v3, v4  }
0x18a: {  	v4 =	vperm.xlane v3, v0;
	_ =	sdelay $0x1  }
0x18b: {  	v4 =	vadd.s32 v1, v4;
	_ =	sdelay $0x1  }
0x18c: {  	v3 =	vperm.xlane v3, v2;
	_ =	sdelay $0x1  }
0x18d: {  	s14 =	simm.s32 $0x8000;
	v3 =	vadd.s32 v1, v3  }
0x18e: {  	[tilespmem:s14], [sflag:$0x2] =	stream.indirect_vreg.gather [hbm4b:s2+s3], $0x80, v4, vm0, $0xb8;
	[tilespmem:$0x18800] =	vst v63  }
0x18f: {  	s19 =	simm.s32 $0x8800  }
0x190: {  	[tilespmem:s19], [sflag:$0x2] =	stream.indirect_vreg.gather [hbm4b:s5+s3], $0x80, v4, vm1, $0xb8;
	[tilespmem:$0x18800] =	vst v63  }
0x191: {  	s20 =	simm.s32 $0x8C00  }
0x192: {  	[tilespmem:s20], [sflag:$0x2] =	stream.indirect_vreg.gather [hbm4b:s2+s3], $0x80, v3, vm0, $0xb8;
	[tilespmem:$0x18800] =	vst v63  }
0x193: {  	s17 =	simm.s32 $0x9400  }
0x194: {  	[tilespmem:s17], [sflag:$0x2] =	stream.indirect_vreg.gather [hbm4b:s5+s3], $0x80, v3, vm1, $0xb8;
	[tilespmem:$0x18800] =	vst v63  }
0x195: {  	v3 =	vld [tilespmem:$0x2A0];
	_ =	sdelay $0x4  }
0x196: {  	v22 =	vshrl.u32 v3, $0x3  }
0x197: {  	v4 =	vmul.u32 $0x18, v22  }
0x198: {  	v3 =	vand.u32 $0x7, v3  }
0x199: {  	v3 =	vor.u32 v3, v4  }
0x19a: {  	v4 =	vperm.xlane v3, v0;
	_ =	sdelay $0x1  }
0x19b: {  	v4 =	vadd.s32 v1, v4;
	_ =	sdelay $0x1  }
0x19c: {  	v3 =	vperm.xlane v3, v2;
	_ =	sdelay $0x1  }
0x19d: {  	s21 =	simm.s32 $0x9800;
	v3 =	vadd.s32 v1, v3  }
0x19e: {  	[tilespmem:s21], [sflag:$0x2] =	stream.indirect_vreg.gather [hbm4b:s2+s3], $0x80, v4, vm0, $0xb8;
	[tilespmem:$0x18800] =	vst v63  }
0x19f: {  	s22 =	simm.s32 $0xA000  }
0x1a0: {  	[tilespmem:s22], [sflag:$0x2] =	stream.indirect_vreg.gather [hbm4b:s5+s3], $0x80, v4, vm1, $0xb8;
	[tilespmem:$0x18800] =	vst v63  }
0x1a1: {  	s23 =	simm.s32 $0xA400  }
0x1a2: {  	[tilespmem:s23], [sflag:$0x2] =	stream.indirect_vreg.gather [hbm4b:s2+s3], $0x80, v3, vm0, $0xb8;
	[tilespmem:$0x18800] =	vst v63  }
0x1a3: {  	s16 =	simm.s32 $0xAC00  }
0x1a4: {  	[tilespmem:s16], [sflag:$0x2] =	stream.indirect_vreg.gather [hbm4b:s5+s3], $0x80, v3, vm1, $0xb8;
	[tilespmem:$0x18800] =	vst v63  }
0x1a5: {  	v3 =	vld [tilespmem:$0x2B0];
	_ =	sdelay $0x4  }
0x1a6: {  	v23 =	vshrl.u32 v3, $0x3  }
0x1a7: {  	v4 =	vmul.u32 $0x18, v23  }
0x1a8: {  	v3 =	vand.u32 $0x7, v3  }
0x1a9: {  	v3 =	vor.u32 v3, v4  }
0x1aa: {  	v4 =	vperm.xlane v3, v0;
	_ =	sdelay $0x1  }
0x1ab: {  	v4 =	vadd.s32 v1, v4;
	_ =	sdelay $0x1  }
0x1ac: {  	v3 =	vperm.xlane v3, v2;
	_ =	sdelay $0x1  }
0x1ad: {  	s25 =	simm.s32 $0xB000;
	v3 =	vadd.s32 v1, v3  }
0x1ae: {  	[tilespmem:s25], [sflag:$0x2] =	stream.indirect_vreg.gather [hbm4b:s2+s3], $0x80, v4, vm0, $0xb8;
	[tilespmem:$0x18800] =	vst v63  }
0x1af: {  	s19 =	simm.s32 $0xB800  }
0x1b0: {  	[tilespmem:s19], [sflag:$0x2] =	stream.indirect_vreg.gather [hbm4b:s5+s3], $0x80, v4, vm1, $0xb8;
	[tilespmem:$0x18800] =	vst v63  }
0x1b1: {  	s18 =	simm.s32 $0xBC00  }
0x1b2: {  	[tilespmem:s18], [sflag:$0x2] =	stream.indirect_vreg.gather [hbm4b:s2+s3], $0x80, v3, vm0, $0xb8;
	[tilespmem:$0x18800] =	vst v63  }
0x1b3: {  	s21 =	simm.s32 $0xC400  }
0x1b4: {  	[tilespmem:s21], [sflag:$0x2] =	stream.indirect_vreg.gather [hbm4b:s5+s3], $0x80, v3, vm1, $0xb8;
	[tilespmem:$0x18800] =	vst v63  }
0x1b5: {  	s9 =	simm.s32 $0x12800;
	s20 =	rddreg [dreg:$0x6]  }
0x1b6: {  	[hbm4b:s20+s3] =	stream.linear.scatter [tilespmem:s9], [sflag:$0x8], $0x6000, $0x38;
	[tilespmem:$0x18800] =	vst v63  }
0x1b7: {  	_ =	swait.ge [sflag:s12], $0x6000  }
0x1b8: {  	[sflag:s12] =	ssyncset.done $0x0  }
0x1b9: {  	[sflag:s12] =	ssyncadd.s32 $0xFFFFA000  }
0x1ba: {  	_ =	swait.ge [sflag:s31], $0x6000  }
0x1bb: {  	[sflag:s31] =	ssyncset.done $0x0  }
0x1bc: {  	[sflag:s31] =	ssyncadd.s32 $0xFFFFA000  }
0x1bd: {  	v3 =	vld [tilespmem:$0x300];
	_ =	sdelay $0x4  }
0x1be: {  	v24 =	vshrl.u32 v3, $0x3  }
0x1bf: {  	v4 =	vmul.u32 $0x18, v24  }
0x1c0: {  	v3 =	vand.u32 $0x7, v3  }
0x1c1: {  	v3 =	vor.u32 v3, v4  }
0x1c2: {  	v4 =	vperm.xlane v3, v0;
	_ =	sdelay $0x1  }
0x1c3: {  	v4 =	vadd.s32 v1, v4;
	_ =	sdelay $0x1  }
0x1c4: {  	v3 =	vperm.xlane v3, v2;
	_ =	sdelay $0x1  }
0x1c5: {  	v3 =	vadd.s32 v1, v3  }
0x1c6: {  	[tilespmem:s15], [sflag:$0x3] =	stream.indirect_vreg.gather [hbm4b:s2+s3], $0x80, v4, vm0, $0xb8;
	[tilespmem:$0x18800] =	vst v63  }
0x1c7: {  	s22 =	simm.s32 $0xD000  }
0x1c8: {  	[tilespmem:s22], [sflag:$0x3] =	stream.indirect_vreg.gather [hbm4b:s5+s3], $0x80, v4, vm1, $0xb8;
	[tilespmem:$0x18800] =	vst v63  }
0x1c9: {  	s23 =	simm.s32 $0xD400  }
0x1ca: {  	[tilespmem:s23], [sflag:$0x3] =	stream.indirect_vreg.gather [hbm4b:s2+s3], $0x80, v3, vm0, $0xb8;
	[tilespmem:$0x18800] =	vst v63  }
0x1cb: {  	s25 =	simm.s32 $0xDC00  }
0x1cc: {  	[tilespmem:s25], [sflag:$0x3] =	stream.indirect_vreg.gather [hbm4b:s5+s3], $0x80, v3, vm1, $0xb8;
	[tilespmem:$0x18800] =	vst v63  }
0x1cd: {  	v3 =	vld [tilespmem:$0x310];
	_ =	sdelay $0x4  }
0x1ce: {  	v25 =	vshrl.u32 v3, $0x3  }
0x1cf: {  	v4 =	vmul.u32 $0x18, v25  }
0x1d0: {  	v3 =	vand.u32 $0x7, v3  }
0x1d1: {  	v3 =	vor.u32 v3, v4  }
0x1d2: {  	v4 =	vperm.xlane v3, v0;
	_ =	sdelay $0x1  }
0x1d3: {  	v4 =	vadd.s32 v1, v4;
	_ =	sdelay $0x1  }
0x1d4: {  	v3 =	vperm.xlane v3, v2;
	_ =	sdelay $0x1  }
0x1d5: {  	s13 =	simm.s32 $0xE000;
	v3 =	vadd.s32 v1, v3  }
0x1d6: {  	[tilespmem:s13], [sflag:$0x3] =	stream.indirect_vreg.gather [hbm4b:s2+s3], $0x80, v4, vm0, $0xb8;
	[tilespmem:$0x18800] =	vst v63  }
0x1d7: {  	s14 =	simm.s32 $0xE800  }
0x1d8: {  	[tilespmem:s14], [sflag:$0x3] =	stream.indirect_vreg.gather [hbm4b:s5+s3], $0x80, v4, vm1, $0xb8;
	[tilespmem:$0x18800] =	vst v63  }
0x1d9: {  	s15 =	simm.s32 $0xEC00  }
0x1da: {  	[tilespmem:s15], [sflag:$0x3] =	stream.indirect_vreg.gather [hbm4b:s2+s3], $0x80, v3, vm0, $0xb8;
	[tilespmem:$0x18800] =	vst v63  }
0x1db: {  	s16 =	simm.s32 $0xF400  }
0x1dc: {  	[tilespmem:s16], [sflag:$0x3] =	stream.indirect_vreg.gather [hbm4b:s5+s3], $0x80, v3, vm1, $0xb8;
	[tilespmem:$0x18800] =	vst v63  }
0x1dd: {  	v3 =	vld [tilespmem:$0x320];
	_ =	sdelay $0x4  }
0x1de: {  	v26 =	vshrl.u32 v3, $0x3  }
0x1df: {  	v4 =	vmul.u32 $0x18, v26  }
0x1e0: {  	v3 =	vand.u32 $0x7, v3  }
0x1e1: {  	v3 =	vor.u32 v3, v4  }
0x1e2: {  	v4 =	vperm.xlane v3, v0;
	_ =	sdelay $0x1  }
0x1e3: {  	v4 =	vadd.s32 v1, v4;
	_ =	sdelay $0x1  }
0x1e4: {  	v3 =	vperm.xlane v3, v2;
	_ =	sdelay $0x1  }
0x1e5: {  	s17 =	simm.s32 $0xF800;
	v3 =	vadd.s32 v1, v3  }
0x1e6: {  	[tilespmem:s17], [sflag:$0x3] =	stream.indirect_vreg.gather [hbm4b:s2+s3], $0x80, v4, vm0, $0xb8;
	[tilespmem:$0x18800] =	vst v63  }
0x1e7: {  	s22 =	simm.s32 $0x10000  }
0x1e8: {  	[tilespmem:s22], [sflag:$0x3] =	stream.indirect_vreg.gather [hbm4b:s5+s3], $0x80, v4, vm1, $0xb8;
	[tilespmem:$0x18800] =	vst v63  }
0x1e9: {  	s23 =	simm.s32 $0x10400  }
0x1ea: {  	[tilespmem:s23], [sflag:$0x3] =	stream.indirect_vreg.gather [hbm4b:s2+s3], $0x80, v3, vm0, $0xb8;
	[tilespmem:$0x18800] =	vst v63  }
0x1eb: {  	s18 =	simm.s32 $0x10C00  }
0x1ec: {  	[tilespmem:s18], [sflag:$0x3] =	stream.indirect_vreg.gather [hbm4b:s5+s3], $0x80, v3, vm1, $0xb8;
	[tilespmem:$0x18800] =	vst v63  }
0x1ed: {  	v3 =	vld [tilespmem:$0x330];
	_ =	sdelay $0x4  }
0x1ee: {  	v27 =	vshrl.u32 v3, $0x3  }
0x1ef: {  	v4 =	vmul.u32 $0x18, v27  }
0x1f0: {  	v3 =	vand.u32 $0x7, v3  }
0x1f1: {  	v3 =	vor.u32 v3, v4  }
0x1f2: {  	v4 =	vperm.xlane v3, v0;
	_ =	sdelay $0x1  }
0x1f3: {  	v4 =	vadd.s32 v1, v4;
	_ =	sdelay $0x1  }
0x1f4: {  	v3 =	vperm.xlane v3, v2;
	_ =	sdelay $0x1  }
0x1f5: {  	s25 =	simm.s32 $0x11000;
	v3 =	vadd.s32 v1, v3  }
0x1f6: {  	[tilespmem:s25], [sflag:$0x3] =	stream.indirect_vreg.gather [hbm4b:s2+s3], $0x80, v4, vm0, $0xb8;
	[tilespmem:$0x18800] =	vst v63  }
0x1f7: {  	s21 =	simm.s32 $0x11800  }
0x1f8: {  	[tilespmem:s21], [sflag:$0x3] =	stream.indirect_vreg.gather [hbm4b:s5+s3], $0x80, v4, vm1, $0xb8;
	[tilespmem:$0x18800] =	vst v63  }
0x1f9: {  	s15 =	simm.s32 $0x11C00  }
0x1fa: {  	[tilespmem:s15], [sflag:$0x3] =	stream.indirect_vreg.gather [hbm4b:s2+s3], $0x80, v3, vm0, $0xb8;
	[tilespmem:$0x18800] =	vst v63  }
0x1fb: {  	s20 =	simm.s32 $0x12400  }
0x1fc: {  	[tilespmem:s20], [sflag:$0x3] =	stream.indirect_vreg.gather [hbm4b:s5+s3], $0x80, v3, vm1, $0xb8;
	[tilespmem:$0x18800] =	vst v63  }
0x1fd: {  	s8 =	simm.s32 $0x800;
	s19 =	rddreg [dreg:$0x7]  }
0x1fe: {  	[hbm4b:s19+s3] =	stream.linear.scatter [tilespmem:s8], [sflag:$0x5], $0x6000, $0x38;
	[tilespmem:$0x18800] =	vst v63  }
0x1ff: {  	_ =	swait.ge [sflag:s0], $0x6000  }
0x200: {  	[sflag:s0] =	ssyncset.done $0x0  }
0x201: {  	[sflag:s0] =	ssyncadd.s32 $0xFFFFA000  }
0x202: {  	_ =	swait.ge [sflag:s1], $0x6000  }
0x203: {  	[sflag:s1] =	ssyncset.done $0x0  }
0x204: {  	[sflag:s1] =	ssyncadd.s32 $0xFFFFA000  }
0x205: {  	v3 =	vld [tilespmem:$0x380];
	_ =	sdelay $0x4  }
0x206: {  	v28 =	vshrl.u32 v3, $0x3  }
0x207: {  	v4 =	vmul.u32 $0x18, v28  }
0x208: {  	v3 =	vand.u32 $0x7, v3  }
0x209: {  	v3 =	vor.u32 v3, v4  }
0x20a: {  	v4 =	vperm.xlane v3, v0;
	_ =	sdelay $0x1  }
0x20b: {  	v4 =	vadd.s32 v1, v4;
	_ =	sdelay $0x1  }
0x20c: {  	v3 =	vperm.xlane v3, v2;
	_ =	sdelay $0x1  }
0x20d: {  	v3 =	vadd.s32 v1, v3  }
0x20e: {  	[tilespmem:s9], [sflag:$0x4] =	stream.indirect_vreg.gather [hbm4b:s2+s3], $0x80, v4, vm0, $0xb8;
	[tilespmem:$0x18800] =	vst v63  }
0x20f: {  	s9 =	simm.s32 $0x13000  }
0x210: {  	[tilespmem:s9], [sflag:$0x4] =	stream.indirect_vreg.gather [hbm4b:s5+s3], $0x80, v4, vm1, $0xb8;
	[tilespmem:$0x18800] =	vst v63  }
0x211: {  	s13 =	simm.s32 $0x13400  }
0x212: {  	[tilespmem:s13], [sflag:$0x4] =	stream.indirect_vreg.gather [hbm4b:s2+s3], $0x80, v3, vm0, $0xb8;
	[tilespmem:$0x18800] =	vst v63  }
0x213: {  	s14 =	simm.s32 $0x13C00  }
0x214: {  	[tilespmem:s14], [sflag:$0x4] =	stream.indirect_vreg.gather [hbm4b:s5+s3], $0x80, v3, vm1, $0xb8;
	[tilespmem:$0x18800] =	vst v63  }
0x215: {  	v3 =	vld [tilespmem:$0x390];
	_ =	sdelay $0x4  }
0x216: {  	v29 =	vshrl.u32 v3, $0x3  }
0x217: {  	v4 =	vmul.u32 $0x18, v29  }
0x218: {  	v3 =	vand.u32 $0x7, v3  }
0x219: {  	v3 =	vor.u32 v3, v4  }
0x21a: {  	v4 =	vperm.xlane v3, v0;
	_ =	sdelay $0x1  }
0x21b: {  	v4 =	vadd.s32 v1, v4;
	_ =	sdelay $0x1  }
0x21c: {  	v3 =	vperm.xlane v3, v2;
	_ =	sdelay $0x1  }
0x21d: {  	s16 =	simm.s32 $0x14000;
	v3 =	vadd.s32 v1, v3  }
0x21e: {  	[tilespmem:s16], [sflag:$0x4] =	stream.indirect_vreg.gather [hbm4b:s2+s3], $0x80, v4, vm0, $0xb8;
	[tilespmem:$0x18800] =	vst v63  }
0x21f: {  	s17 =	simm.s32 $0x14800  }
0x220: {  	[tilespmem:s17], [sflag:$0x4] =	stream.indirect_vreg.gather [hbm4b:s5+s3], $0x80, v4, vm1, $0xb8;
	[tilespmem:$0x18800] =	vst v63  }
0x221: {  	s18 =	simm.s32 $0x14C00  }
0x222: {  	[tilespmem:s18], [sflag:$0x4] =	stream.indirect_vreg.gather [hbm4b:s2+s3], $0x80, v3, vm0, $0xb8;
	[tilespmem:$0x18800] =	vst v63  }
0x223: {  	s19 =	simm.s32 $0x15400  }
0x224: {  	[tilespmem:s19], [sflag:$0x4] =	stream.indirect_vreg.gather [hbm4b:s5+s3], $0x80, v3, vm1, $0xb8;
	[tilespmem:$0x18800] =	vst v63  }
0x225: {  	v3 =	vld [tilespmem:$0x3A0];
	_ =	sdelay $0x4  }
0x226: {  	v30 =	vshrl.u32 v3, $0x3  }
0x227: {  	v4 =	vmul.u32 $0x18, v30  }
0x228: {  	v3 =	vand.u32 $0x7, v3  }
0x229: {  	v3 =	vor.u32 v3, v4  }
0x22a: {  	v4 =	vperm.xlane v3, v0;
	_ =	sdelay $0x1  }
0x22b: {  	v4 =	vadd.s32 v1, v4;
	_ =	sdelay $0x1  }
0x22c: {  	v3 =	vperm.xlane v3, v2;
	_ =	sdelay $0x1  }
0x22d: {  	s13 =	simm.s32 $0x15800;
	v3 =	vadd.s32 v1, v3  }
0x22e: {  	[tilespmem:s13], [sflag:$0x4] =	stream.indirect_vreg.gather [hbm4b:s2+s3], $0x80, v4, vm0, $0xb8;
	[tilespmem:$0x18800] =	vst v63  }
0x22f: {  	s16 =	simm.s32 $0x16000  }
0x230: {  	[tilespmem:s16], [sflag:$0x4] =	stream.indirect_vreg.gather [hbm4b:s5+s3], $0x80, v4, vm1, $0xb8;
	[tilespmem:$0x18800] =	vst v63  }
0x231: {  	s17 =	simm.s32 $0x16400  }
0x232: {  	[tilespmem:s17], [sflag:$0x4] =	stream.indirect_vreg.gather [hbm4b:s2+s3], $0x80, v3, vm0, $0xb8;
	[tilespmem:$0x18800] =	vst v63  }
0x233: {  	s20 =	simm.s32 $0x16C00  }
0x234: {  	[tilespmem:s20], [sflag:$0x4] =	stream.indirect_vreg.gather [hbm4b:s5+s3], $0x80, v3, vm1, $0xb8;
	[tilespmem:$0x18800] =	vst v63  }
0x235: {  	v3 =	vld [tilespmem:$0x3B0];
	_ =	sdelay $0x4  }
0x236: {  	v31 =	vshrl.u32 v3, $0x3  }
0x237: {  	v4 =	vmul.u32 $0x18, v31  }
0x238: {  	v3 =	vand.u32 $0x7, v3  }
0x239: {  	v3 =	vor.u32 v3, v4  }
0x23a: {  	v4 =	vperm.xlane v3, v0;
	_ =	sdelay $0x1  }
0x23b: {  	v4 =	vadd.s32 v1, v4;
	_ =	sdelay $0x1  }
0x23c: {  	v3 =	vperm.xlane v3, v2;
	_ =	sdelay $0x1  }
0x23d: {  	s18 =	simm.s32 $0x17000;
	v3 =	vadd.s32 v1, v3  }
0x23e: {  	[tilespmem:s18], [sflag:$0x4] =	stream.indirect_vreg.gather [hbm4b:s2+s3], $0x80, v4, vm0, $0xb8;
	[tilespmem:$0x18800] =	vst v63  }
0x23f: {  	s19 =	simm.s32 $0x17800  }
0x240: {  	[tilespmem:s19], [sflag:$0x4] =	stream.indirect_vreg.gather [hbm4b:s5+s3], $0x80, v4, vm1, $0xb8;
	[tilespmem:$0x18800] =	vst v63  }
0x241: {  	s20 =	simm.s32 $0x17C00  }
0x242: {  	[tilespmem:s20], [sflag:$0x4] =	stream.indirect_vreg.gather [hbm4b:s2+s3], $0x80, v3, vm0, $0xb8;
	[tilespmem:$0x18800] =	vst v63  }
0x243: {  	s14 =	simm.s32 $0x18400  }
0x244: {  	[tilespmem:s14], [sflag:$0x4] =	stream.indirect_vreg.gather [hbm4b:s5+s3], $0x80, v3, vm1, $0xb8;
	[tilespmem:$0x18800] =	vst v63  }
0x245: {  	s4 =	simm.s32 $0x6800;
	s7 =	rddreg [dreg:$0x8]  }
0x246: {  	[hbm4b:s7+s3] =	stream.linear.scatter [tilespmem:s4], [sflag:$0x6], $0x6000, $0x38;
	[tilespmem:$0x18800] =	vst v63  }
0x247: {  	_ =	swait.ge [sflag:s26], $0x6000  }
0x248: {  	[sflag:s26] =	ssyncset.done $0x0  }
0x249: {  	[sflag:s26] =	ssyncadd.s32 $0xFFFFA000  }
0x24a: {  	_ =	swait.ge [sflag:s28], $0x6000  }
0x24b: {  	[sflag:s28] =	ssyncset.done $0x0  }
0x24c: {  	[sflag:s28] =	ssyncadd.s32 $0xFFFFA000  }
0x24d: {  	v3 =	vld [tilespmem:$0x400];
	_ =	sdelay $0x4  }
0x24e: {  	v32 =	vshrl.u32 v3, $0x3  }
0x24f: {  	v4 =	vmul.u32 $0x18, v32  }
0x250: {  	v3 =	vand.u32 $0x7, v3  }
0x251: {  	v3 =	vor.u32 v3, v4  }
0x252: {  	v4 =	vperm.xlane v3, v0;
	_ =	sdelay $0x1  }
0x253: {  	v4 =	vadd.s32 v1, v4;
	_ =	sdelay $0x1  }
0x254: {  	v3 =	vperm.xlane v3, v2;
	_ =	sdelay $0x1  }
0x255: {  	v3 =	vadd.s32 v1, v3  }
0x256: {  	[tilespmem:s8], [sflag:$0x1] =	stream.indirect_vreg.gather [hbm4b:s2+s3], $0x80, v4, vm0, $0xb8;
	[tilespmem:$0x18800] =	vst v63  }
0x257: {  	s8 =	simm.s32 $0x1000  }
0x258: {  	[tilespmem:s8], [sflag:$0x1] =	stream.indirect_vreg.gather [hbm4b:s5+s3], $0x80, v4, vm1, $0xb8;
	[tilespmem:$0x18800] =	vst v63  }
0x259: {  	_ = 	snop  }
0x25a: {  	[tilespmem:s11], [sflag:$0x1] =	stream.indirect_vreg.gather [hbm4b:s2+s3], $0x80, v3, vm0, $0xb8;
	[tilespmem:$0x18800] =	vst v63  }
0x25b: {  	s11 =	simm.s32 $0x1C00  }
0x25c: {  	[tilespmem:s11], [sflag:$0x1] =	stream.indirect_vreg.gather [hbm4b:s5+s3], $0x80, v3, vm1, $0xb8;
	[tilespmem:$0x18800] =	vst v63  }
0x25d: {  	v3 =	vld [tilespmem:$0x410];
	_ =	sdelay $0x4  }
0x25e: {  	v33 =	vshrl.u32 v3, $0x3  }
0x25f: {  	v4 =	vmul.u32 $0x18, v33  }
0x260: {  	v3 =	vand.u32 $0x7, v3  }
0x261: {  	v3 =	vor.u32 v3, v4  }
0x262: {  	v4 =	vperm.xlane v3, v0;
	_ =	sdelay $0x1  }
0x263: {  	v4 =	vadd.s32 v1, v4;
	_ =	sdelay $0x1  }
0x264: {  	v3 =	vperm.xlane v3, v2;
	_ =	sdelay $0x1  }
0x265: {  	s14 =	simm.s32 $0x2000;
	v3 =	vadd.s32 v1, v3  }
0x266: {  	[tilespmem:s14], [sflag:$0x1] =	stream.indirect_vreg.gather [hbm4b:s2+s3], $0x80, v4, vm0, $0xb8;
	[tilespmem:$0x18800] =	vst v63  }
0x267: {  	s8 =	simm.s32 $0x2800  }
0x268: {  	[tilespmem:s8], [sflag:$0x1] =	stream.indirect_vreg.gather [hbm4b:s5+s3], $0x80, v4, vm1, $0xb8;
	[tilespmem:$0x18800] =	vst v63  }
0x269: {  	s11 =	simm.s32 $0x2C00  }
0x26a: {  	[tilespmem:s11], [sflag:$0x1] =	stream.indirect_vreg.gather [hbm4b:s2+s3], $0x80, v3, vm0, $0xb8;
	[tilespmem:$0x18800] =	vst v63  }
0x26b: {  	s14 =	simm.s32 $0x3400  }
0x26c: {  	[tilespmem:s14], [sflag:$0x1] =	stream.indirect_vreg.gather [hbm4b:s5+s3], $0x80, v3, vm1, $0xb8;
	[tilespmem:$0x18800] =	vst v63  }
0x26d: {  	v3 =	vld [tilespmem:$0x420];
	_ =	sdelay $0x4  }
0x26e: {  	v34 =	vshrl.u32 v3, $0x3  }
0x26f: {  	v4 =	vmul.u32 $0x18, v34  }
0x270: {  	v3 =	vand.u32 $0x7, v3  }
0x271: {  	v3 =	vor.u32 v3, v4  }
0x272: {  	v4 =	vperm.xlane v3, v0;
	_ =	sdelay $0x1  }
0x273: {  	v4 =	vadd.s32 v1, v4;
	_ =	sdelay $0x1  }
0x274: {  	v3 =	vperm.xlane v3, v2;
	_ =	sdelay $0x1  }
0x275: {  	s8 =	simm.s32 $0x3800;
	v3 =	vadd.s32 v1, v3  }
0x276: {  	[tilespmem:s8], [sflag:$0x1] =	stream.indirect_vreg.gather [hbm4b:s2+s3], $0x80, v4, vm0, $0xb8;
	[tilespmem:$0x18800] =	vst v63  }
0x277: {  	s11 =	simm.s32 $0x4000  }
0x278: {  	[tilespmem:s11], [sflag:$0x1] =	stream.indirect_vreg.gather [hbm4b:s5+s3], $0x80, v4, vm1, $0xb8;
	[tilespmem:$0x18800] =	vst v63  }
0x279: {  	s14 =	simm.s32 $0x4400  }
0x27a: {  	[tilespmem:s14], [sflag:$0x1] =	stream.indirect_vreg.gather [hbm4b:s2+s3], $0x80, v3, vm0, $0xb8;
	[tilespmem:$0x18800] =	vst v63  }
0x27b: {  	s8 =	simm.s32 $0x4C00  }
0x27c: {  	[tilespmem:s8], [sflag:$0x1] =	stream.indirect_vreg.gather [hbm4b:s5+s3], $0x80, v3, vm1, $0xb8;
	[tilespmem:$0x18800] =	vst v63  }
0x27d: {  	v3 =	vld [tilespmem:$0x430];
	_ =	sdelay $0x4  }
0x27e: {  	v35 =	vshrl.u32 v3, $0x3  }
0x27f: {  	v4 =	vmul.u32 $0x18, v35  }
0x280: {  	v3 =	vand.u32 $0x7, v3  }
0x281: {  	v3 =	vor.u32 v3, v4  }
0x282: {  	v4 =	vperm.xlane v3, v0;
	_ =	sdelay $0x1  }
0x283: {  	v4 =	vadd.s32 v1, v4;
	_ =	sdelay $0x1  }
0x284: {  	v3 =	vperm.xlane v3, v2;
	_ =	sdelay $0x1  }
0x285: {  	s11 =	simm.s32 $0x5000;
	v3 =	vadd.s32 v1, v3  }
0x286: {  	[tilespmem:s11], [sflag:$0x1] =	stream.indirect_vreg.gather [hbm4b:s2+s3], $0x80, v4, vm0, $0xb8;
	[tilespmem:$0x18800] =	vst v63  }
0x287: {  	s14 =	simm.s32 $0x5800  }
0x288: {  	[tilespmem:s14], [sflag:$0x1] =	stream.indirect_vreg.gather [hbm4b:s5+s3], $0x80, v4, vm1, $0xb8;
	[tilespmem:$0x18800] =	vst v63  }
0x289: {  	s8 =	simm.s32 $0x5C00  }
0x28a: {  	[tilespmem:s8], [sflag:$0x1] =	stream.indirect_vreg.gather [hbm4b:s2+s3], $0x80, v3, vm0, $0xb8;
	[tilespmem:$0x18800] =	vst v63  }
0x28b: {  	s14 =	simm.s32 $0x6400  }
0x28c: {  	[tilespmem:s14], [sflag:$0x1] =	stream.indirect_vreg.gather [hbm4b:s5+s3], $0x80, v3, vm1, $0xb8;
	[tilespmem:$0x18800] =	vst v63  }
0x28d: {  	s11 =	rddreg [dreg:$0x9];
	s8 =	simm.s32 $0xC800  }
0x28e: {  	[hbm4b:s11+s3] =	stream.linear.scatter [tilespmem:s8], [sflag:$0x7], $0x6000, $0x38;
	[tilespmem:$0x18800] =	vst v63  }
0x28f: {  	_ =	swait.ge [sflag:s29], $0x6000  }
0x290: {  	[sflag:s29] =	ssyncset.done $0x0  }
0x291: {  	[sflag:s29] =	ssyncadd.s32 $0xFFFFA000  }
0x292: {  	_ =	swait.ge [sflag:s30], $0x6000  }
0x293: {  	[sflag:s30] =	ssyncset.done $0x0  }
0x294: {  	[sflag:s30] =	ssyncadd.s32 $0xFFFFA000  }
0x295: {  	v3 =	vld [tilespmem:$0x480];
	_ =	sdelay $0x4  }
0x296: {  	v36 =	vshrl.u32 v3, $0x3  }
0x297: {  	v4 =	vmul.u32 $0x18, v36  }
0x298: {  	v3 =	vand.u32 $0x7, v3  }
0x299: {  	v3 =	vor.u32 v3, v4  }
0x29a: {  	v4 =	vperm.xlane v3, v0;
	_ =	sdelay $0x1  }
0x29b: {  	v4 =	vadd.s32 v1, v4;
	_ =	sdelay $0x1  }
0x29c: {  	v3 =	vperm.xlane v3, v2;
	_ =	sdelay $0x1  }
0x29d: {  	v3 =	vadd.s32 v1, v3  }
0x29e: {  	[tilespmem:s4], [sflag:$0x2] =	stream.indirect_vreg.gather [hbm4b:s2+s3], $0x80, v4, vm0, $0xb8;
	[tilespmem:$0x18800] =	vst v63  }
0x29f: {  	_ = 	snop  }
0x2a0: {  	[tilespmem:s10], [sflag:$0x2] =	stream.indirect_vreg.gather [hbm4b:s5+s3], $0x80, v4, vm1, $0xb8;
	[tilespmem:$0x18800] =	vst v63  }
0x2a1: {  	_ = 	snop  }
0x2a2: {  	[tilespmem:s24], [sflag:$0x2] =	stream.indirect_vreg.gather [hbm4b:s2+s3], $0x80, v3, vm0, $0xb8;
	[tilespmem:$0x18800] =	vst v63  }
0x2a3: {  	s11 =	simm.s32 $0x7C00  }
0x2a4: {  	[tilespmem:s11], [sflag:$0x2] =	stream.indirect_vreg.gather [hbm4b:s5+s3], $0x80, v3, vm1, $0xb8;
	[tilespmem:$0x18800] =	vst v63  }
0x2a5: {  	v3 =	vld [tilespmem:$0x490];
	_ =	sdelay $0x4  }
0x2a6: {  	v37 =	vshrl.u32 v3, $0x3  }
0x2a7: {  	v4 =	vmul.u32 $0x18, v37  }
0x2a8: {  	v3 =	vand.u32 $0x7, v3  }
0x2a9: {  	v3 =	vor.u32 v3, v4  }
0x2aa: {  	v4 =	vperm.xlane v3, v0;
	_ =	sdelay $0x1  }
0x2ab: {  	v4 =	vadd.s32 v1, v4;
	_ =	sdelay $0x1  }
0x2ac: {  	v3 =	vperm.xlane v3, v2;
	_ =	sdelay $0x1  }
0x2ad: {  	s14 =	simm.s32 $0x8000;
	v3 =	vadd.s32 v1, v3  }
0x2ae: {  	[tilespmem:s14], [sflag:$0x2] =	stream.indirect_vreg.gather [hbm4b:s2+s3], $0x80, v4, vm0, $0xb8;
	[tilespmem:$0x18800] =	vst v63  }
0x2af: {  	s7 =	simm.s32 $0x8800  }
0x2b0: {  	[tilespmem:s7], [sflag:$0x2] =	stream.indirect_vreg.gather [hbm4b:s5+s3], $0x80, v4, vm1, $0xb8;
	[tilespmem:$0x18800] =	vst v63  }
0x2b1: {  	s10 =	simm.s32 $0x8C00  }
0x2b2: {  	[tilespmem:s10], [sflag:$0x2] =	stream.indirect_vreg.gather [hbm4b:s2+s3], $0x80, v3, vm0, $0xb8;
	[tilespmem:$0x18800] =	vst v63  }
0x2b3: {  	s11 =	simm.s32 $0x9400  }
0x2b4: {  	[tilespmem:s11], [sflag:$0x2] =	stream.indirect_vreg.gather [hbm4b:s5+s3], $0x80, v3, vm1, $0xb8;
	[tilespmem:$0x18800] =	vst v63  }
0x2b5: {  	v3 =	vld [tilespmem:$0x4A0];
	_ =	sdelay $0x4  }
0x2b6: {  	v38 =	vshrl.u32 v3, $0x3  }
0x2b7: {  	v4 =	vmul.u32 $0x18, v38  }
0x2b8: {  	v3 =	vand.u32 $0x7, v3  }
0x2b9: {  	v3 =	vor.u32 v3, v4  }
0x2ba: {  	v4 =	vperm.xlane v3, v0;
	_ =	sdelay $0x1  }
0x2bb: {  	v4 =	vadd.s32 v1, v4;
	_ =	sdelay $0x1  }
0x2bc: {  	v3 =	vperm.xlane v3, v2;
	_ =	sdelay $0x1  }
0x2bd: {  	s14 =	simm.s32 $0x9800;
	v3 =	vadd.s32 v1, v3  }
0x2be: {  	[tilespmem:s14], [sflag:$0x2] =	stream.indirect_vreg.gather [hbm4b:s2+s3], $0x80, v4, vm0, $0xb8;
	[tilespmem:$0x18800] =	vst v63  }
0x2bf: {  	s7 =	simm.s32 $0xA000  }
0x2c0: {  	[tilespmem:s7], [sflag:$0x2] =	stream.indirect_vreg.gather [hbm4b:s5+s3], $0x80, v4, vm1, $0xb8;
	[tilespmem:$0x18800] =	vst v63  }
0x2c1: {  	s10 =	simm.s32 $0xA400  }
0x2c2: {  	[tilespmem:s10], [sflag:$0x2] =	stream.indirect_vreg.gather [hbm4b:s2+s3], $0x80, v3, vm0, $0xb8;
	[tilespmem:$0x18800] =	vst v63  }
0x2c3: {  	s11 =	simm.s32 $0xAC00  }
0x2c4: {  	[tilespmem:s11], [sflag:$0x2] =	stream.indirect_vreg.gather [hbm4b:s5+s3], $0x80, v3, vm1, $0xb8;
	[tilespmem:$0x18800] =	vst v63  }
0x2c5: {  	v3 =	vld [tilespmem:$0x4B0];
	_ =	sdelay $0x4  }
0x2c6: {  	v39 =	vshrl.u32 v3, $0x3  }
0x2c7: {  	v4 =	vmul.u32 $0x18, v39  }
0x2c8: {  	v3 =	vand.u32 $0x7, v3  }
0x2c9: {  	v3 =	vor.u32 v3, v4  }
0x2ca: {  	v4 =	vperm.xlane v3, v0;
	_ =	sdelay $0x1  }
0x2cb: {  	v4 =	vadd.s32 v1, v4;
	_ =	sdelay $0x1  }
0x2cc: {  	v3 =	vperm.xlane v3, v2;
	_ =	sdelay $0x1  }
0x2cd: {  	s14 =	simm.s32 $0xB000;
	v3 =	vadd.s32 v1, v3  }
0x2ce: {  	[tilespmem:s14], [sflag:$0x2] =	stream.indirect_vreg.gather [hbm4b:s2+s3], $0x80, v4, vm0, $0xb8;
	[tilespmem:$0x18800] =	vst v63  }
0x2cf: {  	s7 =	simm.s32 $0xB800  }
0x2d0: {  	[tilespmem:s7], [sflag:$0x2] =	stream.indirect_vreg.gather [hbm4b:s5+s3], $0x80, v4, vm1, $0xb8;
	[tilespmem:$0x18800] =	vst v63  }
0x2d1: {  	s10 =	simm.s32 $0xBC00  }
0x2d2: {  	[tilespmem:s10], [sflag:$0x2] =	stream.indirect_vreg.gather [hbm4b:s2+s3], $0x80, v3, vm0, $0xb8;
	[tilespmem:$0x18800] =	vst v63  }
0x2d3: {  	s14 =	simm.s32 $0xC400  }
0x2d4: {  	[tilespmem:s14], [sflag:$0x2] =	stream.indirect_vreg.gather [hbm4b:s5+s3], $0x80, v3, vm1, $0xb8;
	[tilespmem:$0x18800] =	vst v63  }
0x2d5: {  	s11 =	rddreg [dreg:$0xa];
	s10 =	simm.s32 $0x12800  }
0x2d6: {  	[hbm4b:s11+s3] =	stream.linear.scatter [tilespmem:s10], [sflag:$0x8], $0x6000, $0x38;
	[tilespmem:$0x18800] =	vst v63  }
0x2d7: {  	_ =	swait.ge [sflag:s12], $0x6000  }
0x2d8: {  	[sflag:s12] =	ssyncset.done $0x0  }
0x2d9: {  	[sflag:s12] =	ssyncadd.s32 $0xFFFFA000  }
0x2da: {  	_ =	swait.ge [sflag:s31], $0x6000  }
0x2db: {  	[sflag:s31] =	ssyncset.done $0x0  }
0x2dc: {  	[sflag:s31] =	ssyncadd.s32 $0xFFFFA000  }
0x2dd: {  	v3 =	vld [tilespmem:$0x500];
	_ =	sdelay $0x4  }
0x2de: {  	v40 =	vshrl.u32 v3, $0x3  }
0x2df: {  	v4 =	vmul.u32 $0x18, v40  }
0x2e0: {  	v3 =	vand.u32 $0x7, v3  }
0x2e1: {  	v3 =	vor.u32 v3, v4  }
0x2e2: {  	v4 =	vperm.xlane v3, v0;
	_ =	sdelay $0x1  }
0x2e3: {  	v4 =	vadd.s32 v1, v4;
	_ =	sdelay $0x1  }
0x2e4: {  	v3 =	vperm.xlane v3, v2;
	_ =	sdelay $0x1  }
0x2e5: {  	v3 =	vadd.s32 v1, v3  }
0x2e6: {  	[tilespmem:s8], [sflag:$0x3] =	stream.indirect_vreg.gather [hbm4b:s2+s3], $0x80, v4, vm0, $0xb8;
	[tilespmem:$0x18800] =	vst v63  }
0x2e7: {  	s7 =	simm.s32 $0xD000  }
0x2e8: {  	[tilespmem:s7], [sflag:$0x3] =	stream.indirect_vreg.gather [hbm4b:s5+s3], $0x80, v4, vm1, $0xb8;
	[tilespmem:$0x18800] =	vst v63  }
0x2e9: {  	s8 =	simm.s32 $0xD400  }
0x2ea: {  	[tilespmem:s8], [sflag:$0x3] =	stream.indirect_vreg.gather [hbm4b:s2+s3], $0x80, v3, vm0, $0xb8;
	[tilespmem:$0x18800] =	vst v63  }
0x2eb: {  	s14 =	simm.s32 $0xDC00  }
0x2ec: {  	[tilespmem:s14], [sflag:$0x3] =	stream.indirect_vreg.gather [hbm4b:s5+s3], $0x80, v3, vm1, $0xb8;
	[tilespmem:$0x18800] =	vst v63  }
0x2ed: {  	v3 =	vld [tilespmem:$0x510];
	_ =	sdelay $0x4  }
0x2ee: {  	v41 =	vshrl.u32 v3, $0x3  }
0x2ef: {  	v4 =	vmul.u32 $0x18, v41  }
0x2f0: {  	v3 =	vand.u32 $0x7, v3  }
0x2f1: {  	v3 =	vor.u32 v3, v4  }
0x2f2: {  	v4 =	vperm.xlane v3, v0;
	_ =	sdelay $0x1  }
0x2f3: {  	v4 =	vadd.s32 v1, v4;
	_ =	sdelay $0x1  }
0x2f4: {  	v3 =	vperm.xlane v3, v2;
	_ =	sdelay $0x1  }
0x2f5: {  	s7 =	simm.s32 $0xE000;
	v3 =	vadd.s32 v1, v3  }
0x2f6: {  	[tilespmem:s7], [sflag:$0x3] =	stream.indirect_vreg.gather [hbm4b:s2+s3], $0x80, v4, vm0, $0xb8;
	[tilespmem:$0x18800] =	vst v63  }
0x2f7: {  	s8 =	simm.s32 $0xE800  }
0x2f8: {  	[tilespmem:s8], [sflag:$0x3] =	stream.indirect_vreg.gather [hbm4b:s5+s3], $0x80, v4, vm1, $0xb8;
	[tilespmem:$0x18800] =	vst v63  }
0x2f9: {  	s14 =	simm.s32 $0xEC00  }
0x2fa: {  	[tilespmem:s14], [sflag:$0x3] =	stream.indirect_vreg.gather [hbm4b:s2+s3], $0x80, v3, vm0, $0xb8;
	[tilespmem:$0x18800] =	vst v63  }
0x2fb: {  	s7 =	simm.s32 $0xF400  }
0x2fc: {  	[tilespmem:s7], [sflag:$0x3] =	stream.indirect_vreg.gather [hbm4b:s5+s3], $0x80, v3, vm1, $0xb8;
	[tilespmem:$0x18800] =	vst v63  }
0x2fd: {  	v3 =	vld [tilespmem:$0x520];
	_ =	sdelay $0x4  }
0x2fe: {  	v42 =	vshrl.u32 v3, $0x3  }
0x2ff: {  	v4 =	vmul.u32 $0x18, v42  }
0x300: {  	v3 =	vand.u32 $0x7, v3  }
0x301: {  	v3 =	vor.u32 v3, v4  }
0x302: {  	v4 =	vperm.xlane v3, v0;
	_ =	sdelay $0x1  }
0x303: {  	v4 =	vadd.s32 v1, v4;
	_ =	sdelay $0x1  }
0x304: {  	v3 =	vperm.xlane v3, v2;
	_ =	sdelay $0x1  }
0x305: {  	s8 =	simm.s32 $0xF800;
	v3 =	vadd.s32 v1, v3  }
0x306: {  	[tilespmem:s8], [sflag:$0x3] =	stream.indirect_vreg.gather [hbm4b:s2+s3], $0x80, v4, vm0, $0xb8;
	[tilespmem:$0x18800] =	vst v63  }
0x307: {  	_ = 	snop  }
0x308: {  	[tilespmem:s22], [sflag:$0x3] =	stream.indirect_vreg.gather [hbm4b:s5+s3], $0x80, v4, vm1, $0xb8;
	[tilespmem:$0x18800] =	vst v63  }
0x309: {  	_ = 	snop  }
0x30a: {  	[tilespmem:s23], [sflag:$0x3] =	stream.indirect_vreg.gather [hbm4b:s2+s3], $0x80, v3, vm0, $0xb8;
	[tilespmem:$0x18800] =	vst v63  }
0x30b: {  	s14 =	simm.s32 $0x10C00  }
0x30c: {  	[tilespmem:s14], [sflag:$0x3] =	stream.indirect_vreg.gather [hbm4b:s5+s3], $0x80, v3, vm1, $0xb8;
	[tilespmem:$0x18800] =	vst v63  }
0x30d: {  	v3 =	vld [tilespmem:$0x530];
	_ =	sdelay $0x4  }
0x30e: {  	v43 =	vshrl.u32 v3, $0x3  }
0x30f: {  	v4 =	vmul.u32 $0x18, v43  }
0x310: {  	v3 =	vand.u32 $0x7, v3  }
0x311: {  	v3 =	vor.u32 v3, v4  }
0x312: {  	v4 =	vperm.xlane v3, v0;
	_ =	sdelay $0x1  }
0x313: {  	v4 =	vadd.s32 v1, v4;
	_ =	sdelay $0x1  }
0x314: {  	v3 =	vperm.xlane v3, v2;
	_ =	sdelay $0x1  }
0x315: {  	v3 =	vadd.s32 v1, v3  }
0x316: {  	[tilespmem:s25], [sflag:$0x3] =	stream.indirect_vreg.gather [hbm4b:s2+s3], $0x80, v4, vm0, $0xb8;
	[tilespmem:$0x18800] =	vst v63  }
0x317: {  	_ = 	snop  }
0x318: {  	[tilespmem:s21], [sflag:$0x3] =	stream.indirect_vreg.gather [hbm4b:s5+s3], $0x80, v4, vm1, $0xb8;
	[tilespmem:$0x18800] =	vst v63  }
0x319: {  	_ = 	snop  }
0x31a: {  	[tilespmem:s15], [sflag:$0x3] =	stream.indirect_vreg.gather [hbm4b:s2+s3], $0x80, v3, vm0, $0xb8;
	[tilespmem:$0x18800] =	vst v63  }
0x31b: {  	s25 =	simm.s32 $0x12400  }
0x31c: {  	[tilespmem:s25], [sflag:$0x3] =	stream.indirect_vreg.gather [hbm4b:s5+s3], $0x80, v3, vm1, $0xb8;
	[tilespmem:$0x18800] =	vst v63  }
0x31d: {  	s15 =	rddreg [dreg:$0xb];
	s25 =	simm.s32 $0x800  }
0x31e: {  	[hbm4b:s15+s3] =	stream.linear.scatter [tilespmem:s25], [sflag:$0x5], $0x6000, $0x38;
	[tilespmem:$0x18800] =	vst v63  }
0x31f: {  	_ =	swait.ge [sflag:s0], $0x6000  }
0x320: {  	[sflag:s0] =	ssyncset.done $0x0  }
0x321: {  	[sflag:s0] =	ssyncadd.s32 $0xFFFFA000  }
0x322: {  	_ =	swait.ge [sflag:s1], $0x6000  }
0x323: {  	[sflag:s1] =	ssyncset.done $0x0  }
0x324: {  	[sflag:s1] =	ssyncadd.s32 $0xFFFFA000  }
0x325: {  	v3 =	vld [tilespmem:$0x580];
	_ =	sdelay $0x4  }
0x326: {  	v44 =	vshrl.u32 v3, $0x3  }
0x327: {  	v4 =	vmul.u32 $0x18, v44  }
0x328: {  	v3 =	vand.u32 $0x7, v3  }
0x329: {  	v3 =	vor.u32 v3, v4  }
0x32a: {  	v4 =	vperm.xlane v3, v0;
	_ =	sdelay $0x1  }
0x32b: {  	v4 =	vadd.s32 v1, v4;
	_ =	sdelay $0x1  }
0x32c: {  	v3 =	vperm.xlane v3, v2;
	_ =	sdelay $0x1  }
0x32d: {  	v3 =	vadd.s32 v1, v3  }
0x32e: {  	[tilespmem:s10], [sflag:$0x4] =	stream.indirect_vreg.gather [hbm4b:s2+s3], $0x80, v4, vm0, $0xb8;
	[tilespmem:$0x18800] =	vst v63  }
0x32f: {  	_ = 	snop  }
0x330: {  	[tilespmem:s9], [sflag:$0x4] =	stream.indirect_vreg.gather [hbm4b:s5+s3], $0x80, v4, vm1, $0xb8;
	[tilespmem:$0x18800] =	vst v63  }
0x331: {  	s4 =	simm.s32 $0x13400  }
0x332: {  	[tilespmem:s4], [sflag:$0x4] =	stream.indirect_vreg.gather [hbm4b:s2+s3], $0x80, v3, vm0, $0xb8;
	[tilespmem:$0x18800] =	vst v63  }
0x333: {  	s4 =	simm.s32 $0x13C00  }
0x334: {  	[tilespmem:s4], [sflag:$0x4] =	stream.indirect_vreg.gather [hbm4b:s5+s3], $0x80, v3, vm1, $0xb8;
	[tilespmem:$0x18800] =	vst v63  }
0x335: {  	v3 =	vld [tilespmem:$0x590];
	_ =	sdelay $0x4  }
0x336: {  	v45 =	vshrl.u32 v3, $0x3  }
0x337: {  	v4 =	vmul.u32 $0x18, v45  }
0x338: {  	v3 =	vand.u32 $0x7, v3  }
0x339: {  	v3 =	vor.u32 v3, v4  }
0x33a: {  	v4 =	vperm.xlane v3, v0;
	_ =	sdelay $0x1  }
0x33b: {  	v4 =	vadd.s32 v1, v4;
	_ =	sdelay $0x1  }
0x33c: {  	v3 =	vperm.xlane v3, v2;
	_ =	sdelay $0x1  }
0x33d: {  	s8 =	simm.s32 $0x14000;
	v3 =	vadd.s32 v1, v3  }
0x33e: {  	[tilespmem:s8], [sflag:$0x4] =	stream.indirect_vreg.gather [hbm4b:s2+s3], $0x80, v4, vm0, $0xb8;
	[tilespmem:$0x18800] =	vst v63  }
0x33f: {  	s9 =	simm.s32 $0x14800  }
0x340: {  	[tilespmem:s9], [sflag:$0x4] =	stream.indirect_vreg.gather [hbm4b:s5+s3], $0x80, v4, vm1, $0xb8;
	[tilespmem:$0x18800] =	vst v63  }
0x341: {  	s10 =	simm.s32 $0x14C00  }
0x342: {  	[tilespmem:s10], [sflag:$0x4] =	stream.indirect_vreg.gather [hbm4b:s2+s3], $0x80, v3, vm0, $0xb8;
	[tilespmem:$0x18800] =	vst v63  }
0x343: {  	s8 =	simm.s32 $0x15400  }
0x344: {  	[tilespmem:s8], [sflag:$0x4] =	stream.indirect_vreg.gather [hbm4b:s5+s3], $0x80, v3, vm1, $0xb8;
	[tilespmem:$0x18800] =	vst v63  }
0x345: {  	v3 =	vld [tilespmem:$0x5A0];
	_ =	sdelay $0x4  }
0x346: {  	v46 =	vshrl.u32 v3, $0x3  }
0x347: {  	v4 =	vmul.u32 $0x18, v46  }
0x348: {  	v3 =	vand.u32 $0x7, v3  }
0x349: {  	v3 =	vor.u32 v3, v4  }
0x34a: {  	v4 =	vperm.xlane v3, v0;
	_ =	sdelay $0x1  }
0x34b: {  	v4 =	vadd.s32 v1, v4;
	_ =	sdelay $0x1  }
0x34c: {  	v3 =	vperm.xlane v3, v2;
	_ =	sdelay $0x1  }
0x34d: {  	v3 =	vadd.s32 v1, v3  }
0x34e: {  	[tilespmem:s13], [sflag:$0x4] =	stream.indirect_vreg.gather [hbm4b:s2+s3], $0x80, v4, vm0, $0xb8;
	[tilespmem:$0x18800] =	vst v63  }
0x34f: {  	_ = 	snop  }
0x350: {  	[tilespmem:s16], [sflag:$0x4] =	stream.indirect_vreg.gather [hbm4b:s5+s3], $0x80, v4, vm1, $0xb8;
	[tilespmem:$0x18800] =	vst v63  }
0x351: {  	_ = 	snop  }
0x352: {  	[tilespmem:s17], [sflag:$0x4] =	stream.indirect_vreg.gather [hbm4b:s2+s3], $0x80, v3, vm0, $0xb8;
	[tilespmem:$0x18800] =	vst v63  }
0x353: {  	s9 =	simm.s32 $0x16C00  }
0x354: {  	[tilespmem:s9], [sflag:$0x4] =	stream.indirect_vreg.gather [hbm4b:s5+s3], $0x80, v3, vm1, $0xb8;
	[tilespmem:$0x18800] =	vst v63  }
0x355: {  	v3 =	vld [tilespmem:$0x5B0];
	_ =	sdelay $0x4  }
0x356: {  	v47 =	vshrl.u32 v3, $0x3  }
0x357: {  	v4 =	vmul.u32 $0x18, v47  }
0x358: {  	v3 =	vand.u32 $0x7, v3  }
0x359: {  	v3 =	vor.u32 v3, v4  }
0x35a: {  	v4 =	vperm.xlane v3, v0;
	_ =	sdelay $0x1  }
0x35b: {  	v4 =	vadd.s32 v1, v4;
	_ =	sdelay $0x1  }
0x35c: {  	v3 =	vperm.xlane v3, v2;
	_ =	sdelay $0x1  }
0x35d: {  	v3 =	vadd.s32 v1, v3  }
0x35e: {  	[tilespmem:s18], [sflag:$0x4] =	stream.indirect_vreg.gather [hbm4b:s2+s3], $0x80, v4, vm0, $0xb8;
	[tilespmem:$0x18800] =	vst v63  }
0x35f: {  	_ = 	snop  }
0x360: {  	[tilespmem:s19], [sflag:$0x4] =	stream.indirect_vreg.gather [hbm4b:s5+s3], $0x80, v4, vm1, $0xb8;
	[tilespmem:$0x18800] =	vst v63  }
0x361: {  	_ = 	snop  }
0x362: {  	[tilespmem:s20], [sflag:$0x4] =	stream.indirect_vreg.gather [hbm4b:s2+s3], $0x80, v3, vm0, $0xb8;
	[tilespmem:$0x18800] =	vst v63  }
0x363: {  	s10 =	simm.s32 $0x18400  }
0x364: {  	[tilespmem:s10], [sflag:$0x4] =	stream.indirect_vreg.gather [hbm4b:s5+s3], $0x80, v3, vm1, $0xb8;
	[tilespmem:$0x18800] =	vst v63  }
0x365: {  	s15 =	simm.s32 $0x6800;
	s13 =	rddreg [dreg:$0xc]  }
0x366: {  	[hbm4b:s13+s3] =	stream.linear.scatter [tilespmem:s15], [sflag:$0x6], $0x6000, $0x38;
	[tilespmem:$0x18800] =	vst v63  }
0x367: {  	_ =	swait.ge [sflag:s26], $0x6000  }
0x368: {  	[sflag:s26] =	ssyncset.done $0x0  }
0x369: {  	[sflag:s26] =	ssyncadd.s32 $0xFFFFA000  }
0x36a: {  	_ =	swait.ge [sflag:s28], $0x6000  }
0x36b: {  	[sflag:s28] =	ssyncset.done $0x0  }
0x36c: {  	[sflag:s28] =	ssyncadd.s32 $0xFFFFA000  }
0x36d: {  	v3 =	vld [tilespmem:$0x600];
	_ =	sdelay $0x4  }
0x36e: {  	v48 =	vshrl.u32 v3, $0x3  }
0x36f: {  	v4 =	vmul.u32 $0x18, v48  }
0x370: {  	v3 =	vand.u32 $0x7, v3  }
0x371: {  	v3 =	vor.u32 v3, v4  }
0x372: {  	v4 =	vperm.xlane v3, v0;
	_ =	sdelay $0x1  }
0x373: {  	v4 =	vadd.s32 v1, v4;
	_ =	sdelay $0x1  }
0x374: {  	v3 =	vperm.xlane v3, v2;
	_ =	sdelay $0x1  }
0x375: {  	v3 =	vadd.s32 v1, v3  }
0x376: {  	[tilespmem:s25], [sflag:$0x1] =	stream.indirect_vreg.gather [hbm4b:s2+s3], $0x80, v4, vm0, $0xb8;
	[tilespmem:$0x18800] =	vst v63  }
0x377: {  	s13 =	simm.s32 $0x1000  }
0x378: {  	[tilespmem:s13], [sflag:$0x1] =	stream.indirect_vreg.gather [hbm4b:s5+s3], $0x80, v4, vm1, $0xb8;
	[tilespmem:$0x18800] =	vst v63  }
0x379: {  	s13 =	simm.s32 $0x1400  }
0x37a: {  	[tilespmem:s13], [sflag:$0x1] =	stream.indirect_vreg.gather [hbm4b:s2+s3], $0x80, v3, vm0, $0xb8;
	[tilespmem:$0x18800] =	vst v63  }
0x37b: {  	s13 =	simm.s32 $0x1C00  }
0x37c: {  	[tilespmem:s13], [sflag:$0x1] =	stream.indirect_vreg.gather [hbm4b:s5+s3], $0x80, v3, vm1, $0xb8;
	[tilespmem:$0x18800] =	vst v63  }
0x37d: {  	v3 =	vld [tilespmem:$0x610];
	_ =	sdelay $0x4  }
0x37e: {  	v49 =	vshrl.u32 v3, $0x3  }
0x37f: {  	v4 =	vmul.u32 $0x18, v49  }
0x380: {  	v3 =	vand.u32 $0x7, v3  }
0x381: {  	v3 =	vor.u32 v3, v4  }
0x382: {  	v4 =	vperm.xlane v3, v0;
	_ =	sdelay $0x1  }
0x383: {  	v4 =	vadd.s32 v1, v4;
	_ =	sdelay $0x1  }
0x384: {  	v3 =	vperm.xlane v3, v2;
	_ =	sdelay $0x1  }
0x385: {  	s13 =	simm.s32 $0x2000;
	v3 =	vadd.s32 v1, v3  }
0x386: {  	[tilespmem:s13], [sflag:$0x1] =	stream.indirect_vreg.gather [hbm4b:s2+s3], $0x80, v4, vm0, $0xb8;
	[tilespmem:$0x18800] =	vst v63  }
0x387: {  	s13 =	simm.s32 $0x2800  }
0x388: {  	[tilespmem:s13], [sflag:$0x1] =	stream.indirect_vreg.gather [hbm4b:s5+s3], $0x80, v4, vm1, $0xb8;
	[tilespmem:$0x18800] =	vst v63  }
0x389: {  	s13 =	simm.s32 $0x2C00  }
0x38a: {  	[tilespmem:s13], [sflag:$0x1] =	stream.indirect_vreg.gather [hbm4b:s2+s3], $0x80, v3, vm0, $0xb8;
	[tilespmem:$0x18800] =	vst v63  }
0x38b: {  	s13 =	simm.s32 $0x3400  }
0x38c: {  	[tilespmem:s13], [sflag:$0x1] =	stream.indirect_vreg.gather [hbm4b:s5+s3], $0x80, v3, vm1, $0xb8;
	[tilespmem:$0x18800] =	vst v63  }
0x38d: {  	v3 =	vld [tilespmem:$0x620];
	_ =	sdelay $0x4  }
0x38e: {  	v50 =	vshrl.u32 v3, $0x3  }
0x38f: {  	v4 =	vmul.u32 $0x18, v50  }
0x390: {  	v3 =	vand.u32 $0x7, v3  }
0x391: {  	v3 =	vor.u32 v3, v4  }
0x392: {  	v4 =	vperm.xlane v3, v0;
	_ =	sdelay $0x1  }
0x393: {  	v4 =	vadd.s32 v1, v4;
	_ =	sdelay $0x1  }
0x394: {  	v3 =	vperm.xlane v3, v2;
	_ =	sdelay $0x1  }
0x395: {  	s13 =	simm.s32 $0x3800;
	v3 =	vadd.s32 v1, v3  }
0x396: {  	[tilespmem:s13], [sflag:$0x1] =	stream.indirect_vreg.gather [hbm4b:s2+s3], $0x80, v4, vm0, $0xb8;
	[tilespmem:$0x18800] =	vst v63  }
0x397: {  	s13 =	simm.s32 $0x4000  }
0x398: {  	[tilespmem:s13], [sflag:$0x1] =	stream.indirect_vreg.gather [hbm4b:s5+s3], $0x80, v4, vm1, $0xb8;
	[tilespmem:$0x18800] =	vst v63  }
0x399: {  	s13 =	simm.s32 $0x4400  }
0x39a: {  	[tilespmem:s13], [sflag:$0x1] =	stream.indirect_vreg.gather [hbm4b:s2+s3], $0x80, v3, vm0, $0xb8;
	[tilespmem:$0x18800] =	vst v63  }
0x39b: {  	s13 =	simm.s32 $0x4C00  }
0x39c: {  	[tilespmem:s13], [sflag:$0x1] =	stream.indirect_vreg.gather [hbm4b:s5+s3], $0x80, v3, vm1, $0xb8;
	[tilespmem:$0x18800] =	vst v63  }
0x39d: {  	v3 =	vld [tilespmem:$0x630];
	_ =	sdelay $0x4  }
0x39e: {  	v51 =	vshrl.u32 v3, $0x3  }
0x39f: {  	v4 =	vmul.u32 $0x18, v51  }
0x3a0: {  	v3 =	vand.u32 $0x7, v3  }
0x3a1: {  	v3 =	vor.u32 v3, v4  }
0x3a2: {  	v4 =	vperm.xlane v3, v0;
	_ =	sdelay $0x1  }
0x3a3: {  	v4 =	vadd.s32 v1, v4;
	_ =	sdelay $0x1  }
0x3a4: {  	v3 =	vperm.xlane v3, v2;
	_ =	sdelay $0x1  }
0x3a5: {  	s13 =	simm.s32 $0x5000;
	v3 =	vadd.s32 v1, v3  }
0x3a6: {  	[tilespmem:s13], [sflag:$0x1] =	stream.indirect_vreg.gather [hbm4b:s2+s3], $0x80, v4, vm0, $0xb8;
	[tilespmem:$0x18800] =	vst v63  }
0x3a7: {  	s13 =	simm.s32 $0x5800  }
0x3a8: {  	[tilespmem:s13], [sflag:$0x1] =	stream.indirect_vreg.gather [hbm4b:s5+s3], $0x80, v4, vm1, $0xb8;
	[tilespmem:$0x18800] =	vst v63  }
0x3a9: {  	s13 =	simm.s32 $0x5C00  }
0x3aa: {  	[tilespmem:s13], [sflag:$0x1] =	stream.indirect_vreg.gather [hbm4b:s2+s3], $0x80, v3, vm0, $0xb8;
	[tilespmem:$0x18800] =	vst v63  }
0x3ab: {  	s13 =	simm.s32 $0x6400  }
0x3ac: {  	[tilespmem:s13], [sflag:$0x1] =	stream.indirect_vreg.gather [hbm4b:s5+s3], $0x80, v3, vm1, $0xb8;
	[tilespmem:$0x18800] =	vst v63  }
0x3ad: {  	s11 =	simm.s32 $0xC800;
	s7 =	rddreg [dreg:$0xd]  }
0x3ae: {  	[hbm4b:s7+s3] =	stream.linear.scatter [tilespmem:s11], [sflag:$0x7], $0x6000, $0x38;
	[tilespmem:$0x18800] =	vst v63  }
0x3af: {  	_ =	swait.ge [sflag:s29], $0x6000  }
0x3b0: {  	[sflag:s29] =	ssyncset.done $0x0  }
0x3b1: {  	[sflag:s29] =	ssyncadd.s32 $0xFFFFA000  }
0x3b2: {  	_ =	swait.ge [sflag:s30], $0x6000  }
0x3b3: {  	[sflag:s30] =	ssyncset.done $0x0  }
0x3b4: {  	[sflag:s30] =	ssyncadd.s32 $0xFFFFA000  }
0x3b5: {  	v3 =	vld [tilespmem:$0x680];
	_ =	sdelay $0x4  }
0x3b6: {  	v52 =	vshrl.u32 v3, $0x3  }
0x3b7: {  	v4 =	vmul.u32 $0x18, v52  }
0x3b8: {  	v3 =	vand.u32 $0x7, v3  }
0x3b9: {  	v3 =	vor.u32 v3, v4  }
0x3ba: {  	v4 =	vperm.xlane v3, v0;
	_ =	sdelay $0x1  }
0x3bb: {  	v4 =	vadd.s32 v1, v4;
	_ =	sdelay $0x1  }
0x3bc: {  	v3 =	vperm.xlane v3, v2;
	_ =	sdelay $0x1  }
0x3bd: {  	v3 =	vadd.s32 v1, v3  }
0x3be: {  	[tilespmem:s15], [sflag:$0x2] =	stream.indirect_vreg.gather [hbm4b:s2+s3], $0x80, v4, vm0, $0xb8;
	[tilespmem:$0x18800] =	vst v63  }
0x3bf: {  	s13 =	simm.s32 $0x7000  }
0x3c0: {  	[tilespmem:s13], [sflag:$0x2] =	stream.indirect_vreg.gather [hbm4b:s5+s3], $0x80, v4, vm1, $0xb8;
	[tilespmem:$0x18800] =	vst v63  }
0x3c1: {  	s24 =	simm.s32 $0x7400  }
0x3c2: {  	[tilespmem:s24], [sflag:$0x2] =	stream.indirect_vreg.gather [hbm4b:s2+s3], $0x80, v3, vm0, $0xb8;
	[tilespmem:$0x18800] =	vst v63  }
0x3c3: {  	s24 =	simm.s32 $0x7C00  }
0x3c4: {  	[tilespmem:s24], [sflag:$0x2] =	stream.indirect_vreg.gather [hbm4b:s5+s3], $0x80, v3, vm1, $0xb8;
	[tilespmem:$0x18800] =	vst v63  }
0x3c5: {  	v3 =	vld [tilespmem:$0x690];
	_ =	sdelay $0x4  }
0x3c6: {  	v53 =	vshrl.u32 v3, $0x3  }
0x3c7: {  	v4 =	vmul.u32 $0x18, v53  }
0x3c8: {  	v3 =	vand.u32 $0x7, v3  }
0x3c9: {  	v3 =	vor.u32 v3, v4  }
0x3ca: {  	v4 =	vperm.xlane v3, v0;
	_ =	sdelay $0x1  }
0x3cb: {  	v4 =	vadd.s32 v1, v4;
	_ =	sdelay $0x1  }
0x3cc: {  	v3 =	vperm.xlane v3, v2;
	_ =	sdelay $0x1  }
0x3cd: {  	s13 =	simm.s32 $0x8000;
	v3 =	vadd.s32 v1, v3  }
0x3ce: {  	[tilespmem:s13], [sflag:$0x2] =	stream.indirect_vreg.gather [hbm4b:s2+s3], $0x80, v4, vm0, $0xb8;
	[tilespmem:$0x18800] =	vst v63  }
0x3cf: {  	s24 =	simm.s32 $0x8800  }
0x3d0: {  	[tilespmem:s24], [sflag:$0x2] =	stream.indirect_vreg.gather [hbm4b:s5+s3], $0x80, v4, vm1, $0xb8;
	[tilespmem:$0x18800] =	vst v63  }
0x3d1: {  	s13 =	simm.s32 $0x8C00  }
0x3d2: {  	[tilespmem:s13], [sflag:$0x2] =	stream.indirect_vreg.gather [hbm4b:s2+s3], $0x80, v3, vm0, $0xb8;
	[tilespmem:$0x18800] =	vst v63  }
0x3d3: {  	s24 =	simm.s32 $0x9400  }
0x3d4: {  	[tilespmem:s24], [sflag:$0x2] =	stream.indirect_vreg.gather [hbm4b:s5+s3], $0x80, v3, vm1, $0xb8;
	[tilespmem:$0x18800] =	vst v63  }
0x3d5: {  	v3 =	vld [tilespmem:$0x6A0];
	_ =	sdelay $0x4  }
0x3d6: {  	v54 =	vshrl.u32 v3, $0x3  }
0x3d7: {  	v4 =	vmul.u32 $0x18, v54  }
0x3d8: {  	v3 =	vand.u32 $0x7, v3  }
0x3d9: {  	v3 =	vor.u32 v3, v4  }
0x3da: {  	v4 =	vperm.xlane v3, v0;
	_ =	sdelay $0x1  }
0x3db: {  	v4 =	vadd.s32 v1, v4;
	_ =	sdelay $0x1  }
0x3dc: {  	v3 =	vperm.xlane v3, v2;
	_ =	sdelay $0x1  }
0x3dd: {  	s13 =	simm.s32 $0x9800;
	v3 =	vadd.s32 v1, v3  }
0x3de: {  	[tilespmem:s13], [sflag:$0x2] =	stream.indirect_vreg.gather [hbm4b:s2+s3], $0x80, v4, vm0, $0xb8;
	[tilespmem:$0x18800] =	vst v63  }
0x3df: {  	s24 =	simm.s32 $0xA000  }
0x3e0: {  	[tilespmem:s24], [sflag:$0x2] =	stream.indirect_vreg.gather [hbm4b:s5+s3], $0x80, v4, vm1, $0xb8;
	[tilespmem:$0x18800] =	vst v63  }
0x3e1: {  	s13 =	simm.s32 $0xA400  }
0x3e2: {  	[tilespmem:s13], [sflag:$0x2] =	stream.indirect_vreg.gather [hbm4b:s2+s3], $0x80, v3, vm0, $0xb8;
	[tilespmem:$0x18800] =	vst v63  }
0x3e3: {  	s24 =	simm.s32 $0xAC00  }
0x3e4: {  	[tilespmem:s24], [sflag:$0x2] =	stream.indirect_vreg.gather [hbm4b:s5+s3], $0x80, v3, vm1, $0xb8;
	[tilespmem:$0x18800] =	vst v63  }
0x3e5: {  	v3 =	vld [tilespmem:$0x6B0];
	_ =	sdelay $0x4  }
0x3e6: {  	v55 =	vshrl.u32 v3, $0x3  }
0x3e7: {  	v4 =	vmul.u32 $0x18, v55  }
0x3e8: {  	v3 =	vand.u32 $0x7, v3  }
0x3e9: {  	v3 =	vor.u32 v3, v4  }
0x3ea: {  	v4 =	vperm.xlane v3, v0;
	_ =	sdelay $0x1  }
0x3eb: {  	v4 =	vadd.s32 v1, v4;
	_ =	sdelay $0x1  }
0x3ec: {  	v3 =	vperm.xlane v3, v2;
	_ =	sdelay $0x1  }
0x3ed: {  	s13 =	simm.s32 $0xB000;
	v3 =	vadd.s32 v1, v3  }
0x3ee: {  	[tilespmem:s13], [sflag:$0x2] =	stream.indirect_vreg.gather [hbm4b:s2+s3], $0x80, v4, vm0, $0xb8;
	[tilespmem:$0x18800] =	vst v63  }
0x3ef: {  	s24 =	simm.s32 $0xB800  }
0x3f0: {  	[tilespmem:s24], [sflag:$0x2] =	stream.indirect_vreg.gather [hbm4b:s5+s3], $0x80, v4, vm1, $0xb8;
	[tilespmem:$0x18800] =	vst v63  }
0x3f1: {  	s13 =	simm.s32 $0xBC00  }
0x3f2: {  	[tilespmem:s13], [sflag:$0x2] =	stream.indirect_vreg.gather [hbm4b:s2+s3], $0x80, v3, vm0, $0xb8;
	[tilespmem:$0x18800] =	vst v63  }
0x3f3: {  	s24 =	simm.s32 $0xC400  }
0x3f4: {  	[tilespmem:s24], [sflag:$0x2] =	stream.indirect_vreg.gather [hbm4b:s5+s3], $0x80, v3, vm1, $0xb8;
	[tilespmem:$0x18800] =	vst v63  }
0x3f5: {  	s14 =	simm.s32 $0x12800;
	s7 =	rddreg [dreg:$0xe]  }
0x3f6: {  	[hbm4b:s7+s3] =	stream.linear.scatter [tilespmem:s14], [sflag:$0x8], $0x6000, $0x38;
	[tilespmem:$0x18800] =	vst v63  }
0x3f7: {  	_ =	swait.ge [sflag:s12], $0x6000  }
0x3f8: {  	[sflag:s12] =	ssyncset.done $0x0  }
0x3f9: {  	[sflag:s12] =	ssyncadd.s32 $0xFFFFA000  }
0x3fa: {  	_ =	swait.ge [sflag:s31], $0x6000  }
0x3fb: {  	[sflag:s31] =	ssyncset.done $0x0  }
0x3fc: {  	[sflag:s31] =	ssyncadd.s32 $0xFFFFA000  }
0x3fd: {  	v3 =	vld [tilespmem:$0x700];
	_ =	sdelay $0x4  }
0x3fe: {  	v56 =	vshrl.u32 v3, $0x3  }
0x3ff: {  	v4 =	vmul.u32 $0x18, v56  }
0x400: {  	v3 =	vand.u32 $0x7, v3  }
0x401: {  	v3 =	vor.u32 v3, v4  }
0x402: {  	v4 =	vperm.xlane v3, v0;
	_ =	sdelay $0x1  }
0x403: {  	v4 =	vadd.s32 v1, v4;
	_ =	sdelay $0x1  }
0x404: {  	v3 =	vperm.xlane v3, v2;
	_ =	sdelay $0x1  }
0x405: {  	v3 =	vadd.s32 v1, v3  }
0x406: {  	[tilespmem:s11], [sflag:$0x3] =	stream.indirect_vreg.gather [hbm4b:s2+s3], $0x80, v4, vm0, $0xb8;
	[tilespmem:$0x18800] =	vst v63  }
0x407: {  	s24 =	simm.s32 $0xD000  }
0x408: {  	[tilespmem:s24], [sflag:$0x3] =	stream.indirect_vreg.gather [hbm4b:s5+s3], $0x80, v4, vm1, $0xb8;
	[tilespmem:$0x18800] =	vst v63  }
0x409: {  	s13 =	simm.s32 $0xD400  }
0x40a: {  	[tilespmem:s13], [sflag:$0x3] =	stream.indirect_vreg.gather [hbm4b:s2+s3], $0x80, v3, vm0, $0xb8;
	[tilespmem:$0x18800] =	vst v63  }
0x40b: {  	s24 =	simm.s32 $0xDC00  }
0x40c: {  	[tilespmem:s24], [sflag:$0x3] =	stream.indirect_vreg.gather [hbm4b:s5+s3], $0x80, v3, vm1, $0xb8;
	[tilespmem:$0x18800] =	vst v63  }
0x40d: {  	v3 =	vld [tilespmem:$0x710];
	_ =	sdelay $0x4  }
0x40e: {  	v57 =	vshrl.u32 v3, $0x3  }
0x40f: {  	v4 =	vmul.u32 $0x18, v57  }
0x410: {  	v3 =	vand.u32 $0x7, v3  }
0x411: {  	v3 =	vor.u32 v3, v4  }
0x412: {  	v4 =	vperm.xlane v3, v0;
	_ =	sdelay $0x1  }
0x413: {  	v4 =	vadd.s32 v1, v4;
	_ =	sdelay $0x1  }
0x414: {  	v3 =	vperm.xlane v3, v2;
	_ =	sdelay $0x1  }
0x415: {  	s13 =	simm.s32 $0xE000;
	v3 =	vadd.s32 v1, v3  }
0x416: {  	[tilespmem:s13], [sflag:$0x3] =	stream.indirect_vreg.gather [hbm4b:s2+s3], $0x80, v4, vm0, $0xb8;
	[tilespmem:$0x18800] =	vst v63  }
0x417: {  	s24 =	simm.s32 $0xE800  }
0x418: {  	[tilespmem:s24], [sflag:$0x3] =	stream.indirect_vreg.gather [hbm4b:s5+s3], $0x80, v4, vm1, $0xb8;
	[tilespmem:$0x18800] =	vst v63  }
0x419: {  	s13 =	simm.s32 $0xEC00  }
0x41a: {  	[tilespmem:s13], [sflag:$0x3] =	stream.indirect_vreg.gather [hbm4b:s2+s3], $0x80, v3, vm0, $0xb8;
	[tilespmem:$0x18800] =	vst v63  }
0x41b: {  	s24 =	simm.s32 $0xF400  }
0x41c: {  	[tilespmem:s24], [sflag:$0x3] =	stream.indirect_vreg.gather [hbm4b:s5+s3], $0x80, v3, vm1, $0xb8;
	[tilespmem:$0x18800] =	vst v63  }
0x41d: {  	v3 =	vld [tilespmem:$0x720];
	_ =	sdelay $0x4  }
0x41e: {  	v58 =	vshrl.u32 v3, $0x3  }
0x41f: {  	v4 =	vmul.u32 $0x18, v58  }
0x420: {  	v3 =	vand.u32 $0x7, v3  }
0x421: {  	v3 =	vor.u32 v3, v4  }
0x422: {  	v4 =	vperm.xlane v3, v0;
	_ =	sdelay $0x1  }
0x423: {  	v4 =	vadd.s32 v1, v4;
	_ =	sdelay $0x1  }
0x424: {  	v3 =	vperm.xlane v3, v2;
	_ =	sdelay $0x1  }
0x425: {  	s13 =	simm.s32 $0xF800;
	v3 =	vadd.s32 v1, v3  }
0x426: {  	[tilespmem:s13], [sflag:$0x3] =	stream.indirect_vreg.gather [hbm4b:s2+s3], $0x80, v4, vm0, $0xb8;
	[tilespmem:$0x18800] =	vst v63  }
0x427: {  	s24 =	simm.s32 $0x10000  }
0x428: {  	[tilespmem:s24], [sflag:$0x3] =	stream.indirect_vreg.gather [hbm4b:s5+s3], $0x80, v4, vm1, $0xb8;
	[tilespmem:$0x18800] =	vst v63  }
0x429: {  	s22 =	simm.s32 $0x10400  }
0x42a: {  	[tilespmem:s22], [sflag:$0x3] =	stream.indirect_vreg.gather [hbm4b:s2+s3], $0x80, v3, vm0, $0xb8;
	[tilespmem:$0x18800] =	vst v63  }
0x42b: {  	s13 =	simm.s32 $0x10C00  }
0x42c: {  	[tilespmem:s13], [sflag:$0x3] =	stream.indirect_vreg.gather [hbm4b:s5+s3], $0x80, v3, vm1, $0xb8;
	[tilespmem:$0x18800] =	vst v63  }
0x42d: {  	v3 =	vld [tilespmem:$0x730];
	_ =	sdelay $0x4  }
0x42e: {  	v59 =	vshrl.u32 v3, $0x3  }
0x42f: {  	v4 =	vmul.u32 $0x18, v59  }
0x430: {  	v3 =	vand.u32 $0x7, v3  }
0x431: {  	v3 =	vor.u32 v3, v4  }
0x432: {  	v4 =	vperm.xlane v3, v0;
	_ =	sdelay $0x1  }
0x433: {  	v4 =	vadd.s32 v1, v4;
	_ =	sdelay $0x1  }
0x434: {  	v3 =	vperm.xlane v3, v2;
	_ =	sdelay $0x1  }
0x435: {  	s23 =	simm.s32 $0x11000;
	v3 =	vadd.s32 v1, v3  }
0x436: {  	[tilespmem:s23], [sflag:$0x3] =	stream.indirect_vreg.gather [hbm4b:s2+s3], $0x80, v4, vm0, $0xb8;
	[tilespmem:$0x18800] =	vst v63  }
0x437: {  	s21 =	simm.s32 $0x11800  }
0x438: {  	[tilespmem:s21], [sflag:$0x3] =	stream.indirect_vreg.gather [hbm4b:s5+s3], $0x80, v4, vm1, $0xb8;
	[tilespmem:$0x18800] =	vst v63  }
0x439: {  	s21 =	simm.s32 $0x11C00  }
0x43a: {  	[tilespmem:s21], [sflag:$0x3] =	stream.indirect_vreg.gather [hbm4b:s2+s3], $0x80, v3, vm0, $0xb8;
	[tilespmem:$0x18800] =	vst v63  }
0x43b: {  	s23 =	simm.s32 $0x12400  }
0x43c: {  	[tilespmem:s23], [sflag:$0x3] =	stream.indirect_vreg.gather [hbm4b:s5+s3], $0x80, v3, vm1, $0xb8;
	[tilespmem:$0x18800] =	vst v63  }
0x43d: {  	s25 =	simm.s32 $0x800;
	s22 =	rddreg [dreg:$0xf]  }
0x43e: {  	[hbm4b:s22+s3] =	stream.linear.scatter [tilespmem:s25], [sflag:$0x5], $0x6000, $0x38;
	[tilespmem:$0x18800] =	vst v63  }
0x43f: {  	_ =	swait.ge [sflag:s0], $0x6000  }
0x440: {  	[sflag:s0] =	ssyncset.done $0x0  }
0x441: {  	[sflag:s0] =	ssyncadd.s32 $0xFFFFA000  }
0x442: {  	_ =	swait.ge [sflag:s1], $0x6000  }
0x443: {  	[sflag:s1] =	ssyncset.done $0x0  }
0x444: {  	[sflag:s1] =	ssyncadd.s32 $0xFFFFA000  }
0x445: {  	v3 =	vld [tilespmem:$0x780];
	_ =	sdelay $0x4  }
0x446: {  	v60 =	vshrl.u32 v3, $0x3  }
0x447: {  	v4 =	vmul.u32 $0x18, v60  }
0x448: {  	v3 =	vand.u32 $0x7, v3  }
0x449: {  	v3 =	vor.u32 v3, v4  }
0x44a: {  	v4 =	vperm.xlane v3, v0;
	_ =	sdelay $0x1  }
0x44b: {  	v4 =	vadd.s32 v1, v4;
	_ =	sdelay $0x1  }
0x44c: {  	v3 =	vperm.xlane v3, v2;
	_ =	sdelay $0x1  }
0x44d: {  	v3 =	vadd.s32 v1, v3  }
0x44e: {  	[tilespmem:s14], [sflag:$0x4] =	stream.indirect_vreg.gather [hbm4b:s2+s3], $0x80, v4, vm0, $0xb8;
	[tilespmem:$0x18800] =	vst v63  }
0x44f: {  	s24 =	simm.s32 $0x13000  }
0x450: {  	[tilespmem:s24], [sflag:$0x4] =	stream.indirect_vreg.gather [hbm4b:s5+s3], $0x80, v4, vm1, $0xb8;
	[tilespmem:$0x18800] =	vst v63  }
0x451: {  	s25 =	simm.s32 $0x13400  }
0x452: {  	[tilespmem:s25], [sflag:$0x4] =	stream.indirect_vreg.gather [hbm4b:s2+s3], $0x80, v3, vm0, $0xb8;
	[tilespmem:$0x18800] =	vst v63  }
0x453: {  	_ = 	snop  }
0x454: {  	[tilespmem:s4], [sflag:$0x4] =	stream.indirect_vreg.gather [hbm4b:s5+s3], $0x80, v3, vm1, $0xb8;
	[tilespmem:$0x18800] =	vst v63  }
0x455: {  	v3 =	vld [tilespmem:$0x790];
	_ =	sdelay $0x4  }
0x456: {  	v61 =	vshrl.u32 v3, $0x3  }
0x457: {  	v4 =	vmul.u32 $0x18, v61  }
0x458: {  	v3 =	vand.u32 $0x7, v3  }
0x459: {  	v3 =	vor.u32 v3, v4  }
0x45a: {  	v4 =	vperm.xlane v3, v0;
	_ =	sdelay $0x1  }
0x45b: {  	v4 =	vadd.s32 v1, v4;
	_ =	sdelay $0x1  }
0x45c: {  	v3 =	vperm.xlane v3, v2;
	_ =	sdelay $0x1  }
0x45d: {  	s7 =	simm.s32 $0x14000;
	v3 =	vadd.s32 v1, v3  }
0x45e: {  	[tilespmem:s7], [sflag:$0x4] =	stream.indirect_vreg.gather [hbm4b:s2+s3], $0x80, v4, vm0, $0xb8;
	[tilespmem:$0x18800] =	vst v63  }
0x45f: {  	s13 =	simm.s32 $0x14800  }
0x460: {  	[tilespmem:s13], [sflag:$0x4] =	stream.indirect_vreg.gather [hbm4b:s5+s3], $0x80, v4, vm1, $0xb8;
	[tilespmem:$0x18800] =	vst v63  }
0x461: {  	s21 =	simm.s32 $0x14C00  }
0x462: {  	[tilespmem:s21], [sflag:$0x4] =	stream.indirect_vreg.gather [hbm4b:s2+s3], $0x80, v3, vm0, $0xb8;
	[tilespmem:$0x18800] =	vst v63  }
0x463: {  	_ = 	snop  }
0x464: {  	[tilespmem:s8], [sflag:$0x4] =	stream.indirect_vreg.gather [hbm4b:s5+s3], $0x80, v3, vm1, $0xb8;
	[tilespmem:$0x18800] =	vst v63  }
0x465: {  	v3 =	vld [tilespmem:$0x7A0];
	_ =	sdelay $0x4  }
0x466: {  	v62 =	vshrl.u32 v3, $0x3  }
0x467: {  	v4 =	vmul.u32 $0x18, v62  }
0x468: {  	v3 =	vand.u32 $0x7, v3  }
0x469: {  	v3 =	vor.u32 v3, v4  }
0x46a: {  	v4 =	vperm.xlane v3, v0;
	_ =	sdelay $0x1  }
0x46b: {  	v4 =	vadd.s32 v1, v4;
	_ =	sdelay $0x1  }
0x46c: {  	v3 =	vperm.xlane v3, v2;
	_ =	sdelay $0x1  }
0x46d: {  	s22 =	simm.s32 $0x15800;
	v3 =	vadd.s32 v1, v3  }
0x46e: {  	[tilespmem:s22], [sflag:$0x4] =	stream.indirect_vreg.gather [hbm4b:s2+s3], $0x80, v4, vm0, $0xb8;
	[tilespmem:$0x18800] =	vst v63  }
0x46f: {  	s16 =	simm.s32 $0x16000  }
0x470: {  	[tilespmem:s16], [sflag:$0x4] =	stream.indirect_vreg.gather [hbm4b:s5+s3], $0x80, v4, vm1, $0xb8;
	[tilespmem:$0x18800] =	vst v63  }
0x471: {  	s17 =	simm.s32 $0x16400  }
0x472: {  	[tilespmem:s17], [sflag:$0x4] =	stream.indirect_vreg.gather [hbm4b:s2+s3], $0x80, v3, vm0, $0xb8;
	[tilespmem:$0x18800] =	vst v63  }
0x473: {  	_ = 	snop  }
0x474: {  	[tilespmem:s9], [sflag:$0x4] =	stream.indirect_vreg.gather [hbm4b:s5+s3], $0x80, v3, vm1, $0xb8;
	[tilespmem:$0x18800] =	vst v63  }
0x475: {  	v3 =	vld [tilespmem:$0x7B0];
	_ =	sdelay $0x4  }
0x476: {  	v63 =	vshrl.u32 v3, $0x3  }
0x477: {  	v4 =	vmul.u32 $0x18, v63  }
0x478: {  	v3 =	vand.u32 $0x7, v3  }
0x479: {  	v3 =	vor.u32 v3, v4  }
0x47a: {  	v4 =	vperm.xlane v3, v0;
	_ =	sdelay $0x1  }
0x47b: {  	v4 =	vadd.s32 v1, v4;
	_ =	sdelay $0x1  }
0x47c: {  	v3 =	vperm.xlane v3, v2;
	_ =	sdelay $0x1  }
0x47d: {  	s18 =	simm.s32 $0x17000;
	v3 =	vadd.s32 v1, v3  }
0x47e: {  	[tilespmem:s18], [sflag:$0x4] =	stream.indirect_vreg.gather [hbm4b:s2+s3], $0x80, v4, vm0, $0xb8;
	[tilespmem:$0x18800] =	vst v63  }
0x47f: {  	s19 =	simm.s32 $0x17800  }
0x480: {  	[tilespmem:s19], [sflag:$0x4] =	stream.indirect_vreg.gather [hbm4b:s5+s3], $0x80, v4, vm1, $0xb8;
	[tilespmem:$0x18800] =	vst v63  }
0x481: {  	s20 =	simm.s32 $0x17C00  }
0x482: {  	[tilespmem:s20], [sflag:$0x4] =	stream.indirect_vreg.gather [hbm4b:s2+s3], $0x80, v3, vm0, $0xb8;
	[tilespmem:$0x18800] =	vst v63  }
0x483: {  	_ = 	snop  }
0x484: {  	[tilespmem:s10], [sflag:$0x4] =	stream.indirect_vreg.gather [hbm4b:s5+s3], $0x80, v3, vm1, $0xb8;
	[tilespmem:$0x18800] =	vst v63  }
0x485: {  	s15 =	simm.s32 $0x6800;
	s23 =	rddreg [dreg:$0x10]  }
0x486: {  	[hbm4b:s23+s3] =	stream.linear.scatter [tilespmem:s15], [sflag:$0x6], $0x6000, $0x38;
	[tilespmem:$0x18800] =	vst v63  }
0x487: {  	_ =	swait.ge [sflag:s26], $0x6000  }
0x488: {  	[sflag:s26] =	ssyncset.done $0x0  }
0x489: {  	s24 =	rddreg [dreg:$0x11];
	[sflag:s26] =	ssyncadd.s32 $0xFFFFA000  }
0x48a: {  	[hbm4b:s24+s3] =	stream.linear.scatter [tilespmem:s11], [sflag:$0x7], $0x6000, $0x38;
	[tilespmem:$0x18800] =	vst v63  }
0x48b: {  	_ =	swait.ge [sflag:s29], $0x6000  }
0x48c: {  	[sflag:s29] =	ssyncset.done $0x0  }
0x48d: {  	s25 =	rddreg [dreg:$0x12];
	[sflag:s29] =	ssyncadd.s32 $0xFFFFA000  }
0x48e: {  	[hbm4b:s25+s3] =	stream.linear.scatter [tilespmem:s14], [sflag:$0x8], $0x6000, $0x38;
	[tilespmem:$0x18800] =	vst v63  }
0x48f: {  	_ =	swait.ge [sflag:s28], $0x6000  }
0x490: {  	[sflag:s28] =	ssyncset.done $0x0  }
0x491: {  	[sflag:s28] =	ssyncadd.s32 $0xFFFFA000  }
0x492: {  	_ =	swait.ge [sflag:s30], $0x6000  }
0x493: {  	[sflag:s30] =	ssyncset.done $0x0  }
0x494: {  	[sflag:s30] =	ssyncadd.s32 $0xFFFFA000  }
0x495: {  	p0 =	sne.s32 s6, $0x1;
	_ =	swait.ge [sflag:s31], $0x6000  }
.Ltmp0:
0x496: {  	[sflag:s31] =	ssyncset.done $0x0;
	(pc) =	sbr.rel @p0 .LBB2_1-.Ltmp0, $4  }
0x497: {  	[sflag:s31] =	ssyncadd.s32 $0xFFFFA000  }
0x498: {  	_ =	swait.ge [sflag:s1], $0x6000  }
0x499: {  	[sflag:s1] =	ssyncset.done $0x0  }
0x49a: {  	s6 =	sadd.s32 $0xFFFFFFFF, s6;
	[sflag:s1] =	ssyncadd.s32 $0xFFFFA000  }
0x49b: {  	_ =	sfence.sel $0x180000  }
0x49c: {  	[bflag:$0x0] =	sbarrier.arrive $0xFFFF  }
0x49d: {  	_ =	strace $0x90000047  }
0x49e: {  	s0 =	stileid.u32;
	[bflag:$0x2] =	sbarrier.arrive $0xFFFF  }
0x49f: {  	p0 =	sne.s32 s0, $0x0;
	s0 =	rddreg [dreg:$0x2]  }
0x4a0: {  	s0 =	sadd.s32 @!p0 $0x100000, s0  }
0x4a1: {  	[sflag:s0] =	ssyncadd.tile.s32 @!p0 $0x1;
	_ =	shalt  }
.Lfunc_end2:
_tile_overlayer_lowered:
.L_overlay_start_2:
0x4a2: {  	(tag) =	ssettag $0x2  }
0x4a3: {  	s0 =	rddreg [dreg:$0x0];
	s2 =	stileid.u32  }
0x4a4: {  	s1 =	rddreg [dreg:$0x1];
	p0 =	sne.s32 s2, $0x0  }
0x4a5: {  	s3 =	rddreg [dreg:$0x2];
	[bflag:$0x3] =	sbarrier.arrive $0xFFFF;
	s2 =	simm.s32 @!p0 $0x1C09  }
0x4a6: {  	[timem:s3], [sflag:s2] =	dma.local @!p0 [hbm:s0], s1  }
0x4a7: {  	s0 =	simm.s32 @!p0 $0x9  }
0x4a8: {  	_ =	swait.ge @!p0 [sflag:s0], s1  }
0x4a9: {  	s1 =	ssub.s32 @!p0 $0x0, s1;
	[sflag:s0] =	ssyncset.done @!p0 $0x0  }
0x4aa: {  	[sflag:s0] =	ssyncadd.s32 @!p0 s1  }
0x4ab: {  	[bflag:$0x3] =	sbarrier.arrive $0xFFFF  }
0x4ac: {  	_ =	shalt  }

</sc_bundles>
